<compile_context>
chip_gen: v7x
topology: tpu7x:2x2x1
jax: 0.10.2.dev20260603
libtpu: 0.0.44.dev20260713+nightly
codegen_flags: <defaults>
</compile_context>

<pallas_src>
import functools

import jax
import jax.numpy as jnp
from jax import lax
from jax.experimental import pallas as pl
from jax.experimental.pallas import tpu as pltpu
from jax.experimental.pallas import tpu_sc as plsc

B, N, EMB = 1024, 32, 64
NUM_BUCKETS = 201
TVOL = NUM_BUCKETS * EMB

NC, NS = 2, 16
NW = NC * NS
HROW = N // 2
HCHUNK = B // 2


def _body(dist_hbm, table_hbm, out_hbm,
          dv0, dv1, buf0, buf1, table_v,
          dist_sem, store_sem0, store_sem1):
    w = lax.axis_index("s") * NC + lax.axis_index("c")
    dv = (dv0, dv1)
    buf = (buf0, buf1)
    store_sem = (store_sem0, store_sem1)

    pltpu.sync_copy(table_hbm, table_v)

    def fire_dist(h2):
        pltpu.async_copy(
            dist_hbm.at[w, pl.ds(h2 * HROW, HROW), :], dv[h2], dist_sem)

    def wait_dist(h2):
        pltpu.make_async_copy(
            dist_hbm.at[0, pl.ds(0, HROW), :], dv[h2], dist_sem).wait()

    def drain_store(h):
        pltpu.make_async_copy(
            buf[h], out_hbm.at[0, :, pl.ds(0, HCHUNK)], store_sem[h]).wait()

    def gather_chunk(h2, j16, h):
        def c_body(c, carry):
            v = dv[h2][j16, pl.ds(h * HCHUNK + c * 16, 16)]
            idx = jnp.clip(v, 0.0, float(NUM_BUCKETS - 1)).astype(jnp.int32)
            prev = None
            for e0 in range(0, EMB, 16):
                gs = [plsc.load_gather(table_v,
                                       [idx + ((e0 + j) * NUM_BUCKETS)])
                      for j in range(16)]
                if prev is not None:
                    pe0, pgs = prev
                    for j in range(16):
                        buf[h][pe0 + j, pl.ds(c * 16, 16)] = pgs[j]
                prev = (e0, gs)
            pe0, pgs = prev
            for j in range(16):
                buf[h][pe0 + j, pl.ds(c * 16, 16)] = pgs[j]
            return carry

        lax.fori_loop(0, HCHUNK // 16, c_body, 0)

    fire_dist(0)

    for h2 in range(2):
        wait_dist(h2)
        if h2 == 0:
            fire_dist(1)

        def j_body(j16, carry, h2=h2):
            blk = w * N + h2 * HROW + j16

            for h in range(2):
                if h2 == 0:
                    @pl.when(j16 >= 1)
                    def _drain():
                        drain_store(h)
                else:
                    drain_store(h)

                gather_chunk(h2, j16, h)
                pltpu.async_copy(
                    buf[h], out_hbm.at[blk, :, pl.ds(h * HCHUNK, HCHUNK)],
                    store_sem[h])
            return carry

        lax.fori_loop(0, HROW, j_body, 0)

    drain_store(0)
    drain_store(1)


def kernel(distance_matrix, table):
    dist_t = distance_matrix.transpose(1, 2, 0)
    table_flat = table.T.reshape(TVOL)
    mesh = plsc.VectorSubcoreMesh(core_axis_name="c", subcore_axis_name="s")
    k = functools.partial(
        pl.kernel,
        out_type=jax.ShapeDtypeStruct((N * N, EMB, B), jnp.float32),
        mesh=mesh,
        scratch_types=[
            pltpu.VMEM((HROW, B), jnp.float32),
            pltpu.VMEM((HROW, B), jnp.float32),
            pltpu.VMEM((EMB, HCHUNK), jnp.float32),
            pltpu.VMEM((EMB, HCHUNK), jnp.float32),
            pltpu.VMEM((TVOL,), jnp.float32),
            pltpu.SemaphoreType.DMA,
            pltpu.SemaphoreType.DMA,
            pltpu.SemaphoreType.DMA,
        ],
        compiler_params=pltpu.CompilerParams(
            use_tc_tiling_on_sc=True, needs_layout_passes=False),
    )(_body)
    out_t = k(dist_t, table_flat)
    return out_t.reshape(N, N, EMB, B).transpose(3, 0, 1, 2)

# --- scband reference (transcript-rebuilt; emitter-appended) ---
"""Pipeline reference for scband-distance-embedding-81922206204067 (READ-ONLY COPY).

The authoritative reference and input builder live on the scoring server;
editing this copy changes nothing except your own understanding.
"""

import jax, jax.numpy as jnp
import numpy as np

B, N, EMB = 1024, 32, 64
NUM_BUCKETS = 201

def setup_inputs(seed: int = 0) -> dict:
    key = jax.random.key(seed)
    k1, k2 = jax.random.split(key)
    # distance_matrix is float-valued in the torch module; values are integer distances in [0, 200]
    distance_matrix = jax.random.randint(k1, (B, N, N), 0, NUM_BUCKETS).astype(jnp.float32)
    # learned embedding table (nn.Embedding(201, embedding_dim))
    table = jax.random.normal(k2, (NUM_BUCKETS, EMB), dtype=jnp.float32)
    return {"distance_matrix": distance_matrix, "table": table}

def reference(distance_matrix, table):
    # default path: use_mlp=False -> distances_int = distance_matrix.long().clamp(0, 200)
    idx = jnp.clip(distance_matrix.astype(jnp.int32), 0, NUM_BUCKETS - 1)
    # embedded = self.distance_embedding(distances_int)
    embedded = jnp.take(table, idx, axis=0)  # (B, N, N, EMB)
    return embedded

if __name__ == "__main__":
    import jax
    _d = setup_inputs()
    print(jax.jit(kernel)(*tuple(_d.values())))

</pallas_src>

<mosaic_0001>
#map = affine_map<(d0, d1) -> (0, 0, 0)>
#map1 = affine_map<(d0, d1) -> (0)>
module attributes {stable_mosaic.version = 14 : i64} {
  func.func @_body(%arg0: i32, %arg1: i32, %arg2: memref<32x32x1024xf32, #tpu.memory_space<hbm>>, %arg3: memref<12864xf32, #tpu.memory_space<hbm>>, %arg4: memref<1024x64x1024xf32, #tpu.memory_space<hbm>>, %arg5: memref<16x1024xf32, #tpu.memory_space<vmem>>, %arg6: memref<16x1024xf32, #tpu.memory_space<vmem>>, %arg7: memref<64x512xf32, #tpu.memory_space<vmem>>, %arg8: memref<64x512xf32, #tpu.memory_space<vmem>>, %arg9: memref<12864xf32, #tpu.memory_space<vmem>>, %arg10: memref<!tpu.dma_semaphore, #tpu.memory_space<semaphore_mem>>, %arg11: memref<!tpu.dma_semaphore, #tpu.memory_space<semaphore_mem>>, %arg12: memref<!tpu.dma_semaphore, #tpu.memory_space<semaphore_mem>>) attributes {dimension_semantics = [#tpu.dimension_semantics<core_parallel>, #tpu.dimension_semantics<subcore_parallel>], iteration_bounds = array<i64: 2, 16>, scalar_prefetch = 0 : i64, scratch_operands = 8 : i64, tpu.core_type = #tpu.core_type<sc_vector_subcore>, window_params = [{transform_indices = #map}, {transform_indices = #map1}, {transform_indices = #map}]} {
    %mul3A = arith.constant 2 : i32
    %mul3A_0 = arith.muli %arg1, %mul3A : i32
    %add3A = arith.addi %mul3A_0, %arg0 : i32
    "tpu.region"() ({
      %run_scoped3A = tpu.sem_alloc : memref<!tpu.dma_semaphore, #tpu.memory_space<semaphore_mem>>
      tpu.enqueue_dma source(%arg3 : memref<12864xf32, #tpu.memory_space<hbm>>) target(%arg9 : memref<12864xf32, #tpu.memory_space<vmem>>) target_semaphore(%run_scoped3A : memref<!tpu.dma_semaphore, #tpu.memory_space<semaphore_mem>>)
      tpu.wait_dma2 semaphore(%run_scoped3A : memref<!tpu.dma_semaphore, #tpu.memory_space<semaphore_mem>>) src(%arg3 : memref<12864xf32, #tpu.memory_space<hbm>>) dst(%arg9 : memref<12864xf32, #tpu.memory_space<vmem>>)
      tpu.yield
    }) : () -> ()
    %dma_start3A = arith.constant 0 : i32
    %dma_start3A_1 = arith.constant 0 : i32
    %dma_start3A_2 = tpu.memref_slice %arg2[%add3A, %dma_start3A, %dma_start3A_1] : memref<32x32x1024xf32, #tpu.memory_space<hbm>> -> memref<1x16x1024xf32, #tpu.memory_space<hbm>>
    %dma_start3A_3 = tpu.memref_squeeze %dma_start3A_2 : memref<1x16x1024xf32, #tpu.memory_space<hbm>> -> memref<16x1024xf32, #tpu.memory_space<hbm>>
    %dma_start3A_4 = arith.constant 0 : i32
    %dma_start3A_5 = arith.constant 0 : i32
    %dma_start3A_6 = tpu.memref_slice %arg2[%add3A, %dma_start3A_4, %dma_start3A_5] : memref<32x32x1024xf32, #tpu.memory_space<hbm>> -> memref<1x16x1024xf32, #tpu.memory_space<hbm>>
    %dma_start3A_7 = tpu.memref_squeeze %dma_start3A_6 : memref<1x16x1024xf32, #tpu.memory_space<hbm>> -> memref<16x1024xf32, #tpu.memory_space<hbm>>
    tpu.enqueue_dma source(%dma_start3A_7 : memref<16x1024xf32, #tpu.memory_space<hbm>>) target(%arg5 : memref<16x1024xf32, #tpu.memory_space<vmem>>) target_semaphore(%arg10 : memref<!tpu.dma_semaphore, #tpu.memory_space<semaphore_mem>>)
    %dma_wait3A = arith.constant 0 : i32
    %dma_wait3A_8 = arith.constant 0 : i32
    %dma_wait3A_9 = arith.constant 0 : i32
    %dma_wait3A_10 = tpu.memref_slice %arg2[%dma_wait3A, %dma_wait3A_8, %dma_wait3A_9] : memref<32x32x1024xf32, #tpu.memory_space<hbm>> -> memref<1x16x1024xf32, #tpu.memory_space<hbm>>
    %dma_wait3A_11 = tpu.memref_squeeze %dma_wait3A_10 : memref<1x16x1024xf32, #tpu.memory_space<hbm>> -> memref<16x1024xf32, #tpu.memory_space<hbm>>
    %dma_wait3A_12 = arith.constant 0 : i32
    %dma_wait3A_13 = arith.constant 0 : i32
    %dma_wait3A_14 = tpu.memref_slice %arg2[%dma_wait3A, %dma_wait3A_12, %dma_wait3A_13] : memref<32x32x1024xf32, #tpu.memory_space<hbm>> -> memref<1x16x1024xf32, #tpu.memory_space<hbm>>
    %dma_wait3A_15 = tpu.memref_squeeze %dma_wait3A_14 : memref<1x16x1024xf32, #tpu.memory_space<hbm>> -> memref<16x1024xf32, #tpu.memory_space<hbm>>
    tpu.wait_dma2 semaphore(%arg10 : memref<!tpu.dma_semaphore, #tpu.memory_space<semaphore_mem>>) src(%dma_wait3A_15 : memref<16x1024xf32, #tpu.memory_space<hbm>>) dst(%arg5 : memref<16x1024xf32, #tpu.memory_space<vmem>>)
    %dma_start3A_16 = arith.constant 16 : i32
    %dma_start3A_17 = arith.constant 0 : i32
    %dma_start3A_18 = tpu.memref_slice %arg2[%add3A, %dma_start3A_16, %dma_start3A_17] : memref<32x32x1024xf32, #tpu.memory_space<hbm>> -> memref<1x16x1024xf32, #tpu.memory_space<hbm>>
    %dma_start3A_19 = tpu.memref_squeeze %dma_start3A_18 : memref<1x16x1024xf32, #tpu.memory_space<hbm>> -> memref<16x1024xf32, #tpu.memory_space<hbm>>
    %dma_start3A_20 = arith.constant 16 : i32
    %dma_start3A_21 = arith.constant 0 : i32
    %dma_start3A_22 = tpu.memref_slice %arg2[%add3A, %dma_start3A_20, %dma_start3A_21] : memref<32x32x1024xf32, #tpu.memory_space<hbm>> -> memref<1x16x1024xf32, #tpu.memory_space<hbm>>
    %dma_start3A_23 = tpu.memref_squeeze %dma_start3A_22 : memref<1x16x1024xf32, #tpu.memory_space<hbm>> -> memref<16x1024xf32, #tpu.memory_space<hbm>>
    tpu.enqueue_dma source(%dma_start3A_23 : memref<16x1024xf32, #tpu.memory_space<hbm>>) target(%arg6 : memref<16x1024xf32, #tpu.memory_space<vmem>>) target_semaphore(%arg10 : memref<!tpu.dma_semaphore, #tpu.memory_space<semaphore_mem>>)
    %scan3A = arith.constant 0 : i32
    %scan3A_24 = arith.constant 0 : i32
    %scan3A_25 = arith.constant 16 : i32
    %scan3A_26 = arith.addi %scan3A_24, %scan3A_25 : i32
    %scan3A_27 = arith.constant 1 : i32
    scf.for %scan3A_62 = %scan3A_24 to %scan3A_26 step %scan3A_27  : i32 {
      %mul3A_63 = arith.constant 32 : i32
      %mul3A_64 = arith.muli %add3A, %mul3A_63 : i32
      %add3A_65 = arith.constant 0 : i32
      %add3A_66 = arith.addi %mul3A_64, %add3A_65 : i32
      %add3A_67 = arith.addi %add3A_66, %scan3A_62 : i32
      %ge3A = arith.constant 1 : i32
      %ge3A_68 = arith.cmpi sge, %scan3A_62, %ge3A : i32
      %convert_element_type3A = arith.extui %ge3A_68 : i1 to i32
      %cond3A = arith.constant 0 : i32
      %cond3A_69 = arith.cmpi ne, %convert_element_type3A, %cond3A : i32
      scf.if %cond3A_69 {
        %dma_wait3A_103 = arith.constant 0 : i32
        %dma_wait3A_104 = arith.constant 0 : i32
        %dma_wait3A_105 = arith.constant 0 : i32
        %dma_wait3A_106 = tpu.memref_slice %arg4[%dma_wait3A_103, %dma_wait3A_104, %dma_wait3A_105] : memref<1024x64x1024xf32, #tpu.memory_space<hbm>> -> memref<1x64x512xf32, #tpu.memory_space<hbm>>
        %dma_wait3A_107 = tpu.memref_squeeze %dma_wait3A_106 : memref<1x64x512xf32, #tpu.memory_space<hbm>> -> memref<64x512xf32, #tpu.memory_space<hbm>>
        %dma_wait3A_108 = arith.constant 0 : i32
        %dma_wait3A_109 = arith.constant 0 : i32
        %dma_wait3A_110 = tpu.memref_slice %arg4[%dma_wait3A_103, %dma_wait3A_108, %dma_wait3A_109] : memref<1024x64x1024xf32, #tpu.memory_space<hbm>> -> memref<1x64x512xf32, #tpu.memory_space<hbm>>
        %dma_wait3A_111 = tpu.memref_squeeze %dma_wait3A_110 : memref<1x64x512xf32, #tpu.memory_space<hbm>> -> memref<64x512xf32, #tpu.memory_space<hbm>>
        tpu.wait_dma2 semaphore(%arg11 : memref<!tpu.dma_semaphore, #tpu.memory_space<semaphore_mem>>) src(%arg7 : memref<64x512xf32, #tpu.memory_space<vmem>>) dst(%dma_wait3A_111 : memref<64x512xf32, #tpu.memory_space<hbm>>)
      } else {
      }
      %scan3A_70 = arith.constant 0 : i32
      %scan3A_71 = arith.constant 0 : i32
      %scan3A_72 = arith.constant 32 : i32
      %scan3A_73 = arith.addi %scan3A_71, %scan3A_72 : i32
      %scan3A_74 = arith.constant 1 : i32
      scf.for %scan3A_103 = %scan3A_71 to %scan3A_73 step %scan3A_74  : i32 {
        %mul3A_104 = arith.constant 16 : i32
        %mul3A_105 = arith.muli %scan3A_103, %mul3A_104 : i32
        %add3A_106 = arith.constant 0 : i32
        %add3A_107 = arith.addi %add3A_106, %mul3A_105 : i32
        %get3A = arith.index_cast %scan3A_62 : i32 to index
        %get3A_108 = arith.index_cast %add3A_107 : i32 to index
        %get3A_109 = tpu.vector_load %arg5[%get3A, %get3A_108] {strides = array<i32>} : memref<16x1024xf32, #tpu.memory_space<vmem>>, vector<16xf32>,
        %jit3A = arith.constant 0.000000e+00 : f32
        %jit3A_110 = arith.constant 2.000000e+02 : f32
        %max3A = vector.broadcast %jit3A : f32 to vector<16xf32>
        %max3A_111 = arith.maximumf %max3A, %get3A_109 : vector<16xf32>
        %min3A = vector.broadcast %jit3A_110 : f32 to vector<16xf32>
        %min3A_112 = arith.minimumf %min3A, %max3A_111 : vector<16xf32>
        %convert_element_type3A_113 = arith.fptosi %min3A_112 : vector<16xf32> to vector<16xi32>
        %add3A_114 = arith.constant 0 : i32
        %add3A_115 = vector.broadcast %add3A_114 : i32 to vector<16xi32>
        %add3A_116 = arith.addi %convert_element_type3A_113, %add3A_115 : vector<16xi32>
        %gather3A = tpu.vector_load_idx %arg9[%add3A_116] : memref<12864xf32, #tpu.memory_space<vmem>>[vector<16xi32>], vector<16xf32>,
        %add3A_117 = arith.constant 201 : i32
        %add3A_118 = vector.broadcast %add3A_117 : i32 to vector<16xi32>
        %add3A_119 = arith.addi %convert_element_type3A_113, %add3A_118 : vector<16xi32>
        %gather3A_120 = tpu.vector_load_idx %arg9[%add3A_119] : memref<12864xf32, #tpu.memory_space<vmem>>[vector<16xi32>], vector<16xf32>,
        %add3A_121 = arith.constant 402 : i32
        %add3A_122 = vector.broadcast %add3A_121 : i32 to vector<16xi32>
        %add3A_123 = arith.addi %convert_element_type3A_113, %add3A_122 : vector<16xi32>
        %gather3A_124 = tpu.vector_load_idx %arg9[%add3A_123] : memref<12864xf32, #tpu.memory_space<vmem>>[vector<16xi32>], vector<16xf32>,
        %add3A_125 = arith.constant 603 : i32
        %add3A_126 = vector.broadcast %add3A_125 : i32 to vector<16xi32>
        %add3A_127 = arith.addi %convert_element_type3A_113, %add3A_126 : vector<16xi32>
        %gather3A_128 = tpu.vector_load_idx %arg9[%add3A_127] : memref<12864xf32, #tpu.memory_space<vmem>>[vector<16xi32>], vector<16xf32>,
        %add3A_129 = arith.constant 804 : i32
        %add3A_130 = vector.broadcast %add3A_129 : i32 to vector<16xi32>
        %add3A_131 = arith.addi %convert_element_type3A_113, %add3A_130 : vector<16xi32>
        %gather3A_132 = tpu.vector_load_idx %arg9[%add3A_131] : memref<12864xf32, #tpu.memory_space<vmem>>[vector<16xi32>], vector<16xf32>,
        %add3A_133 = arith.constant 1005 : i32
        %add3A_134 = vector.broadcast %add3A_133 : i32 to vector<16xi32>
        %add3A_135 = arith.addi %convert_element_type3A_113, %add3A_134 : vector<16xi32>
        %gather3A_136 = tpu.vector_load_idx %arg9[%add3A_135] : memref<12864xf32, #tpu.memory_space<vmem>>[vector<16xi32>], vector<16xf32>,
        %add3A_137 = arith.constant 1206 : i32
        %add3A_138 = vector.broadcast %add3A_137 : i32 to vector<16xi32>
        %add3A_139 = arith.addi %convert_element_type3A_113, %add3A_138 : vector<16xi32>
        %gather3A_140 = tpu.vector_load_idx %arg9[%add3A_139] : memref<12864xf32, #tpu.memory_space<vmem>>[vector<16xi32>], vector<16xf32>,
        %add3A_141 = arith.constant 1407 : i32
        %add3A_142 = vector.broadcast %add3A_141 : i32 to vector<16xi32>
        %add3A_143 = arith.addi %convert_element_type3A_113, %add3A_142 : vector<16xi32>
        %gather3A_144 = tpu.vector_load_idx %arg9[%add3A_143] : memref<12864xf32, #tpu.memory_space<vmem>>[vector<16xi32>], vector<16xf32>,
        %add3A_145 = arith.constant 1608 : i32
        %add3A_146 = vector.broadcast %add3A_145 : i32 to vector<16xi32>
        %add3A_147 = arith.addi %convert_element_type3A_113, %add3A_146 : vector<16xi32>
        %gather3A_148 = tpu.vector_load_idx %arg9[%add3A_147] : memref<12864xf32, #tpu.memory_space<vmem>>[vector<16xi32>], vector<16xf32>,
        %add3A_149 = arith.constant 1809 : i32
        %add3A_150 = vector.broadcast %add3A_149 : i32 to vector<16xi32>
        %add3A_151 = arith.addi %convert_element_type3A_113, %add3A_150 : vector<16xi32>
        %gather3A_152 = tpu.vector_load_idx %arg9[%add3A_151] : memref<12864xf32, #tpu.memory_space<vmem>>[vector<16xi32>], vector<16xf32>,
        %add3A_153 = arith.constant 2010 : i32
        %add3A_154 = vector.broadcast %add3A_153 : i32 to vector<16xi32>
        %add3A_155 = arith.addi %convert_element_type3A_113, %add3A_154 : vector<16xi32>
        %gather3A_156 = tpu.vector_load_idx %arg9[%add3A_155] : memref<12864xf32, #tpu.memory_space<vmem>>[vector<16xi32>], vector<16xf32>,
        %add3A_157 = arith.constant 2211 : i32
        %add3A_158 = vector.broadcast %add3A_157 : i32 to vector<16xi32>
        %add3A_159 = arith.addi %convert_element_type3A_113, %add3A_158 : vector<16xi32>
        %gather3A_160 = tpu.vector_load_idx %arg9[%add3A_159] : memref<12864xf32, #tpu.memory_space<vmem>>[vector<16xi32>], vector<16xf32>,
        %add3A_161 = arith.constant 2412 : i32
        %add3A_162 = vector.broadcast %add3A_161 : i32 to vector<16xi32>
        %add3A_163 = arith.addi %convert_element_type3A_113, %add3A_162 : vector<16xi32>
        %gather3A_164 = tpu.vector_load_idx %arg9[%add3A_163] : memref<12864xf32, #tpu.memory_space<vmem>>[vector<16xi32>], vector<16xf32>,
        %add3A_165 = arith.constant 2613 : i32
        %add3A_166 = vector.broadcast %add3A_165 : i32 to vector<16xi32>
        %add3A_167 = arith.addi %convert_element_type3A_113, %add3A_166 : vector<16xi32>
        %gather3A_168 = tpu.vector_load_idx %arg9[%add3A_167] : memref<12864xf32, #tpu.memory_space<vmem>>[vector<16xi32>], vector<16xf32>,
        %add3A_169 = arith.constant 2814 : i32
        %add3A_170 = vector.broadcast %add3A_169 : i32 to vector<16xi32>
        %add3A_171 = arith.addi %convert_element_type3A_113, %add3A_170 : vector<16xi32>
        %gather3A_172 = tpu.vector_load_idx %arg9[%add3A_171] : memref<12864xf32, #tpu.memory_space<vmem>>[vector<16xi32>], vector<16xf32>,
        %add3A_173 = arith.constant 3015 : i32
        %add3A_174 = vector.broadcast %add3A_173 : i32 to vector<16xi32>
        %add3A_175 = arith.addi %convert_element_type3A_113, %add3A_174 : vector<16xi32>
        %gather3A_176 = tpu.vector_load_idx %arg9[%add3A_175] : memref<12864xf32, #tpu.memory_space<vmem>>[vector<16xi32>], vector<16xf32>,
        %add3A_177 = arith.constant 3216 : i32
        %add3A_178 = vector.broadcast %add3A_177 : i32 to vector<16xi32>
        %add3A_179 = arith.addi %convert_element_type3A_113, %add3A_178 : vector<16xi32>
        %gather3A_180 = tpu.vector_load_idx %arg9[%add3A_179] : memref<12864xf32, #tpu.memory_space<vmem>>[vector<16xi32>], vector<16xf32>,
        %add3A_181 = arith.constant 3417 : i32
        %add3A_182 = vector.broadcast %add3A_181 : i32 to vector<16xi32>
        %add3A_183 = arith.addi %convert_element_type3A_113, %add3A_182 : vector<16xi32>
        %gather3A_184 = tpu.vector_load_idx %arg9[%add3A_183] : memref<12864xf32, #tpu.memory_space<vmem>>[vector<16xi32>], vector<16xf32>,
        %add3A_185 = arith.constant 3618 : i32
        %add3A_186 = vector.broadcast %add3A_185 : i32 to vector<16xi32>
        %add3A_187 = arith.addi %convert_element_type3A_113, %add3A_186 : vector<16xi32>
        %gather3A_188 = tpu.vector_load_idx %arg9[%add3A_187] : memref<12864xf32, #tpu.memory_space<vmem>>[vector<16xi32>], vector<16xf32>,
        %add3A_189 = arith.constant 3819 : i32
        %add3A_190 = vector.broadcast %add3A_189 : i32 to vector<16xi32>
        %add3A_191 = arith.addi %convert_element_type3A_113, %add3A_190 : vector<16xi32>
        %gather3A_192 = tpu.vector_load_idx %arg9[%add3A_191] : memref<12864xf32, #tpu.memory_space<vmem>>[vector<16xi32>], vector<16xf32>,
        %add3A_193 = arith.constant 4020 : i32
        %add3A_194 = vector.broadcast %add3A_193 : i32 to vector<16xi32>
        %add3A_195 = arith.addi %convert_element_type3A_113, %add3A_194 : vector<16xi32>
        %gather3A_196 = tpu.vector_load_idx %arg9[%add3A_195] : memref<12864xf32, #tpu.memory_space<vmem>>[vector<16xi32>], vector<16xf32>,
        %add3A_197 = arith.constant 4221 : i32
        %add3A_198 = vector.broadcast %add3A_197 : i32 to vector<16xi32>
        %add3A_199 = arith.addi %convert_element_type3A_113, %add3A_198 : vector<16xi32>
        %gather3A_200 = tpu.vector_load_idx %arg9[%add3A_199] : memref<12864xf32, #tpu.memory_space<vmem>>[vector<16xi32>], vector<16xf32>,
        %add3A_201 = arith.constant 4422 : i32
        %add3A_202 = vector.broadcast %add3A_201 : i32 to vector<16xi32>
        %add3A_203 = arith.addi %convert_element_type3A_113, %add3A_202 : vector<16xi32>
        %gather3A_204 = tpu.vector_load_idx %arg9[%add3A_203] : memref<12864xf32, #tpu.memory_space<vmem>>[vector<16xi32>], vector<16xf32>,
        %add3A_205 = arith.constant 4623 : i32
        %add3A_206 = vector.broadcast %add3A_205 : i32 to vector<16xi32>
        %add3A_207 = arith.addi %convert_element_type3A_113, %add3A_206 : vector<16xi32>
        %gather3A_208 = tpu.vector_load_idx %arg9[%add3A_207] : memref<12864xf32, #tpu.memory_space<vmem>>[vector<16xi32>], vector<16xf32>,
        %add3A_209 = arith.constant 4824 : i32
        %add3A_210 = vector.broadcast %add3A_209 : i32 to vector<16xi32>
        %add3A_211 = arith.addi %convert_element_type3A_113, %add3A_210 : vector<16xi32>
        %gather3A_212 = tpu.vector_load_idx %arg9[%add3A_211] : memref<12864xf32, #tpu.memory_space<vmem>>[vector<16xi32>], vector<16xf32>,
        %add3A_213 = arith.constant 5025 : i32
        %add3A_214 = vector.broadcast %add3A_213 : i32 to vector<16xi32>
        %add3A_215 = arith.addi %convert_element_type3A_113, %add3A_214 : vector<16xi32>
        %gather3A_216 = tpu.vector_load_idx %arg9[%add3A_215] : memref<12864xf32, #tpu.memory_space<vmem>>[vector<16xi32>], vector<16xf32>,
        %add3A_217 = arith.constant 5226 : i32
        %add3A_218 = vector.broadcast %add3A_217 : i32 to vector<16xi32>
        %add3A_219 = arith.addi %convert_element_type3A_113, %add3A_218 : vector<16xi32>
        %gather3A_220 = tpu.vector_load_idx %arg9[%add3A_219] : memref<12864xf32, #tpu.memory_space<vmem>>[vector<16xi32>], vector<16xf32>,
        %add3A_221 = arith.constant 5427 : i32
        %add3A_222 = vector.broadcast %add3A_221 : i32 to vector<16xi32>
        %add3A_223 = arith.addi %convert_element_type3A_113, %add3A_222 : vector<16xi32>
        %gather3A_224 = tpu.vector_load_idx %arg9[%add3A_223] : memref<12864xf32, #tpu.memory_space<vmem>>[vector<16xi32>], vector<16xf32>,
        %add3A_225 = arith.constant 5628 : i32
        %add3A_226 = vector.broadcast %add3A_225 : i32 to vector<16xi32>
        %add3A_227 = arith.addi %convert_element_type3A_113, %add3A_226 : vector<16xi32>
        %gather3A_228 = tpu.vector_load_idx %arg9[%add3A_227] : memref<12864xf32, #tpu.memory_space<vmem>>[vector<16xi32>], vector<16xf32>,
        %add3A_229 = arith.constant 5829 : i32
        %add3A_230 = vector.broadcast %add3A_229 : i32 to vector<16xi32>
        %add3A_231 = arith.addi %convert_element_type3A_113, %add3A_230 : vector<16xi32>
        %gather3A_232 = tpu.vector_load_idx %arg9[%add3A_231] : memref<12864xf32, #tpu.memory_space<vmem>>[vector<16xi32>], vector<16xf32>,
        %add3A_233 = arith.constant 6030 : i32
        %add3A_234 = vector.broadcast %add3A_233 : i32 to vector<16xi32>
        %add3A_235 = arith.addi %convert_element_type3A_113, %add3A_234 : vector<16xi32>
        %gather3A_236 = tpu.vector_load_idx %arg9[%add3A_235] : memref<12864xf32, #tpu.memory_space<vmem>>[vector<16xi32>], vector<16xf32>,
        %add3A_237 = arith.constant 6231 : i32
        %add3A_238 = vector.broadcast %add3A_237 : i32 to vector<16xi32>
        %add3A_239 = arith.addi %convert_element_type3A_113, %add3A_238 : vector<16xi32>
        %gather3A_240 = tpu.vector_load_idx %arg9[%add3A_239] : memref<12864xf32, #tpu.memory_space<vmem>>[vector<16xi32>], vector<16xf32>,
        %mul3A_241 = arith.constant 16 : i32
        %mul3A_242 = arith.muli %scan3A_103, %mul3A_241 : i32
        %swap3A = arith.constant 0 : i32
        %swap3A_243 = arith.index_cast %swap3A : i32 to index
        %swap3A_244 = arith.index_cast %mul3A_242 : i32 to index
        %swap3A_245 = tpu.vector_load %arg7[%swap3A_243, %swap3A_244] {strides = array<i32>} : memref<64x512xf32, #tpu.memory_space<vmem>>, vector<16xf32>,
        tpu.vector_store %arg7[%swap3A_243, %swap3A_244], %gather3A {strides = array<i32>} : memref<64x512xf32, #tpu.memory_space<vmem>>, vector<16xf32>,
        %mul3A_246 = arith.constant 16 : i32
        %mul3A_247 = arith.muli %scan3A_103, %mul3A_246 : i32
        %swap3A_248 = arith.constant 1 : i32
        %swap3A_249 = arith.index_cast %swap3A_248 : i32 to index
        %swap3A_250 = arith.index_cast %mul3A_247 : i32 to index
        %swap3A_251 = tpu.vector_load %arg7[%swap3A_249, %swap3A_250] {strides = array<i32>} : memref<64x512xf32, #tpu.memory_space<vmem>>, vector<16xf32>,
        tpu.vector_store %arg7[%swap3A_249, %swap3A_250], %gather3A_120 {strides = array<i32>} : memref<64x512xf32, #tpu.memory_space<vmem>>, vector<16xf32>,
        %mul3A_252 = arith.constant 16 : i32
        %mul3A_253 = arith.muli %scan3A_103, %mul3A_252 : i32
        %swap3A_254 = arith.constant 2 : i32
        %swap3A_255 = arith.index_cast %swap3A_254 : i32 to index
        %swap3A_256 = arith.index_cast %mul3A_253 : i32 to index
        %swap3A_257 = tpu.vector_load %arg7[%swap3A_255, %swap3A_256] {strides = array<i32>} : memref<64x512xf32, #tpu.memory_space<vmem>>, vector<16xf32>,
        tpu.vector_store %arg7[%swap3A_255, %swap3A_256], %gather3A_124 {strides = array<i32>} : memref<64x512xf32, #tpu.memory_space<vmem>>, vector<16xf32>,
        %mul3A_258 = arith.constant 16 : i32
        %mul3A_259 = arith.muli %scan3A_103, %mul3A_258 : i32
        %swap3A_260 = arith.constant 3 : i32
        %swap3A_261 = arith.index_cast %swap3A_260 : i32 to index
        %swap3A_262 = arith.index_cast %mul3A_259 : i32 to index
        %swap3A_263 = tpu.vector_load %arg7[%swap3A_261, %swap3A_262] {strides = array<i32>} : memref<64x512xf32, #tpu.memory_space<vmem>>, vector<16xf32>,
        tpu.vector_store %arg7[%swap3A_261, %swap3A_262], %gather3A_128 {strides = array<i32>} : memref<64x512xf32, #tpu.memory_space<vmem>>, vector<16xf32>,
        %mul3A_264 = arith.constant 16 : i32
        %mul3A_265 = arith.muli %scan3A_103, %mul3A_264 : i32
        %swap3A_266 = arith.constant 4 : i32
        %swap3A_267 = arith.index_cast %swap3A_266 : i32 to index
        %swap3A_268 = arith.index_cast %mul3A_265 : i32 to index
        %swap3A_269 = tpu.vector_load %arg7[%swap3A_267, %swap3A_268] {strides = array<i32>} : memref<64x512xf32, #tpu.memory_space<vmem>>, vector<16xf32>,
        tpu.vector_store %arg7[%swap3A_267, %swap3A_268], %gather3A_132 {strides = array<i32>} : memref<64x512xf32, #tpu.memory_space<vmem>>, vector<16xf32>,
        %mul3A_270 = arith.constant 16 : i32
        %mul3A_271 = arith.muli %scan3A_103, %mul3A_270 : i32
        %swap3A_272 = arith.constant 5 : i32
        %swap3A_273 = arith.index_cast %swap3A_272 : i32 to index
        %swap3A_274 = arith.index_cast %mul3A_271 : i32 to index
        %swap3A_275 = tpu.vector_load %arg7[%swap3A_273, %swap3A_274] {strides = array<i32>} : memref<64x512xf32, #tpu.memory_space<vmem>>, vector<16xf32>,
        tpu.vector_store %arg7[%swap3A_273, %swap3A_274], %gather3A_136 {strides = array<i32>} : memref<64x512xf32, #tpu.memory_space<vmem>>, vector<16xf32>,
        %mul3A_276 = arith.constant 16 : i32
        %mul3A_277 = arith.muli %scan3A_103, %mul3A_276 : i32
        %swap3A_278 = arith.constant 6 : i32
        %swap3A_279 = arith.index_cast %swap3A_278 : i32 to index
        %swap3A_280 = arith.index_cast %mul3A_277 : i32 to index
        %swap3A_281 = tpu.vector_load %arg7[%swap3A_279, %swap3A_280] {strides = array<i32>} : memref<64x512xf32, #tpu.memory_space<vmem>>, vector<16xf32>,
        tpu.vector_store %arg7[%swap3A_279, %swap3A_280], %gather3A_140 {strides = array<i32>} : memref<64x512xf32, #tpu.memory_space<vmem>>, vector<16xf32>,
        %mul3A_282 = arith.constant 16 : i32
        %mul3A_283 = arith.muli %scan3A_103, %mul3A_282 : i32
        %swap3A_284 = arith.constant 7 : i32
        %swap3A_285 = arith.index_cast %swap3A_284 : i32 to index
        %swap3A_286 = arith.index_cast %mul3A_283 : i32 to index
        %swap3A_287 = tpu.vector_load %arg7[%swap3A_285, %swap3A_286] {strides = array<i32>} : memref<64x512xf32, #tpu.memory_space<vmem>>, vector<16xf32>,
        tpu.vector_store %arg7[%swap3A_285, %swap3A_286], %gather3A_144 {strides = array<i32>} : memref<64x512xf32, #tpu.memory_space<vmem>>, vector<16xf32>,
        %mul3A_288 = arith.constant 16 : i32
        %mul3A_289 = arith.muli %scan3A_103, %mul3A_288 : i32
        %swap3A_290 = arith.constant 8 : i32
        %swap3A_291 = arith.index_cast %swap3A_290 : i32 to index
        %swap3A_292 = arith.index_cast %mul3A_289 : i32 to index
        %swap3A_293 = tpu.vector_load %arg7[%swap3A_291, %swap3A_292] {strides = array<i32>} : memref<64x512xf32, #tpu.memory_space<vmem>>, vector<16xf32>,
        tpu.vector_store %arg7[%swap3A_291, %swap3A_292], %gather3A_148 {strides = array<i32>} : memref<64x512xf32, #tpu.memory_space<vmem>>, vector<16xf32>,
        %mul3A_294 = arith.constant 16 : i32
        %mul3A_295 = arith.muli %scan3A_103, %mul3A_294 : i32
        %swap3A_296 = arith.constant 9 : i32
        %swap3A_297 = arith.index_cast %swap3A_296 : i32 to index
        %swap3A_298 = arith.index_cast %mul3A_295 : i32 to index
        %swap3A_299 = tpu.vector_load %arg7[%swap3A_297, %swap3A_298] {strides = array<i32>} : memref<64x512xf32, #tpu.memory_space<vmem>>, vector<16xf32>,
        tpu.vector_store %arg7[%swap3A_297, %swap3A_298], %gather3A_152 {strides = array<i32>} : memref<64x512xf32, #tpu.memory_space<vmem>>, vector<16xf32>,
        %mul3A_300 = arith.constant 16 : i32
        %mul3A_301 = arith.muli %scan3A_103, %mul3A_300 : i32
        %swap3A_302 = arith.constant 10 : i32
        %swap3A_303 = arith.index_cast %swap3A_302 : i32 to index
        %swap3A_304 = arith.index_cast %mul3A_301 : i32 to index
        %swap3A_305 = tpu.vector_load %arg7[%swap3A_303, %swap3A_304] {strides = array<i32>} : memref<64x512xf32, #tpu.memory_space<vmem>>, vector<16xf32>,
        tpu.vector_store %arg7[%swap3A_303, %swap3A_304], %gather3A_156 {strides = array<i32>} : memref<64x512xf32, #tpu.memory_space<vmem>>, vector<16xf32>,
        %mul3A_306 = arith.constant 16 : i32
        %mul3A_307 = arith.muli %scan3A_103, %mul3A_306 : i32
        %swap3A_308 = arith.constant 11 : i32
        %swap3A_309 = arith.index_cast %swap3A_308 : i32 to index
        %swap3A_310 = arith.index_cast %mul3A_307 : i32 to index
        %swap3A_311 = tpu.vector_load %arg7[%swap3A_309, %swap3A_310] {strides = array<i32>} : memref<64x512xf32, #tpu.memory_space<vmem>>, vector<16xf32>,
        tpu.vector_store %arg7[%swap3A_309, %swap3A_310], %gather3A_160 {strides = array<i32>} : memref<64x512xf32, #tpu.memory_space<vmem>>, vector<16xf32>,
        %mul3A_312 = arith.constant 16 : i32
        %mul3A_313 = arith.muli %scan3A_103, %mul3A_312 : i32
        %swap3A_314 = arith.constant 12 : i32
        %swap3A_315 = arith.index_cast %swap3A_314 : i32 to index
        %swap3A_316 = arith.index_cast %mul3A_313 : i32 to index
        %swap3A_317 = tpu.vector_load %arg7[%swap3A_315, %swap3A_316] {strides = array<i32>} : memref<64x512xf32, #tpu.memory_space<vmem>>, vector<16xf32>,
        tpu.vector_store %arg7[%swap3A_315, %swap3A_316], %gather3A_164 {strides = array<i32>} : memref<64x512xf32, #tpu.memory_space<vmem>>, vector<16xf32>,
        %mul3A_318 = arith.constant 16 : i32
        %mul3A_319 = arith.muli %scan3A_103, %mul3A_318 : i32
        %swap3A_320 = arith.constant 13 : i32
        %swap3A_321 = arith.index_cast %swap3A_320 : i32 to index
        %swap3A_322 = arith.index_cast %mul3A_319 : i32 to index
        %swap3A_323 = tpu.vector_load %arg7[%swap3A_321, %swap3A_322] {strides = array<i32>} : memref<64x512xf32, #tpu.memory_space<vmem>>, vector<16xf32>,
        tpu.vector_store %arg7[%swap3A_321, %swap3A_322], %gather3A_168 {strides = array<i32>} : memref<64x512xf32, #tpu.memory_space<vmem>>, vector<16xf32>,
        %mul3A_324 = arith.constant 16 : i32
        %mul3A_325 = arith.muli %scan3A_103, %mul3A_324 : i32
        %swap3A_326 = arith.constant 14 : i32
        %swap3A_327 = arith.index_cast %swap3A_326 : i32 to index
        %swap3A_328 = arith.index_cast %mul3A_325 : i32 to index
        %swap3A_329 = tpu.vector_load %arg7[%swap3A_327, %swap3A_328] {strides = array<i32>} : memref<64x512xf32, #tpu.memory_space<vmem>>, vector<16xf32>,
        tpu.vector_store %arg7[%swap3A_327, %swap3A_328], %gather3A_172 {strides = array<i32>} : memref<64x512xf32, #tpu.memory_space<vmem>>, vector<16xf32>,
        %mul3A_330 = arith.constant 16 : i32
        %mul3A_331 = arith.muli %scan3A_103, %mul3A_330 : i32
        %swap3A_332 = arith.constant 15 : i32
        %swap3A_333 = arith.index_cast %swap3A_332 : i32 to index
        %swap3A_334 = arith.index_cast %mul3A_331 : i32 to index
        %swap3A_335 = tpu.vector_load %arg7[%swap3A_333, %swap3A_334] {strides = array<i32>} : memref<64x512xf32, #tpu.memory_space<vmem>>, vector<16xf32>,
        tpu.vector_store %arg7[%swap3A_333, %swap3A_334], %gather3A_176 {strides = array<i32>} : memref<64x512xf32, #tpu.memory_space<vmem>>, vector<16xf32>,
        %add3A_336 = arith.constant 6432 : i32
        %add3A_337 = vector.broadcast %add3A_336 : i32 to vector<16xi32>
        %add3A_338 = arith.addi %convert_element_type3A_113, %add3A_337 : vector<16xi32>
        %gather3A_339 = tpu.vector_load_idx %arg9[%add3A_338] : memref<12864xf32, #tpu.memory_space<vmem>>[vector<16xi32>], vector<16xf32>,
        %add3A_340 = arith.constant 6633 : i32
        %add3A_341 = vector.broadcast %add3A_340 : i32 to vector<16xi32>
        %add3A_342 = arith.addi %convert_element_type3A_113, %add3A_341 : vector<16xi32>
        %gather3A_343 = tpu.vector_load_idx %arg9[%add3A_342] : memref<12864xf32, #tpu.memory_space<vmem>>[vector<16xi32>], vector<16xf32>,
        %add3A_344 = arith.constant 6834 : i32
        %add3A_345 = vector.broadcast %add3A_344 : i32 to vector<16xi32>
        %add3A_346 = arith.addi %convert_element_type3A_113, %add3A_345 : vector<16xi32>
        %gather3A_347 = tpu.vector_load_idx %arg9[%add3A_346] : memref<12864xf32, #tpu.memory_space<vmem>>[vector<16xi32>], vector<16xf32>,
        %add3A_348 = arith.constant 7035 : i32
        %add3A_349 = vector.broadcast %add3A_348 : i32 to vector<16xi32>
        %add3A_350 = arith.addi %convert_element_type3A_113, %add3A_349 : vector<16xi32>
        %gather3A_351 = tpu.vector_load_idx %arg9[%add3A_350] : memref<12864xf32, #tpu.memory_space<vmem>>[vector<16xi32>], vector<16xf32>,
        %add3A_352 = arith.constant 7236 : i32
        %add3A_353 = vector.broadcast %add3A_352 : i32 to vector<16xi32>
        %add3A_354 = arith.addi %convert_element_type3A_113, %add3A_353 : vector<16xi32>
        %gather3A_355 = tpu.vector_load_idx %arg9[%add3A_354] : memref<12864xf32, #tpu.memory_space<vmem>>[vector<16xi32>], vector<16xf32>,
        %add3A_356 = arith.constant 7437 : i32
        %add3A_357 = vector.broadcast %add3A_356 : i32 to vector<16xi32>
        %add3A_358 = arith.addi %convert_element_type3A_113, %add3A_357 : vector<16xi32>
        %gather3A_359 = tpu.vector_load_idx %arg9[%add3A_358] : memref<12864xf32, #tpu.memory_space<vmem>>[vector<16xi32>], vector<16xf32>,
        %add3A_360 = arith.constant 7638 : i32
        %add3A_361 = vector.broadcast %add3A_360 : i32 to vector<16xi32>
        %add3A_362 = arith.addi %convert_element_type3A_113, %add3A_361 : vector<16xi32>
        %gather3A_363 = tpu.vector_load_idx %arg9[%add3A_362] : memref<12864xf32, #tpu.memory_space<vmem>>[vector<16xi32>], vector<16xf32>,
        %add3A_364 = arith.constant 7839 : i32
        %add3A_365 = vector.broadcast %add3A_364 : i32 to vector<16xi32>
        %add3A_366 = arith.addi %convert_element_type3A_113, %add3A_365 : vector<16xi32>
        %gather3A_367 = tpu.vector_load_idx %arg9[%add3A_366] : memref<12864xf32, #tpu.memory_space<vmem>>[vector<16xi32>], vector<16xf32>,
        %add3A_368 = arith.constant 8040 : i32
        %add3A_369 = vector.broadcast %add3A_368 : i32 to vector<16xi32>
        %add3A_370 = arith.addi %convert_element_type3A_113, %add3A_369 : vector<16xi32>
        %gather3A_371 = tpu.vector_load_idx %arg9[%add3A_370] : memref<12864xf32, #tpu.memory_space<vmem>>[vector<16xi32>], vector<16xf32>,
        %add3A_372 = arith.constant 8241 : i32
        %add3A_373 = vector.broadcast %add3A_372 : i32 to vector<16xi32>
        %add3A_374 = arith.addi %convert_element_type3A_113, %add3A_373 : vector<16xi32>
        %gather3A_375 = tpu.vector_load_idx %arg9[%add3A_374] : memref<12864xf32, #tpu.memory_space<vmem>>[vector<16xi32>], vector<16xf32>,
        %add3A_376 = arith.constant 8442 : i32
        %add3A_377 = vector.broadcast %add3A_376 : i32 to vector<16xi32>
        %add3A_378 = arith.addi %convert_element_type3A_113, %add3A_377 : vector<16xi32>
        %gather3A_379 = tpu.vector_load_idx %arg9[%add3A_378] : memref<12864xf32, #tpu.memory_space<vmem>>[vector<16xi32>], vector<16xf32>,
        %add3A_380 = arith.constant 8643 : i32
        %add3A_381 = vector.broadcast %add3A_380 : i32 to vector<16xi32>
        %add3A_382 = arith.addi %convert_element_type3A_113, %add3A_381 : vector<16xi32>
        %gather3A_383 = tpu.vector_load_idx %arg9[%add3A_382] : memref<12864xf32, #tpu.memory_space<vmem>>[vector<16xi32>], vector<16xf32>,
        %add3A_384 = arith.constant 8844 : i32
        %add3A_385 = vector.broadcast %add3A_384 : i32 to vector<16xi32>
        %add3A_386 = arith.addi %convert_element_type3A_113, %add3A_385 : vector<16xi32>
        %gather3A_387 = tpu.vector_load_idx %arg9[%add3A_386] : memref<12864xf32, #tpu.memory_space<vmem>>[vector<16xi32>], vector<16xf32>,
        %add3A_388 = arith.constant 9045 : i32
        %add3A_389 = vector.broadcast %add3A_388 : i32 to vector<16xi32>
        %add3A_390 = arith.addi %convert_element_type3A_113, %add3A_389 : vector<16xi32>
        %gather3A_391 = tpu.vector_load_idx %arg9[%add3A_390] : memref<12864xf32, #tpu.memory_space<vmem>>[vector<16xi32>], vector<16xf32>,
        %add3A_392 = arith.constant 9246 : i32
        %add3A_393 = vector.broadcast %add3A_392 : i32 to vector<16xi32>
        %add3A_394 = arith.addi %convert_element_type3A_113, %add3A_393 : vector<16xi32>
        %gather3A_395 = tpu.vector_load_idx %arg9[%add3A_394] : memref<12864xf32, #tpu.memory_space<vmem>>[vector<16xi32>], vector<16xf32>,
        %add3A_396 = arith.constant 9447 : i32
        %add3A_397 = vector.broadcast %add3A_396 : i32 to vector<16xi32>
        %add3A_398 = arith.addi %convert_element_type3A_113, %add3A_397 : vector<16xi32>
        %gather3A_399 = tpu.vector_load_idx %arg9[%add3A_398] : memref<12864xf32, #tpu.memory_space<vmem>>[vector<16xi32>], vector<16xf32>,
        %mul3A_400 = arith.constant 16 : i32
        %mul3A_401 = arith.muli %scan3A_103, %mul3A_400 : i32
        %swap3A_402 = arith.constant 16 : i32
        %swap3A_403 = arith.index_cast %swap3A_402 : i32 to index
        %swap3A_404 = arith.index_cast %mul3A_401 : i32 to index
        %swap3A_405 = tpu.vector_load %arg7[%swap3A_403, %swap3A_404] {strides = array<i32>} : memref<64x512xf32, #tpu.memory_space<vmem>>, vector<16xf32>,
        tpu.vector_store %arg7[%swap3A_403, %swap3A_404], %gather3A_180 {strides = array<i32>} : memref<64x512xf32, #tpu.memory_space<vmem>>, vector<16xf32>,
        %mul3A_406 = arith.constant 16 : i32
        %mul3A_407 = arith.muli %scan3A_103, %mul3A_406 : i32
        %swap3A_408 = arith.constant 17 : i32
        %swap3A_409 = arith.index_cast %swap3A_408 : i32 to index
        %swap3A_410 = arith.index_cast %mul3A_407 : i32 to index
        %swap3A_411 = tpu.vector_load %arg7[%swap3A_409, %swap3A_410] {strides = array<i32>} : memref<64x512xf32, #tpu.memory_space<vmem>>, vector<16xf32>,
        tpu.vector_store %arg7[%swap3A_409, %swap3A_410], %gather3A_184 {strides = array<i32>} : memref<64x512xf32, #tpu.memory_space<vmem>>, vector<16xf32>,
        %mul3A_412 = arith.constant 16 : i32
        %mul3A_413 = arith.muli %scan3A_103, %mul3A_412 : i32
        %swap3A_414 = arith.constant 18 : i32
        %swap3A_415 = arith.index_cast %swap3A_414 : i32 to index
        %swap3A_416 = arith.index_cast %mul3A_413 : i32 to index
        %swap3A_417 = tpu.vector_load %arg7[%swap3A_415, %swap3A_416] {strides = array<i32>} : memref<64x512xf32, #tpu.memory_space<vmem>>, vector<16xf32>,
        tpu.vector_store %arg7[%swap3A_415, %swap3A_416], %gather3A_188 {strides = array<i32>} : memref<64x512xf32, #tpu.memory_space<vmem>>, vector<16xf32>,
        %mul3A_418 = arith.constant 16 : i32
        %mul3A_419 = arith.muli %scan3A_103, %mul3A_418 : i32
        %swap3A_420 = arith.constant 19 : i32
        %swap3A_421 = arith.index_cast %swap3A_420 : i32 to index
        %swap3A_422 = arith.index_cast %mul3A_419 : i32 to index
        %swap3A_423 = tpu.vector_load %arg7[%swap3A_421, %swap3A_422] {strides = array<i32>} : memref<64x512xf32, #tpu.memory_space<vmem>>, vector<16xf32>,
        tpu.vector_store %arg7[%swap3A_421, %swap3A_422], %gather3A_192 {strides = array<i32>} : memref<64x512xf32, #tpu.memory_space<vmem>>, vector<16xf32>,
        %mul3A_424 = arith.constant 16 : i32
        %mul3A_425 = arith.muli %scan3A_103, %mul3A_424 : i32
        %swap3A_426 = arith.constant 20 : i32
        %swap3A_427 = arith.index_cast %swap3A_426 : i32 to index
        %swap3A_428 = arith.index_cast %mul3A_425 : i32 to index
        %swap3A_429 = tpu.vector_load %arg7[%swap3A_427, %swap3A_428] {strides = array<i32>} : memref<64x512xf32, #tpu.memory_space<vmem>>, vector<16xf32>,
        tpu.vector_store %arg7[%swap3A_427, %swap3A_428], %gather3A_196 {strides = array<i32>} : memref<64x512xf32, #tpu.memory_space<vmem>>, vector<16xf32>,
        %mul3A_430 = arith.constant 16 : i32
        %mul3A_431 = arith.muli %scan3A_103, %mul3A_430 : i32
        %swap3A_432 = arith.constant 21 : i32
        %swap3A_433 = arith.index_cast %swap3A_432 : i32 to index
        %swap3A_434 = arith.index_cast %mul3A_431 : i32 to index
        %swap3A_435 = tpu.vector_load %arg7[%swap3A_433, %swap3A_434] {strides = array<i32>} : memref<64x512xf32, #tpu.memory_space<vmem>>, vector<16xf32>,
        tpu.vector_store %arg7[%swap3A_433, %swap3A_434], %gather3A_200 {strides = array<i32>} : memref<64x512xf32, #tpu.memory_space<vmem>>, vector<16xf32>,
        %mul3A_436 = arith.constant 16 : i32
        %mul3A_437 = arith.muli %scan3A_103, %mul3A_436 : i32
        %swap3A_438 = arith.constant 22 : i32
        %swap3A_439 = arith.index_cast %swap3A_438 : i32 to index
        %swap3A_440 = arith.index_cast %mul3A_437 : i32 to index
        %swap3A_441 = tpu.vector_load %arg7[%swap3A_439, %swap3A_440] {strides = array<i32>} : memref<64x512xf32, #tpu.memory_space<vmem>>, vector<16xf32>,
        tpu.vector_store %arg7[%swap3A_439, %swap3A_440], %gather3A_204 {strides = array<i32>} : memref<64x512xf32, #tpu.memory_space<vmem>>, vector<16xf32>,
        %mul3A_442 = arith.constant 16 : i32
        %mul3A_443 = arith.muli %scan3A_103, %mul3A_442 : i32
        %swap3A_444 = arith.constant 23 : i32
        %swap3A_445 = arith.index_cast %swap3A_444 : i32 to index
        %swap3A_446 = arith.index_cast %mul3A_443 : i32 to index
        %swap3A_447 = tpu.vector_load %arg7[%swap3A_445, %swap3A_446] {strides = array<i32>} : memref<64x512xf32, #tpu.memory_space<vmem>>, vector<16xf32>,
        tpu.vector_store %arg7[%swap3A_445, %swap3A_446], %gather3A_208 {strides = array<i32>} : memref<64x512xf32, #tpu.memory_space<vmem>>, vector<16xf32>,
        %mul3A_448 = arith.constant 16 : i32
        %mul3A_449 = arith.muli %scan3A_103, %mul3A_448 : i32
        %swap3A_450 = arith.constant 24 : i32
        %swap3A_451 = arith.index_cast %swap3A_450 : i32 to index
        %swap3A_452 = arith.index_cast %mul3A_449 : i32 to index
        %swap3A_453 = tpu.vector_load %arg7[%swap3A_451, %swap3A_452] {strides = array<i32>} : memref<64x512xf32, #tpu.memory_space<vmem>>, vector<16xf32>,
        tpu.vector_store %arg7[%swap3A_451, %swap3A_452], %gather3A_212 {strides = array<i32>} : memref<64x512xf32, #tpu.memory_space<vmem>>, vector<16xf32>,
        %mul3A_454 = arith.constant 16 : i32
        %mul3A_455 = arith.muli %scan3A_103, %mul3A_454 : i32
        %swap3A_456 = arith.constant 25 : i32
        %swap3A_457 = arith.index_cast %swap3A_456 : i32 to index
        %swap3A_458 = arith.index_cast %mul3A_455 : i32 to index
        %swap3A_459 = tpu.vector_load %arg7[%swap3A_457, %swap3A_458] {strides = array<i32>} : memref<64x512xf32, #tpu.memory_space<vmem>>, vector<16xf32>,
        tpu.vector_store %arg7[%swap3A_457, %swap3A_458], %gather3A_216 {strides = array<i32>} : memref<64x512xf32, #tpu.memory_space<vmem>>, vector<16xf32>,
        %mul3A_460 = arith.constant 16 : i32
        %mul3A_461 = arith.muli %scan3A_103, %mul3A_460 : i32
        %swap3A_462 = arith.constant 26 : i32
        %swap3A_463 = arith.index_cast %swap3A_462 : i32 to index
        %swap3A_464 = arith.index_cast %mul3A_461 : i32 to index
        %swap3A_465 = tpu.vector_load %arg7[%swap3A_463, %swap3A_464] {strides = array<i32>} : memref<64x512xf32, #tpu.memory_space<vmem>>, vector<16xf32>,
        tpu.vector_store %arg7[%swap3A_463, %swap3A_464], %gather3A_220 {strides = array<i32>} : memref<64x512xf32, #tpu.memory_space<vmem>>, vector<16xf32>,
        %mul3A_466 = arith.constant 16 : i32
        %mul3A_467 = arith.muli %scan3A_103, %mul3A_466 : i32
        %swap3A_468 = arith.constant 27 : i32
        %swap3A_469 = arith.index_cast %swap3A_468 : i32 to index
        %swap3A_470 = arith.index_cast %mul3A_467 : i32 to index
        %swap3A_471 = tpu.vector_load %arg7[%swap3A_469, %swap3A_470] {strides = array<i32>} : memref<64x512xf32, #tpu.memory_space<vmem>>, vector<16xf32>,
        tpu.vector_store %arg7[%swap3A_469, %swap3A_470], %gather3A_224 {strides = array<i32>} : memref<64x512xf32, #tpu.memory_space<vmem>>, vector<16xf32>,
        %mul3A_472 = arith.constant 16 : i32
        %mul3A_473 = arith.muli %scan3A_103, %mul3A_472 : i32
        %swap3A_474 = arith.constant 28 : i32
        %swap3A_475 = arith.index_cast %swap3A_474 : i32 to index
        %swap3A_476 = arith.index_cast %mul3A_473 : i32 to index
        %swap3A_477 = tpu.vector_load %arg7[%swap3A_475, %swap3A_476] {strides = array<i32>} : memref<64x512xf32, #tpu.memory_space<vmem>>, vector<16xf32>,
        tpu.vector_store %arg7[%swap3A_475, %swap3A_476], %gather3A_228 {strides = array<i32>} : memref<64x512xf32, #tpu.memory_space<vmem>>, vector<16xf32>,
        %mul3A_478 = arith.constant 16 : i32
        %mul3A_479 = arith.muli %scan3A_103, %mul3A_478 : i32
        %swap3A_480 = arith.constant 29 : i32
        %swap3A_481 = arith.index_cast %swap3A_480 : i32 to index
        %swap3A_482 = arith.index_cast %mul3A_479 : i32 to index
        %swap3A_483 = tpu.vector_load %arg7[%swap3A_481, %swap3A_482] {strides = array<i32>} : memref<64x512xf32, #tpu.memory_space<vmem>>, vector<16xf32>,
        tpu.vector_store %arg7[%swap3A_481, %swap3A_482], %gather3A_232 {strides = array<i32>} : memref<64x512xf32, #tpu.memory_space<vmem>>, vector<16xf32>,
        %mul3A_484 = arith.constant 16 : i32
        %mul3A_485 = arith.muli %scan3A_103, %mul3A_484 : i32
        %swap3A_486 = arith.constant 30 : i32
        %swap3A_487 = arith.index_cast %swap3A_486 : i32 to index
        %swap3A_488 = arith.index_cast %mul3A_485 : i32 to index
        %swap3A_489 = tpu.vector_load %arg7[%swap3A_487, %swap3A_488] {strides = array<i32>} : memref<64x512xf32, #tpu.memory_space<vmem>>, vector<16xf32>,
        tpu.vector_store %arg7[%swap3A_487, %swap3A_488], %gather3A_236 {strides = array<i32>} : memref<64x512xf32, #tpu.memory_space<vmem>>, vector<16xf32>,
        %mul3A_490 = arith.constant 16 : i32
        %mul3A_491 = arith.muli %scan3A_103, %mul3A_490 : i32
        %swap3A_492 = arith.constant 31 : i32
        %swap3A_493 = arith.index_cast %swap3A_492 : i32 to index
        %swap3A_494 = arith.index_cast %mul3A_491 : i32 to index
        %swap3A_495 = tpu.vector_load %arg7[%swap3A_493, %swap3A_494] {strides = array<i32>} : memref<64x512xf32, #tpu.memory_space<vmem>>, vector<16xf32>,
        tpu.vector_store %arg7[%swap3A_493, %swap3A_494], %gather3A_240 {strides = array<i32>} : memref<64x512xf32, #tpu.memory_space<vmem>>, vector<16xf32>,
        %add3A_496 = arith.constant 9648 : i32
        %add3A_497 = vector.broadcast %add3A_496 : i32 to vector<16xi32>
        %add3A_498 = arith.addi %convert_element_type3A_113, %add3A_497 : vector<16xi32>
        %gather3A_499 = tpu.vector_load_idx %arg9[%add3A_498] : memref<12864xf32, #tpu.memory_space<vmem>>[vector<16xi32>], vector<16xf32>,
        %add3A_500 = arith.constant 9849 : i32
        %add3A_501 = vector.broadcast %add3A_500 : i32 to vector<16xi32>
        %add3A_502 = arith.addi %convert_element_type3A_113, %add3A_501 : vector<16xi32>
        %gather3A_503 = tpu.vector_load_idx %arg9[%add3A_502] : memref<12864xf32, #tpu.memory_space<vmem>>[vector<16xi32>], vector<16xf32>,
        %add3A_504 = arith.constant 10050 : i32
        %add3A_505 = vector.broadcast %add3A_504 : i32 to vector<16xi32>
        %add3A_506 = arith.addi %convert_element_type3A_113, %add3A_505 : vector<16xi32>
        %gather3A_507 = tpu.vector_load_idx %arg9[%add3A_506] : memref<12864xf32, #tpu.memory_space<vmem>>[vector<16xi32>], vector<16xf32>,
        %add3A_508 = arith.constant 10251 : i32
        %add3A_509 = vector.broadcast %add3A_508 : i32 to vector<16xi32>
        %add3A_510 = arith.addi %convert_element_type3A_113, %add3A_509 : vector<16xi32>
        %gather3A_511 = tpu.vector_load_idx %arg9[%add3A_510] : memref<12864xf32, #tpu.memory_space<vmem>>[vector<16xi32>], vector<16xf32>,
        %add3A_512 = arith.constant 10452 : i32
        %add3A_513 = vector.broadcast %add3A_512 : i32 to vector<16xi32>
        %add3A_514 = arith.addi %convert_element_type3A_113, %add3A_513 : vector<16xi32>
        %gather3A_515 = tpu.vector_load_idx %arg9[%add3A_514] : memref<12864xf32, #tpu.memory_space<vmem>>[vector<16xi32>], vector<16xf32>,
        %add3A_516 = arith.constant 10653 : i32
        %add3A_517 = vector.broadcast %add3A_516 : i32 to vector<16xi32>
        %add3A_518 = arith.addi %convert_element_type3A_113, %add3A_517 : vector<16xi32>
        %gather3A_519 = tpu.vector_load_idx %arg9[%add3A_518] : memref<12864xf32, #tpu.memory_space<vmem>>[vector<16xi32>], vector<16xf32>,
        %add3A_520 = arith.constant 10854 : i32
        %add3A_521 = vector.broadcast %add3A_520 : i32 to vector<16xi32>
        %add3A_522 = arith.addi %convert_element_type3A_113, %add3A_521 : vector<16xi32>
        %gather3A_523 = tpu.vector_load_idx %arg9[%add3A_522] : memref<12864xf32, #tpu.memory_space<vmem>>[vector<16xi32>], vector<16xf32>,
        %add3A_524 = arith.constant 11055 : i32
        %add3A_525 = vector.broadcast %add3A_524 : i32 to vector<16xi32>
        %add3A_526 = arith.addi %convert_element_type3A_113, %add3A_525 : vector<16xi32>
        %gather3A_527 = tpu.vector_load_idx %arg9[%add3A_526] : memref<12864xf32, #tpu.memory_space<vmem>>[vector<16xi32>], vector<16xf32>,
        %add3A_528 = arith.constant 11256 : i32
        %add3A_529 = vector.broadcast %add3A_528 : i32 to vector<16xi32>
        %add3A_530 = arith.addi %convert_element_type3A_113, %add3A_529 : vector<16xi32>
        %gather3A_531 = tpu.vector_load_idx %arg9[%add3A_530] : memref<12864xf32, #tpu.memory_space<vmem>>[vector<16xi32>], vector<16xf32>,
        %add3A_532 = arith.constant 11457 : i32
        %add3A_533 = vector.broadcast %add3A_532 : i32 to vector<16xi32>
        %add3A_534 = arith.addi %convert_element_type3A_113, %add3A_533 : vector<16xi32>
        %gather3A_535 = tpu.vector_load_idx %arg9[%add3A_534] : memref<12864xf32, #tpu.memory_space<vmem>>[vector<16xi32>], vector<16xf32>,
        %add3A_536 = arith.constant 11658 : i32
        %add3A_537 = vector.broadcast %add3A_536 : i32 to vector<16xi32>
        %add3A_538 = arith.addi %convert_element_type3A_113, %add3A_537 : vector<16xi32>
        %gather3A_539 = tpu.vector_load_idx %arg9[%add3A_538] : memref<12864xf32, #tpu.memory_space<vmem>>[vector<16xi32>], vector<16xf32>,
        %add3A_540 = arith.constant 11859 : i32
        %add3A_541 = vector.broadcast %add3A_540 : i32 to vector<16xi32>
        %add3A_542 = arith.addi %convert_element_type3A_113, %add3A_541 : vector<16xi32>
        %gather3A_543 = tpu.vector_load_idx %arg9[%add3A_542] : memref<12864xf32, #tpu.memory_space<vmem>>[vector<16xi32>], vector<16xf32>,
        %add3A_544 = arith.constant 12060 : i32
        %add3A_545 = vector.broadcast %add3A_544 : i32 to vector<16xi32>
        %add3A_546 = arith.addi %convert_element_type3A_113, %add3A_545 : vector<16xi32>
        %gather3A_547 = tpu.vector_load_idx %arg9[%add3A_546] : memref<12864xf32, #tpu.memory_space<vmem>>[vector<16xi32>], vector<16xf32>,
        %add3A_548 = arith.constant 12261 : i32
        %add3A_549 = vector.broadcast %add3A_548 : i32 to vector<16xi32>
        %add3A_550 = arith.addi %convert_element_type3A_113, %add3A_549 : vector<16xi32>
        %gather3A_551 = tpu.vector_load_idx %arg9[%add3A_550] : memref<12864xf32, #tpu.memory_space<vmem>>[vector<16xi32>], vector<16xf32>,
        %add3A_552 = arith.constant 12462 : i32
        %add3A_553 = vector.broadcast %add3A_552 : i32 to vector<16xi32>
        %add3A_554 = arith.addi %convert_element_type3A_113, %add3A_553 : vector<16xi32>
        %gather3A_555 = tpu.vector_load_idx %arg9[%add3A_554] : memref<12864xf32, #tpu.memory_space<vmem>>[vector<16xi32>], vector<16xf32>,
        %add3A_556 = arith.constant 12663 : i32
        %add3A_557 = vector.broadcast %add3A_556 : i32 to vector<16xi32>
        %add3A_558 = arith.addi %convert_element_type3A_113, %add3A_557 : vector<16xi32>
        %gather3A_559 = tpu.vector_load_idx %arg9[%add3A_558] : memref<12864xf32, #tpu.memory_space<vmem>>[vector<16xi32>], vector<16xf32>,
        %mul3A_560 = arith.constant 16 : i32
        %mul3A_561 = arith.muli %scan3A_103, %mul3A_560 : i32
        %swap3A_562 = arith.constant 32 : i32
        %swap3A_563 = arith.index_cast %swap3A_562 : i32 to index
        %swap3A_564 = arith.index_cast %mul3A_561 : i32 to index
        %swap3A_565 = tpu.vector_load %arg7[%swap3A_563, %swap3A_564] {strides = array<i32>} : memref<64x512xf32, #tpu.memory_space<vmem>>, vector<16xf32>,
        tpu.vector_store %arg7[%swap3A_563, %swap3A_564], %gather3A_339 {strides = array<i32>} : memref<64x512xf32, #tpu.memory_space<vmem>>, vector<16xf32>,
        %mul3A_566 = arith.constant 16 : i32
        %mul3A_567 = arith.muli %scan3A_103, %mul3A_566 : i32
        %swap3A_568 = arith.constant 33 : i32
        %swap3A_569 = arith.index_cast %swap3A_568 : i32 to index
        %swap3A_570 = arith.index_cast %mul3A_567 : i32 to index
        %swap3A_571 = tpu.vector_load %arg7[%swap3A_569, %swap3A_570] {strides = array<i32>} : memref<64x512xf32, #tpu.memory_space<vmem>>, vector<16xf32>,
        tpu.vector_store %arg7[%swap3A_569, %swap3A_570], %gather3A_343 {strides = array<i32>} : memref<64x512xf32, #tpu.memory_space<vmem>>, vector<16xf32>,
        %mul3A_572 = arith.constant 16 : i32
        %mul3A_573 = arith.muli %scan3A_103, %mul3A_572 : i32
        %swap3A_574 = arith.constant 34 : i32
        %swap3A_575 = arith.index_cast %swap3A_574 : i32 to index
        %swap3A_576 = arith.index_cast %mul3A_573 : i32 to index
        %swap3A_577 = tpu.vector_load %arg7[%swap3A_575, %swap3A_576] {strides = array<i32>} : memref<64x512xf32, #tpu.memory_space<vmem>>, vector<16xf32>,
        tpu.vector_store %arg7[%swap3A_575, %swap3A_576], %gather3A_347 {strides = array<i32>} : memref<64x512xf32, #tpu.memory_space<vmem>>, vector<16xf32>,
        %mul3A_578 = arith.constant 16 : i32
        %mul3A_579 = arith.muli %scan3A_103, %mul3A_578 : i32
        %swap3A_580 = arith.constant 35 : i32
        %swap3A_581 = arith.index_cast %swap3A_580 : i32 to index
        %swap3A_582 = arith.index_cast %mul3A_579 : i32 to index
        %swap3A_583 = tpu.vector_load %arg7[%swap3A_581, %swap3A_582] {strides = array<i32>} : memref<64x512xf32, #tpu.memory_space<vmem>>, vector<16xf32>,
        tpu.vector_store %arg7[%swap3A_581, %swap3A_582], %gather3A_351 {strides = array<i32>} : memref<64x512xf32, #tpu.memory_space<vmem>>, vector<16xf32>,
        %mul3A_584 = arith.constant 16 : i32
        %mul3A_585 = arith.muli %scan3A_103, %mul3A_584 : i32
        %swap3A_586 = arith.constant 36 : i32
        %swap3A_587 = arith.index_cast %swap3A_586 : i32 to index
        %swap3A_588 = arith.index_cast %mul3A_585 : i32 to index
        %swap3A_589 = tpu.vector_load %arg7[%swap3A_587, %swap3A_588] {strides = array<i32>} : memref<64x512xf32, #tpu.memory_space<vmem>>, vector<16xf32>,
        tpu.vector_store %arg7[%swap3A_587, %swap3A_588], %gather3A_355 {strides = array<i32>} : memref<64x512xf32, #tpu.memory_space<vmem>>, vector<16xf32>,
        %mul3A_590 = arith.constant 16 : i32
        %mul3A_591 = arith.muli %scan3A_103, %mul3A_590 : i32
        %swap3A_592 = arith.constant 37 : i32
        %swap3A_593 = arith.index_cast %swap3A_592 : i32 to index
        %swap3A_594 = arith.index_cast %mul3A_591 : i32 to index
        %swap3A_595 = tpu.vector_load %arg7[%swap3A_593, %swap3A_594] {strides = array<i32>} : memref<64x512xf32, #tpu.memory_space<vmem>>, vector<16xf32>,
        tpu.vector_store %arg7[%swap3A_593, %swap3A_594], %gather3A_359 {strides = array<i32>} : memref<64x512xf32, #tpu.memory_space<vmem>>, vector<16xf32>,
        %mul3A_596 = arith.constant 16 : i32
        %mul3A_597 = arith.muli %scan3A_103, %mul3A_596 : i32
        %swap3A_598 = arith.constant 38 : i32
        %swap3A_599 = arith.index_cast %swap3A_598 : i32 to index
        %swap3A_600 = arith.index_cast %mul3A_597 : i32 to index
        %swap3A_601 = tpu.vector_load %arg7[%swap3A_599, %swap3A_600] {strides = array<i32>} : memref<64x512xf32, #tpu.memory_space<vmem>>, vector<16xf32>,
        tpu.vector_store %arg7[%swap3A_599, %swap3A_600], %gather3A_363 {strides = array<i32>} : memref<64x512xf32, #tpu.memory_space<vmem>>, vector<16xf32>,
        %mul3A_602 = arith.constant 16 : i32
        %mul3A_603 = arith.muli %scan3A_103, %mul3A_602 : i32
        %swap3A_604 = arith.constant 39 : i32
        %swap3A_605 = arith.index_cast %swap3A_604 : i32 to index
        %swap3A_606 = arith.index_cast %mul3A_603 : i32 to index
        %swap3A_607 = tpu.vector_load %arg7[%swap3A_605, %swap3A_606] {strides = array<i32>} : memref<64x512xf32, #tpu.memory_space<vmem>>, vector<16xf32>,
        tpu.vector_store %arg7[%swap3A_605, %swap3A_606], %gather3A_367 {strides = array<i32>} : memref<64x512xf32, #tpu.memory_space<vmem>>, vector<16xf32>,
        %mul3A_608 = arith.constant 16 : i32
        %mul3A_609 = arith.muli %scan3A_103, %mul3A_608 : i32
        %swap3A_610 = arith.constant 40 : i32
        %swap3A_611 = arith.index_cast %swap3A_610 : i32 to index
        %swap3A_612 = arith.index_cast %mul3A_609 : i32 to index
        %swap3A_613 = tpu.vector_load %arg7[%swap3A_611, %swap3A_612] {strides = array<i32>} : memref<64x512xf32, #tpu.memory_space<vmem>>, vector<16xf32>,
        tpu.vector_store %arg7[%swap3A_611, %swap3A_612], %gather3A_371 {strides = array<i32>} : memref<64x512xf32, #tpu.memory_space<vmem>>, vector<16xf32>,
        %mul3A_614 = arith.constant 16 : i32
        %mul3A_615 = arith.muli %scan3A_103, %mul3A_614 : i32
        %swap3A_616 = arith.constant 41 : i32
        %swap3A_617 = arith.index_cast %swap3A_616 : i32 to index
        %swap3A_618 = arith.index_cast %mul3A_615 : i32 to index
        %swap3A_619 = tpu.vector_load %arg7[%swap3A_617, %swap3A_618] {strides = array<i32>} : memref<64x512xf32, #tpu.memory_space<vmem>>, vector<16xf32>,
        tpu.vector_store %arg7[%swap3A_617, %swap3A_618], %gather3A_375 {strides = array<i32>} : memref<64x512xf32, #tpu.memory_space<vmem>>, vector<16xf32>,
        %mul3A_620 = arith.constant 16 : i32
        %mul3A_621 = arith.muli %scan3A_103, %mul3A_620 : i32
        %swap3A_622 = arith.constant 42 : i32
        %swap3A_623 = arith.index_cast %swap3A_622 : i32 to index
        %swap3A_624 = arith.index_cast %mul3A_621 : i32 to index
        %swap3A_625 = tpu.vector_load %arg7[%swap3A_623, %swap3A_624] {strides = array<i32>} : memref<64x512xf32, #tpu.memory_space<vmem>>, vector<16xf32>,
        tpu.vector_store %arg7[%swap3A_623, %swap3A_624], %gather3A_379 {strides = array<i32>} : memref<64x512xf32, #tpu.memory_space<vmem>>, vector<16xf32>,
        %mul3A_626 = arith.constant 16 : i32
        %mul3A_627 = arith.muli %scan3A_103, %mul3A_626 : i32
        %swap3A_628 = arith.constant 43 : i32
        %swap3A_629 = arith.index_cast %swap3A_628 : i32 to index
        %swap3A_630 = arith.index_cast %mul3A_627 : i32 to index
        %swap3A_631 = tpu.vector_load %arg7[%swap3A_629, %swap3A_630] {strides = array<i32>} : memref<64x512xf32, #tpu.memory_space<vmem>>, vector<16xf32>,
        tpu.vector_store %arg7[%swap3A_629, %swap3A_630], %gather3A_383 {strides = array<i32>} : memref<64x512xf32, #tpu.memory_space<vmem>>, vector<16xf32>,
        %mul3A_632 = arith.constant 16 : i32
        %mul3A_633 = arith.muli %scan3A_103, %mul3A_632 : i32
        %swap3A_634 = arith.constant 44 : i32
        %swap3A_635 = arith.index_cast %swap3A_634 : i32 to index
        %swap3A_636 = arith.index_cast %mul3A_633 : i32 to index
        %swap3A_637 = tpu.vector_load %arg7[%swap3A_635, %swap3A_636] {strides = array<i32>} : memref<64x512xf32, #tpu.memory_space<vmem>>, vector<16xf32>,
        tpu.vector_store %arg7[%swap3A_635, %swap3A_636], %gather3A_387 {strides = array<i32>} : memref<64x512xf32, #tpu.memory_space<vmem>>, vector<16xf32>,
        %mul3A_638 = arith.constant 16 : i32
        %mul3A_639 = arith.muli %scan3A_103, %mul3A_638 : i32
        %swap3A_640 = arith.constant 45 : i32
        %swap3A_641 = arith.index_cast %swap3A_640 : i32 to index
        %swap3A_642 = arith.index_cast %mul3A_639 : i32 to index
        %swap3A_643 = tpu.vector_load %arg7[%swap3A_641, %swap3A_642] {strides = array<i32>} : memref<64x512xf32, #tpu.memory_space<vmem>>, vector<16xf32>,
        tpu.vector_store %arg7[%swap3A_641, %swap3A_642], %gather3A_391 {strides = array<i32>} : memref<64x512xf32, #tpu.memory_space<vmem>>, vector<16xf32>,
        %mul3A_644 = arith.constant 16 : i32
        %mul3A_645 = arith.muli %scan3A_103, %mul3A_644 : i32
        %swap3A_646 = arith.constant 46 : i32
        %swap3A_647 = arith.index_cast %swap3A_646 : i32 to index
        %swap3A_648 = arith.index_cast %mul3A_645 : i32 to index
        %swap3A_649 = tpu.vector_load %arg7[%swap3A_647, %swap3A_648] {strides = array<i32>} : memref<64x512xf32, #tpu.memory_space<vmem>>, vector<16xf32>,
        tpu.vector_store %arg7[%swap3A_647, %swap3A_648], %gather3A_395 {strides = array<i32>} : memref<64x512xf32, #tpu.memory_space<vmem>>, vector<16xf32>,
        %mul3A_650 = arith.constant 16 : i32
        %mul3A_651 = arith.muli %scan3A_103, %mul3A_650 : i32
        %swap3A_652 = arith.constant 47 : i32
        %swap3A_653 = arith.index_cast %swap3A_652 : i32 to index
        %swap3A_654 = arith.index_cast %mul3A_651 : i32 to index
        %swap3A_655 = tpu.vector_load %arg7[%swap3A_653, %swap3A_654] {strides = array<i32>} : memref<64x512xf32, #tpu.memory_space<vmem>>, vector<16xf32>,
        tpu.vector_store %arg7[%swap3A_653, %swap3A_654], %gather3A_399 {strides = array<i32>} : memref<64x512xf32, #tpu.memory_space<vmem>>, vector<16xf32>,
        %mul3A_656 = arith.constant 16 : i32
        %mul3A_657 = arith.muli %scan3A_103, %mul3A_656 : i32
        %swap3A_658 = arith.constant 48 : i32
        %swap3A_659 = arith.index_cast %swap3A_658 : i32 to index
        %swap3A_660 = arith.index_cast %mul3A_657 : i32 to index
        %swap3A_661 = tpu.vector_load %arg7[%swap3A_659, %swap3A_660] {strides = array<i32>} : memref<64x512xf32, #tpu.memory_space<vmem>>, vector<16xf32>,
        tpu.vector_store %arg7[%swap3A_659, %swap3A_660], %gather3A_499 {strides = array<i32>} : memref<64x512xf32, #tpu.memory_space<vmem>>, vector<16xf32>,
        %mul3A_662 = arith.constant 16 : i32
        %mul3A_663 = arith.muli %scan3A_103, %mul3A_662 : i32
        %swap3A_664 = arith.constant 49 : i32
        %swap3A_665 = arith.index_cast %swap3A_664 : i32 to index
        %swap3A_666 = arith.index_cast %mul3A_663 : i32 to index
        %swap3A_667 = tpu.vector_load %arg7[%swap3A_665, %swap3A_666] {strides = array<i32>} : memref<64x512xf32, #tpu.memory_space<vmem>>, vector<16xf32>,
        tpu.vector_store %arg7[%swap3A_665, %swap3A_666], %gather3A_503 {strides = array<i32>} : memref<64x512xf32, #tpu.memory_space<vmem>>, vector<16xf32>,
        %mul3A_668 = arith.constant 16 : i32
        %mul3A_669 = arith.muli %scan3A_103, %mul3A_668 : i32
        %swap3A_670 = arith.constant 50 : i32
        %swap3A_671 = arith.index_cast %swap3A_670 : i32 to index
        %swap3A_672 = arith.index_cast %mul3A_669 : i32 to index
        %swap3A_673 = tpu.vector_load %arg7[%swap3A_671, %swap3A_672] {strides = array<i32>} : memref<64x512xf32, #tpu.memory_space<vmem>>, vector<16xf32>,
        tpu.vector_store %arg7[%swap3A_671, %swap3A_672], %gather3A_507 {strides = array<i32>} : memref<64x512xf32, #tpu.memory_space<vmem>>, vector<16xf32>,
        %mul3A_674 = arith.constant 16 : i32
        %mul3A_675 = arith.muli %scan3A_103, %mul3A_674 : i32
        %swap3A_676 = arith.constant 51 : i32
        %swap3A_677 = arith.index_cast %swap3A_676 : i32 to index
        %swap3A_678 = arith.index_cast %mul3A_675 : i32 to index
        %swap3A_679 = tpu.vector_load %arg7[%swap3A_677, %swap3A_678] {strides = array<i32>} : memref<64x512xf32, #tpu.memory_space<vmem>>, vector<16xf32>,
        tpu.vector_store %arg7[%swap3A_677, %swap3A_678], %gather3A_511 {strides = array<i32>} : memref<64x512xf32, #tpu.memory_space<vmem>>, vector<16xf32>,
        %mul3A_680 = arith.constant 16 : i32
        %mul3A_681 = arith.muli %scan3A_103, %mul3A_680 : i32
        %swap3A_682 = arith.constant 52 : i32
        %swap3A_683 = arith.index_cast %swap3A_682 : i32 to index
        %swap3A_684 = arith.index_cast %mul3A_681 : i32 to index
        %swap3A_685 = tpu.vector_load %arg7[%swap3A_683, %swap3A_684] {strides = array<i32>} : memref<64x512xf32, #tpu.memory_space<vmem>>, vector<16xf32>,
        tpu.vector_store %arg7[%swap3A_683, %swap3A_684], %gather3A_515 {strides = array<i32>} : memref<64x512xf32, #tpu.memory_space<vmem>>, vector<16xf32>,
        %mul3A_686 = arith.constant 16 : i32
        %mul3A_687 = arith.muli %scan3A_103, %mul3A_686 : i32
        %swap3A_688 = arith.constant 53 : i32
        %swap3A_689 = arith.index_cast %swap3A_688 : i32 to index
        %swap3A_690 = arith.index_cast %mul3A_687 : i32 to index
        %swap3A_691 = tpu.vector_load %arg7[%swap3A_689, %swap3A_690] {strides = array<i32>} : memref<64x512xf32, #tpu.memory_space<vmem>>, vector<16xf32>,
        tpu.vector_store %arg7[%swap3A_689, %swap3A_690], %gather3A_519 {strides = array<i32>} : memref<64x512xf32, #tpu.memory_space<vmem>>, vector<16xf32>,
        %mul3A_692 = arith.constant 16 : i32
        %mul3A_693 = arith.muli %scan3A_103, %mul3A_692 : i32
        %swap3A_694 = arith.constant 54 : i32
        %swap3A_695 = arith.index_cast %swap3A_694 : i32 to index
        %swap3A_696 = arith.index_cast %mul3A_693 : i32 to index
        %swap3A_697 = tpu.vector_load %arg7[%swap3A_695, %swap3A_696] {strides = array<i32>} : memref<64x512xf32, #tpu.memory_space<vmem>>, vector<16xf32>,
        tpu.vector_store %arg7[%swap3A_695, %swap3A_696], %gather3A_523 {strides = array<i32>} : memref<64x512xf32, #tpu.memory_space<vmem>>, vector<16xf32>,
        %mul3A_698 = arith.constant 16 : i32
        %mul3A_699 = arith.muli %scan3A_103, %mul3A_698 : i32
        %swap3A_700 = arith.constant 55 : i32
        %swap3A_701 = arith.index_cast %swap3A_700 : i32 to index
        %swap3A_702 = arith.index_cast %mul3A_699 : i32 to index
        %swap3A_703 = tpu.vector_load %arg7[%swap3A_701, %swap3A_702] {strides = array<i32>} : memref<64x512xf32, #tpu.memory_space<vmem>>, vector<16xf32>,
        tpu.vector_store %arg7[%swap3A_701, %swap3A_702], %gather3A_527 {strides = array<i32>} : memref<64x512xf32, #tpu.memory_space<vmem>>, vector<16xf32>,
        %mul3A_704 = arith.constant 16 : i32
        %mul3A_705 = arith.muli %scan3A_103, %mul3A_704 : i32
        %swap3A_706 = arith.constant 56 : i32
        %swap3A_707 = arith.index_cast %swap3A_706 : i32 to index
        %swap3A_708 = arith.index_cast %mul3A_705 : i32 to index
        %swap3A_709 = tpu.vector_load %arg7[%swap3A_707, %swap3A_708] {strides = array<i32>} : memref<64x512xf32, #tpu.memory_space<vmem>>, vector<16xf32>,
        tpu.vector_store %arg7[%swap3A_707, %swap3A_708], %gather3A_531 {strides = array<i32>} : memref<64x512xf32, #tpu.memory_space<vmem>>, vector<16xf32>,
        %mul3A_710 = arith.constant 16 : i32
        %mul3A_711 = arith.muli %scan3A_103, %mul3A_710 : i32
        %swap3A_712 = arith.constant 57 : i32
        %swap3A_713 = arith.index_cast %swap3A_712 : i32 to index
        %swap3A_714 = arith.index_cast %mul3A_711 : i32 to index
        %swap3A_715 = tpu.vector_load %arg7[%swap3A_713, %swap3A_714] {strides = array<i32>} : memref<64x512xf32, #tpu.memory_space<vmem>>, vector<16xf32>,
        tpu.vector_store %arg7[%swap3A_713, %swap3A_714], %gather3A_535 {strides = array<i32>} : memref<64x512xf32, #tpu.memory_space<vmem>>, vector<16xf32>,
        %mul3A_716 = arith.constant 16 : i32
        %mul3A_717 = arith.muli %scan3A_103, %mul3A_716 : i32
        %swap3A_718 = arith.constant 58 : i32
        %swap3A_719 = arith.index_cast %swap3A_718 : i32 to index
        %swap3A_720 = arith.index_cast %mul3A_717 : i32 to index
        %swap3A_721 = tpu.vector_load %arg7[%swap3A_719, %swap3A_720] {strides = array<i32>} : memref<64x512xf32, #tpu.memory_space<vmem>>, vector<16xf32>,
        tpu.vector_store %arg7[%swap3A_719, %swap3A_720], %gather3A_539 {strides = array<i32>} : memref<64x512xf32, #tpu.memory_space<vmem>>, vector<16xf32>,
        %mul3A_722 = arith.constant 16 : i32
        %mul3A_723 = arith.muli %scan3A_103, %mul3A_722 : i32
        %swap3A_724 = arith.constant 59 : i32
        %swap3A_725 = arith.index_cast %swap3A_724 : i32 to index
        %swap3A_726 = arith.index_cast %mul3A_723 : i32 to index
        %swap3A_727 = tpu.vector_load %arg7[%swap3A_725, %swap3A_726] {strides = array<i32>} : memref<64x512xf32, #tpu.memory_space<vmem>>, vector<16xf32>,
        tpu.vector_store %arg7[%swap3A_725, %swap3A_726], %gather3A_543 {strides = array<i32>} : memref<64x512xf32, #tpu.memory_space<vmem>>, vector<16xf32>,
        %mul3A_728 = arith.constant 16 : i32
        %mul3A_729 = arith.muli %scan3A_103, %mul3A_728 : i32
        %swap3A_730 = arith.constant 60 : i32
        %swap3A_731 = arith.index_cast %swap3A_730 : i32 to index
        %swap3A_732 = arith.index_cast %mul3A_729 : i32 to index
        %swap3A_733 = tpu.vector_load %arg7[%swap3A_731, %swap3A_732] {strides = array<i32>} : memref<64x512xf32, #tpu.memory_space<vmem>>, vector<16xf32>,
        tpu.vector_store %arg7[%swap3A_731, %swap3A_732], %gather3A_547 {strides = array<i32>} : memref<64x512xf32, #tpu.memory_space<vmem>>, vector<16xf32>,
        %mul3A_734 = arith.constant 16 : i32
        %mul3A_735 = arith.muli %scan3A_103, %mul3A_734 : i32
        %swap3A_736 = arith.constant 61 : i32
        %swap3A_737 = arith.index_cast %swap3A_736 : i32 to index
        %swap3A_738 = arith.index_cast %mul3A_735 : i32 to index
        %swap3A_739 = tpu.vector_load %arg7[%swap3A_737, %swap3A_738] {strides = array<i32>} : memref<64x512xf32, #tpu.memory_space<vmem>>, vector<16xf32>,
        tpu.vector_store %arg7[%swap3A_737, %swap3A_738], %gather3A_551 {strides = array<i32>} : memref<64x512xf32, #tpu.memory_space<vmem>>, vector<16xf32>,
        %mul3A_740 = arith.constant 16 : i32
        %mul3A_741 = arith.muli %scan3A_103, %mul3A_740 : i32
        %swap3A_742 = arith.constant 62 : i32
        %swap3A_743 = arith.index_cast %swap3A_742 : i32 to index
        %swap3A_744 = arith.index_cast %mul3A_741 : i32 to index
        %swap3A_745 = tpu.vector_load %arg7[%swap3A_743, %swap3A_744] {strides = array<i32>} : memref<64x512xf32, #tpu.memory_space<vmem>>, vector<16xf32>,
        tpu.vector_store %arg7[%swap3A_743, %swap3A_744], %gather3A_555 {strides = array<i32>} : memref<64x512xf32, #tpu.memory_space<vmem>>, vector<16xf32>,
        %mul3A_746 = arith.constant 16 : i32
        %mul3A_747 = arith.muli %scan3A_103, %mul3A_746 : i32
        %swap3A_748 = arith.constant 63 : i32
        %swap3A_749 = arith.index_cast %swap3A_748 : i32 to index
        %swap3A_750 = arith.index_cast %mul3A_747 : i32 to index
        %swap3A_751 = tpu.vector_load %arg7[%swap3A_749, %swap3A_750] {strides = array<i32>} : memref<64x512xf32, #tpu.memory_space<vmem>>, vector<16xf32>,
        tpu.vector_store %arg7[%swap3A_749, %swap3A_750], %gather3A_559 {strides = array<i32>} : memref<64x512xf32, #tpu.memory_space<vmem>>, vector<16xf32>,
      }
      %scan3A_75 = arith.constant 32 : i32
      %dma_start3A_76 = arith.constant 0 : i32
      %dma_start3A_77 = arith.constant 0 : i32
      %dma_start3A_78 = tpu.memref_slice %arg4[%add3A_67, %dma_start3A_76, %dma_start3A_77] : memref<1024x64x1024xf32, #tpu.memory_space<hbm>> -> memref<1x64x512xf32, #tpu.memory_space<hbm>>
      %dma_start3A_79 = tpu.memref_squeeze %dma_start3A_78 : memref<1x64x512xf32, #tpu.memory_space<hbm>> -> memref<64x512xf32, #tpu.memory_space<hbm>>
      %dma_start3A_80 = arith.constant 0 : i32
      %dma_start3A_81 = arith.constant 0 : i32
      %dma_start3A_82 = tpu.memref_slice %arg4[%add3A_67, %dma_start3A_80, %dma_start3A_81] : memref<1024x64x1024xf32, #tpu.memory_space<hbm>> -> memref<1x64x512xf32, #tpu.memory_space<hbm>>
      %dma_start3A_83 = tpu.memref_squeeze %dma_start3A_82 : memref<1x64x512xf32, #tpu.memory_space<hbm>> -> memref<64x512xf32, #tpu.memory_space<hbm>>
      tpu.enqueue_dma source(%arg7 : memref<64x512xf32, #tpu.memory_space<vmem>>) target(%dma_start3A_83 : memref<64x512xf32, #tpu.memory_space<hbm>>) target_semaphore(%arg11 : memref<!tpu.dma_semaphore, #tpu.memory_space<semaphore_mem>>)
      %ge3A_84 = arith.constant 1 : i32
      %ge3A_85 = arith.cmpi sge, %scan3A_62, %ge3A_84 : i32
      %convert_element_type3A_86 = arith.extui %ge3A_85 : i1 to i32
      %cond3A_87 = arith.constant 0 : i32
      %cond3A_88 = arith.cmpi ne, %convert_element_type3A_86, %cond3A_87 : i32
      scf.if %cond3A_88 {
        %dma_wait3A_103 = arith.constant 0 : i32
        %dma_wait3A_104 = arith.constant 0 : i32
        %dma_wait3A_105 = arith.constant 0 : i32
        %dma_wait3A_106 = tpu.memref_slice %arg4[%dma_wait3A_103, %dma_wait3A_104, %dma_wait3A_105] : memref<1024x64x1024xf32, #tpu.memory_space<hbm>> -> memref<1x64x512xf32, #tpu.memory_space<hbm>>
        %dma_wait3A_107 = tpu.memref_squeeze %dma_wait3A_106 : memref<1x64x512xf32, #tpu.memory_space<hbm>> -> memref<64x512xf32, #tpu.memory_space<hbm>>
        %dma_wait3A_108 = arith.constant 0 : i32
        %dma_wait3A_109 = arith.constant 0 : i32
        %dma_wait3A_110 = tpu.memref_slice %arg4[%dma_wait3A_103, %dma_wait3A_108, %dma_wait3A_109] : memref<1024x64x1024xf32, #tpu.memory_space<hbm>> -> memref<1x64x512xf32, #tpu.memory_space<hbm>>
        %dma_wait3A_111 = tpu.memref_squeeze %dma_wait3A_110 : memref<1x64x512xf32, #tpu.memory_space<hbm>> -> memref<64x512xf32, #tpu.memory_space<hbm>>
        tpu.wait_dma2 semaphore(%arg12 : memref<!tpu.dma_semaphore, #tpu.memory_space<semaphore_mem>>) src(%arg8 : memref<64x512xf32, #tpu.memory_space<vmem>>) dst(%dma_wait3A_111 : memref<64x512xf32, #tpu.memory_space<hbm>>)
      } else {
      }
      %scan3A_89 = arith.constant 0 : i32
      %scan3A_90 = arith.constant 0 : i32
      %scan3A_91 = arith.constant 32 : i32
      %scan3A_92 = arith.addi %scan3A_90, %scan3A_91 : i32
      %scan3A_93 = arith.constant 1 : i32
      scf.for %scan3A_103 = %scan3A_90 to %scan3A_92 step %scan3A_93  : i32 {
        %mul3A_104 = arith.constant 16 : i32
        %mul3A_105 = arith.muli %scan3A_103, %mul3A_104 : i32
        %add3A_106 = arith.constant 512 : i32
        %add3A_107 = arith.addi %add3A_106, %mul3A_105 : i32
        %get3A = arith.index_cast %scan3A_62 : i32 to index
        %get3A_108 = arith.index_cast %add3A_107 : i32 to index
        %get3A_109 = tpu.vector_load %arg5[%get3A, %get3A_108] {strides = array<i32>} : memref<16x1024xf32, #tpu.memory_space<vmem>>, vector<16xf32>,
        %jit3A = arith.constant 0.000000e+00 : f32
        %jit3A_110 = arith.constant 2.000000e+02 : f32
        %max3A = vector.broadcast %jit3A : f32 to vector<16xf32>
        %max3A_111 = arith.maximumf %max3A, %get3A_109 : vector<16xf32>
        %min3A = vector.broadcast %jit3A_110 : f32 to vector<16xf32>
        %min3A_112 = arith.minimumf %min3A, %max3A_111 : vector<16xf32>
        %convert_element_type3A_113 = arith.fptosi %min3A_112 : vector<16xf32> to vector<16xi32>
        %add3A_114 = arith.constant 0 : i32
        %add3A_115 = vector.broadcast %add3A_114 : i32 to vector<16xi32>
        %add3A_116 = arith.addi %convert_element_type3A_113, %add3A_115 : vector<16xi32>
        %gather3A = tpu.vector_load_idx %arg9[%add3A_116] : memref<12864xf32, #tpu.memory_space<vmem>>[vector<16xi32>], vector<16xf32>,
        %add3A_117 = arith.constant 201 : i32
        %add3A_118 = vector.broadcast %add3A_117 : i32 to vector<16xi32>
        %add3A_119 = arith.addi %convert_element_type3A_113, %add3A_118 : vector<16xi32>
        %gather3A_120 = tpu.vector_load_idx %arg9[%add3A_119] : memref<12864xf32, #tpu.memory_space<vmem>>[vector<16xi32>], vector<16xf32>,
        %add3A_121 = arith.constant 402 : i32
        %add3A_122 = vector.broadcast %add3A_121 : i32 to vector<16xi32>
        %add3A_123 = arith.addi %convert_element_type3A_113, %add3A_122 : vector<16xi32>
        %gather3A_124 = tpu.vector_load_idx %arg9[%add3A_123] : memref<12864xf32, #tpu.memory_space<vmem>>[vector<16xi32>], vector<16xf32>,
        %add3A_125 = arith.constant 603 : i32
        %add3A_126 = vector.broadcast %add3A_125 : i32 to vector<16xi32>
        %add3A_127 = arith.addi %convert_element_type3A_113, %add3A_126 : vector<16xi32>
        %gather3A_128 = tpu.vector_load_idx %arg9[%add3A_127] : memref<12864xf32, #tpu.memory_space<vmem>>[vector<16xi32>], vector<16xf32>,
        %add3A_129 = arith.constant 804 : i32
        %add3A_130 = vector.broadcast %add3A_129 : i32 to vector<16xi32>
        %add3A_131 = arith.addi %convert_element_type3A_113, %add3A_130 : vector<16xi32>
        %gather3A_132 = tpu.vector_load_idx %arg9[%add3A_131] : memref<12864xf32, #tpu.memory_space<vmem>>[vector<16xi32>], vector<16xf32>,
        %add3A_133 = arith.constant 1005 : i32
        %add3A_134 = vector.broadcast %add3A_133 : i32 to vector<16xi32>
        %add3A_135 = arith.addi %convert_element_type3A_113, %add3A_134 : vector<16xi32>
        %gather3A_136 = tpu.vector_load_idx %arg9[%add3A_135] : memref<12864xf32, #tpu.memory_space<vmem>>[vector<16xi32>], vector<16xf32>,
        %add3A_137 = arith.constant 1206 : i32
        %add3A_138 = vector.broadcast %add3A_137 : i32 to vector<16xi32>
        %add3A_139 = arith.addi %convert_element_type3A_113, %add3A_138 : vector<16xi32>
        %gather3A_140 = tpu.vector_load_idx %arg9[%add3A_139] : memref<12864xf32, #tpu.memory_space<vmem>>[vector<16xi32>], vector<16xf32>,
        %add3A_141 = arith.constant 1407 : i32
        %add3A_142 = vector.broadcast %add3A_141 : i32 to vector<16xi32>
        %add3A_143 = arith.addi %convert_element_type3A_113, %add3A_142 : vector<16xi32>
        %gather3A_144 = tpu.vector_load_idx %arg9[%add3A_143] : memref<12864xf32, #tpu.memory_space<vmem>>[vector<16xi32>], vector<16xf32>,
        %add3A_145 = arith.constant 1608 : i32
        %add3A_146 = vector.broadcast %add3A_145 : i32 to vector<16xi32>
        %add3A_147 = arith.addi %convert_element_type3A_113, %add3A_146 : vector<16xi32>
        %gather3A_148 = tpu.vector_load_idx %arg9[%add3A_147] : memref<12864xf32, #tpu.memory_space<vmem>>[vector<16xi32>], vector<16xf32>,
        %add3A_149 = arith.constant 1809 : i32
        %add3A_150 = vector.broadcast %add3A_149 : i32 to vector<16xi32>
        %add3A_151 = arith.addi %convert_element_type3A_113, %add3A_150 : vector<16xi32>
        %gather3A_152 = tpu.vector_load_idx %arg9[%add3A_151] : memref<12864xf32, #tpu.memory_space<vmem>>[vector<16xi32>], vector<16xf32>,
        %add3A_153 = arith.constant 2010 : i32
        %add3A_154 = vector.broadcast %add3A_153 : i32 to vector<16xi32>
        %add3A_155 = arith.addi %convert_element_type3A_113, %add3A_154 : vector<16xi32>
        %gather3A_156 = tpu.vector_load_idx %arg9[%add3A_155] : memref<12864xf32, #tpu.memory_space<vmem>>[vector<16xi32>], vector<16xf32>,
        %add3A_157 = arith.constant 2211 : i32
        %add3A_158 = vector.broadcast %add3A_157 : i32 to vector<16xi32>
        %add3A_159 = arith.addi %convert_element_type3A_113, %add3A_158 : vector<16xi32>
        %gather3A_160 = tpu.vector_load_idx %arg9[%add3A_159] : memref<12864xf32, #tpu.memory_space<vmem>>[vector<16xi32>], vector<16xf32>,
        %add3A_161 = arith.constant 2412 : i32
        %add3A_162 = vector.broadcast %add3A_161 : i32 to vector<16xi32>
        %add3A_163 = arith.addi %convert_element_type3A_113, %add3A_162 : vector<16xi32>
        %gather3A_164 = tpu.vector_load_idx %arg9[%add3A_163] : memref<12864xf32, #tpu.memory_space<vmem>>[vector<16xi32>], vector<16xf32>,
        %add3A_165 = arith.constant 2613 : i32
        %add3A_166 = vector.broadcast %add3A_165 : i32 to vector<16xi32>
        %add3A_167 = arith.addi %convert_element_type3A_113, %add3A_166 : vector<16xi32>
        %gather3A_168 = tpu.vector_load_idx %arg9[%add3A_167] : memref<12864xf32, #tpu.memory_space<vmem>>[vector<16xi32>], vector<16xf32>,
        %add3A_169 = arith.constant 2814 : i32
        %add3A_170 = vector.broadcast %add3A_169 : i32 to vector<16xi32>
        %add3A_171 = arith.addi %convert_element_type3A_113, %add3A_170 : vector<16xi32>
        %gather3A_172 = tpu.vector_load_idx %arg9[%add3A_171] : memref<12864xf32, #tpu.memory_space<vmem>>[vector<16xi32>], vector<16xf32>,
        %add3A_173 = arith.constant 3015 : i32
        %add3A_174 = vector.broadcast %add3A_173 : i32 to vector<16xi32>
        %add3A_175 = arith.addi %convert_element_type3A_113, %add3A_174 : vector<16xi32>
        %gather3A_176 = tpu.vector_load_idx %arg9[%add3A_175] : memref<12864xf32, #tpu.memory_space<vmem>>[vector<16xi32>], vector<16xf32>,
        %add3A_177 = arith.constant 3216 : i32
        %add3A_178 = vector.broadcast %add3A_177 : i32 to vector<16xi32>
        %add3A_179 = arith.addi %convert_element_type3A_113, %add3A_178 : vector<16xi32>
        %gather3A_180 = tpu.vector_load_idx %arg9[%add3A_179] : memref<12864xf32, #tpu.memory_space<vmem>>[vector<16xi32>], vector<16xf32>,
        %add3A_181 = arith.constant 3417 : i32
        %add3A_182 = vector.broadcast %add3A_181 : i32 to vector<16xi32>
        %add3A_183 = arith.addi %convert_element_type3A_113, %add3A_182 : vector<16xi32>
        %gather3A_184 = tpu.vector_load_idx %arg9[%add3A_183] : memref<12864xf32, #tpu.memory_space<vmem>>[vector<16xi32>], vector<16xf32>,
        %add3A_185 = arith.constant 3618 : i32
        %add3A_186 = vector.broadcast %add3A_185 : i32 to vector<16xi32>
        %add3A_187 = arith.addi %convert_element_type3A_113, %add3A_186 : vector<16xi32>
        %gather3A_188 = tpu.vector_load_idx %arg9[%add3A_187] : memref<12864xf32, #tpu.memory_space<vmem>>[vector<16xi32>], vector<16xf32>,
        %add3A_189 = arith.constant 3819 : i32
        %add3A_190 = vector.broadcast %add3A_189 : i32 to vector<16xi32>
        %add3A_191 = arith.addi %convert_element_type3A_113, %add3A_190 : vector<16xi32>
        %gather3A_192 = tpu.vector_load_idx %arg9[%add3A_191] : memref<12864xf32, #tpu.memory_space<vmem>>[vector<16xi32>], vector<16xf32>,
        %add3A_193 = arith.constant 4020 : i32
        %add3A_194 = vector.broadcast %add3A_193 : i32 to vector<16xi32>
        %add3A_195 = arith.addi %convert_element_type3A_113, %add3A_194 : vector<16xi32>
        %gather3A_196 = tpu.vector_load_idx %arg9[%add3A_195] : memref<12864xf32, #tpu.memory_space<vmem>>[vector<16xi32>], vector<16xf32>,
        %add3A_197 = arith.constant 4221 : i32
        %add3A_198 = vector.broadcast %add3A_197 : i32 to vector<16xi32>
        %add3A_199 = arith.addi %convert_element_type3A_113, %add3A_198 : vector<16xi32>
        %gather3A_200 = tpu.vector_load_idx %arg9[%add3A_199] : memref<12864xf32, #tpu.memory_space<vmem>>[vector<16xi32>], vector<16xf32>,
        %add3A_201 = arith.constant 4422 : i32
        %add3A_202 = vector.broadcast %add3A_201 : i32 to vector<16xi32>
        %add3A_203 = arith.addi %convert_element_type3A_113, %add3A_202 : vector<16xi32>
        %gather3A_204 = tpu.vector_load_idx %arg9[%add3A_203] : memref<12864xf32, #tpu.memory_space<vmem>>[vector<16xi32>], vector<16xf32>,
        %add3A_205 = arith.constant 4623 : i32
        %add3A_206 = vector.broadcast %add3A_205 : i32 to vector<16xi32>
        %add3A_207 = arith.addi %convert_element_type3A_113, %add3A_206 : vector<16xi32>
        %gather3A_208 = tpu.vector_load_idx %arg9[%add3A_207] : memref<12864xf32, #tpu.memory_space<vmem>>[vector<16xi32>], vector<16xf32>,
        %add3A_209 = arith.constant 4824 : i32
        %add3A_210 = vector.broadcast %add3A_209 : i32 to vector<16xi32>
        %add3A_211 = arith.addi %convert_element_type3A_113, %add3A_210 : vector<16xi32>
        %gather3A_212 = tpu.vector_load_idx %arg9[%add3A_211] : memref<12864xf32, #tpu.memory_space<vmem>>[vector<16xi32>], vector<16xf32>,
        %add3A_213 = arith.constant 5025 : i32
        %add3A_214 = vector.broadcast %add3A_213 : i32 to vector<16xi32>
        %add3A_215 = arith.addi %convert_element_type3A_113, %add3A_214 : vector<16xi32>
        %gather3A_216 = tpu.vector_load_idx %arg9[%add3A_215] : memref<12864xf32, #tpu.memory_space<vmem>>[vector<16xi32>], vector<16xf32>,
        %add3A_217 = arith.constant 5226 : i32
        %add3A_218 = vector.broadcast %add3A_217 : i32 to vector<16xi32>
        %add3A_219 = arith.addi %convert_element_type3A_113, %add3A_218 : vector<16xi32>
        %gather3A_220 = tpu.vector_load_idx %arg9[%add3A_219] : memref<12864xf32, #tpu.memory_space<vmem>>[vector<16xi32>], vector<16xf32>,
        %add3A_221 = arith.constant 5427 : i32
        %add3A_222 = vector.broadcast %add3A_221 : i32 to vector<16xi32>
        %add3A_223 = arith.addi %convert_element_type3A_113, %add3A_222 : vector<16xi32>
        %gather3A_224 = tpu.vector_load_idx %arg9[%add3A_223] : memref<12864xf32, #tpu.memory_space<vmem>>[vector<16xi32>], vector<16xf32>,
        %add3A_225 = arith.constant 5628 : i32
        %add3A_226 = vector.broadcast %add3A_225 : i32 to vector<16xi32>
        %add3A_227 = arith.addi %convert_element_type3A_113, %add3A_226 : vector<16xi32>
        %gather3A_228 = tpu.vector_load_idx %arg9[%add3A_227] : memref<12864xf32, #tpu.memory_space<vmem>>[vector<16xi32>], vector<16xf32>,
        %add3A_229 = arith.constant 5829 : i32
        %add3A_230 = vector.broadcast %add3A_229 : i32 to vector<16xi32>
        %add3A_231 = arith.addi %convert_element_type3A_113, %add3A_230 : vector<16xi32>
        %gather3A_232 = tpu.vector_load_idx %arg9[%add3A_231] : memref<12864xf32, #tpu.memory_space<vmem>>[vector<16xi32>], vector<16xf32>,
        %add3A_233 = arith.constant 6030 : i32
        %add3A_234 = vector.broadcast %add3A_233 : i32 to vector<16xi32>
        %add3A_235 = arith.addi %convert_element_type3A_113, %add3A_234 : vector<16xi32>
        %gather3A_236 = tpu.vector_load_idx %arg9[%add3A_235] : memref<12864xf32, #tpu.memory_space<vmem>>[vector<16xi32>], vector<16xf32>,
        %add3A_237 = arith.constant 6231 : i32
        %add3A_238 = vector.broadcast %add3A_237 : i32 to vector<16xi32>
        %add3A_239 = arith.addi %convert_element_type3A_113, %add3A_238 : vector<16xi32>
        %gather3A_240 = tpu.vector_load_idx %arg9[%add3A_239] : memref<12864xf32, #tpu.memory_space<vmem>>[vector<16xi32>], vector<16xf32>,
        %mul3A_241 = arith.constant 16 : i32
        %mul3A_242 = arith.muli %scan3A_103, %mul3A_241 : i32
        %swap3A = arith.constant 0 : i32
        %swap3A_243 = arith.index_cast %swap3A : i32 to index
        %swap3A_244 = arith.index_cast %mul3A_242 : i32 to index
        %swap3A_245 = tpu.vector_load %arg8[%swap3A_243, %swap3A_244] {strides = array<i32>} : memref<64x512xf32, #tpu.memory_space<vmem>>, vector<16xf32>,
        tpu.vector_store %arg8[%swap3A_243, %swap3A_244], %gather3A {strides = array<i32>} : memref<64x512xf32, #tpu.memory_space<vmem>>, vector<16xf32>,
        %mul3A_246 = arith.constant 16 : i32
        %mul3A_247 = arith.muli %scan3A_103, %mul3A_246 : i32
        %swap3A_248 = arith.constant 1 : i32
        %swap3A_249 = arith.index_cast %swap3A_248 : i32 to index
        %swap3A_250 = arith.index_cast %mul3A_247 : i32 to index
        %swap3A_251 = tpu.vector_load %arg8[%swap3A_249, %swap3A_250] {strides = array<i32>} : memref<64x512xf32, #tpu.memory_space<vmem>>, vector<16xf32>,
        tpu.vector_store %arg8[%swap3A_249, %swap3A_250], %gather3A_120 {strides = array<i32>} : memref<64x512xf32, #tpu.memory_space<vmem>>, vector<16xf32>,
        %mul3A_252 = arith.constant 16 : i32
        %mul3A_253 = arith.muli %scan3A_103, %mul3A_252 : i32
        %swap3A_254 = arith.constant 2 : i32
        %swap3A_255 = arith.index_cast %swap3A_254 : i32 to index
        %swap3A_256 = arith.index_cast %mul3A_253 : i32 to index
        %swap3A_257 = tpu.vector_load %arg8[%swap3A_255, %swap3A_256] {strides = array<i32>} : memref<64x512xf32, #tpu.memory_space<vmem>>, vector<16xf32>,
        tpu.vector_store %arg8[%swap3A_255, %swap3A_256], %gather3A_124 {strides = array<i32>} : memref<64x512xf32, #tpu.memory_space<vmem>>, vector<16xf32>,
        %mul3A_258 = arith.constant 16 : i32
        %mul3A_259 = arith.muli %scan3A_103, %mul3A_258 : i32
        %swap3A_260 = arith.constant 3 : i32
        %swap3A_261 = arith.index_cast %swap3A_260 : i32 to index
        %swap3A_262 = arith.index_cast %mul3A_259 : i32 to index
        %swap3A_263 = tpu.vector_load %arg8[%swap3A_261, %swap3A_262] {strides = array<i32>} : memref<64x512xf32, #tpu.memory_space<vmem>>, vector<16xf32>,
        tpu.vector_store %arg8[%swap3A_261, %swap3A_262], %gather3A_128 {strides = array<i32>} : memref<64x512xf32, #tpu.memory_space<vmem>>, vector<16xf32>,
        %mul3A_264 = arith.constant 16 : i32
        %mul3A_265 = arith.muli %scan3A_103, %mul3A_264 : i32
        %swap3A_266 = arith.constant 4 : i32
        %swap3A_267 = arith.index_cast %swap3A_266 : i32 to index
        %swap3A_268 = arith.index_cast %mul3A_265 : i32 to index
        %swap3A_269 = tpu.vector_load %arg8[%swap3A_267, %swap3A_268] {strides = array<i32>} : memref<64x512xf32, #tpu.memory_space<vmem>>, vector<16xf32>,
        tpu.vector_store %arg8[%swap3A_267, %swap3A_268], %gather3A_132 {strides = array<i32>} : memref<64x512xf32, #tpu.memory_space<vmem>>, vector<16xf32>,
        %mul3A_270 = arith.constant 16 : i32
        %mul3A_271 = arith.muli %scan3A_103, %mul3A_270 : i32
        %swap3A_272 = arith.constant 5 : i32
        %swap3A_273 = arith.index_cast %swap3A_272 : i32 to index
        %swap3A_274 = arith.index_cast %mul3A_271 : i32 to index
        %swap3A_275 = tpu.vector_load %arg8[%swap3A_273, %swap3A_274] {strides = array<i32>} : memref<64x512xf32, #tpu.memory_space<vmem>>, vector<16xf32>,
        tpu.vector_store %arg8[%swap3A_273, %swap3A_274], %gather3A_136 {strides = array<i32>} : memref<64x512xf32, #tpu.memory_space<vmem>>, vector<16xf32>,
        %mul3A_276 = arith.constant 16 : i32
        %mul3A_277 = arith.muli %scan3A_103, %mul3A_276 : i32
        %swap3A_278 = arith.constant 6 : i32
        %swap3A_279 = arith.index_cast %swap3A_278 : i32 to index
        %swap3A_280 = arith.index_cast %mul3A_277 : i32 to index
        %swap3A_281 = tpu.vector_load %arg8[%swap3A_279, %swap3A_280] {strides = array<i32>} : memref<64x512xf32, #tpu.memory_space<vmem>>, vector<16xf32>,
        tpu.vector_store %arg8[%swap3A_279, %swap3A_280], %gather3A_140 {strides = array<i32>} : memref<64x512xf32, #tpu.memory_space<vmem>>, vector<16xf32>,
        %mul3A_282 = arith.constant 16 : i32
        %mul3A_283 = arith.muli %scan3A_103, %mul3A_282 : i32
        %swap3A_284 = arith.constant 7 : i32
        %swap3A_285 = arith.index_cast %swap3A_284 : i32 to index
        %swap3A_286 = arith.index_cast %mul3A_283 : i32 to index
        %swap3A_287 = tpu.vector_load %arg8[%swap3A_285, %swap3A_286] {strides = array<i32>} : memref<64x512xf32, #tpu.memory_space<vmem>>, vector<16xf32>,
        tpu.vector_store %arg8[%swap3A_285, %swap3A_286], %gather3A_144 {strides = array<i32>} : memref<64x512xf32, #tpu.memory_space<vmem>>, vector<16xf32>,
        %mul3A_288 = arith.constant 16 : i32
        %mul3A_289 = arith.muli %scan3A_103, %mul3A_288 : i32
        %swap3A_290 = arith.constant 8 : i32
        %swap3A_291 = arith.index_cast %swap3A_290 : i32 to index
        %swap3A_292 = arith.index_cast %mul3A_289 : i32 to index
        %swap3A_293 = tpu.vector_load %arg8[%swap3A_291, %swap3A_292] {strides = array<i32>} : memref<64x512xf32, #tpu.memory_space<vmem>>, vector<16xf32>,
        tpu.vector_store %arg8[%swap3A_291, %swap3A_292], %gather3A_148 {strides = array<i32>} : memref<64x512xf32, #tpu.memory_space<vmem>>, vector<16xf32>,
        %mul3A_294 = arith.constant 16 : i32
        %mul3A_295 = arith.muli %scan3A_103, %mul3A_294 : i32
        %swap3A_296 = arith.constant 9 : i32
        %swap3A_297 = arith.index_cast %swap3A_296 : i32 to index
        %swap3A_298 = arith.index_cast %mul3A_295 : i32 to index
        %swap3A_299 = tpu.vector_load %arg8[%swap3A_297, %swap3A_298] {strides = array<i32>} : memref<64x512xf32, #tpu.memory_space<vmem>>, vector<16xf32>,
        tpu.vector_store %arg8[%swap3A_297, %swap3A_298], %gather3A_152 {strides = array<i32>} : memref<64x512xf32, #tpu.memory_space<vmem>>, vector<16xf32>,
        %mul3A_300 = arith.constant 16 : i32
        %mul3A_301 = arith.muli %scan3A_103, %mul3A_300 : i32
        %swap3A_302 = arith.constant 10 : i32
        %swap3A_303 = arith.index_cast %swap3A_302 : i32 to index
        %swap3A_304 = arith.index_cast %mul3A_301 : i32 to index
        %swap3A_305 = tpu.vector_load %arg8[%swap3A_303, %swap3A_304] {strides = array<i32>} : memref<64x512xf32, #tpu.memory_space<vmem>>, vector<16xf32>,
        tpu.vector_store %arg8[%swap3A_303, %swap3A_304], %gather3A_156 {strides = array<i32>} : memref<64x512xf32, #tpu.memory_space<vmem>>, vector<16xf32>,
        %mul3A_306 = arith.constant 16 : i32
        %mul3A_307 = arith.muli %scan3A_103, %mul3A_306 : i32
        %swap3A_308 = arith.constant 11 : i32
        %swap3A_309 = arith.index_cast %swap3A_308 : i32 to index
        %swap3A_310 = arith.index_cast %mul3A_307 : i32 to index
        %swap3A_311 = tpu.vector_load %arg8[%swap3A_309, %swap3A_310] {strides = array<i32>} : memref<64x512xf32, #tpu.memory_space<vmem>>, vector<16xf32>,
        tpu.vector_store %arg8[%swap3A_309, %swap3A_310], %gather3A_160 {strides = array<i32>} : memref<64x512xf32, #tpu.memory_space<vmem>>, vector<16xf32>,
        %mul3A_312 = arith.constant 16 : i32
        %mul3A_313 = arith.muli %scan3A_103, %mul3A_312 : i32
        %swap3A_314 = arith.constant 12 : i32
        %swap3A_315 = arith.index_cast %swap3A_314 : i32 to index
        %swap3A_316 = arith.index_cast %mul3A_313 : i32 to index
        %swap3A_317 = tpu.vector_load %arg8[%swap3A_315, %swap3A_316] {strides = array<i32>} : memref<64x512xf32, #tpu.memory_space<vmem>>, vector<16xf32>,
        tpu.vector_store %arg8[%swap3A_315, %swap3A_316], %gather3A_164 {strides = array<i32>} : memref<64x512xf32, #tpu.memory_space<vmem>>, vector<16xf32>,
        %mul3A_318 = arith.constant 16 : i32
        %mul3A_319 = arith.muli %scan3A_103, %mul3A_318 : i32
        %swap3A_320 = arith.constant 13 : i32
        %swap3A_321 = arith.index_cast %swap3A_320 : i32 to index
        %swap3A_322 = arith.index_cast %mul3A_319 : i32 to index
        %swap3A_323 = tpu.vector_load %arg8[%swap3A_321, %swap3A_322] {strides = array<i32>} : memref<64x512xf32, #tpu.memory_space<vmem>>, vector<16xf32>,
        tpu.vector_store %arg8[%swap3A_321, %swap3A_322], %gather3A_168 {strides = array<i32>} : memref<64x512xf32, #tpu.memory_space<vmem>>, vector<16xf32>,
        %mul3A_324 = arith.constant 16 : i32
        %mul3A_325 = arith.muli %scan3A_103, %mul3A_324 : i32
        %swap3A_326 = arith.constant 14 : i32
        %swap3A_327 = arith.index_cast %swap3A_326 : i32 to index
        %swap3A_328 = arith.index_cast %mul3A_325 : i32 to index
        %swap3A_329 = tpu.vector_load %arg8[%swap3A_327, %swap3A_328] {strides = array<i32>} : memref<64x512xf32, #tpu.memory_space<vmem>>, vector<16xf32>,
        tpu.vector_store %arg8[%swap3A_327, %swap3A_328], %gather3A_172 {strides = array<i32>} : memref<64x512xf32, #tpu.memory_space<vmem>>, vector<16xf32>,
        %mul3A_330 = arith.constant 16 : i32
        %mul3A_331 = arith.muli %scan3A_103, %mul3A_330 : i32
        %swap3A_332 = arith.constant 15 : i32
        %swap3A_333 = arith.index_cast %swap3A_332 : i32 to index
        %swap3A_334 = arith.index_cast %mul3A_331 : i32 to index
        %swap3A_335 = tpu.vector_load %arg8[%swap3A_333, %swap3A_334] {strides = array<i32>} : memref<64x512xf32, #tpu.memory_space<vmem>>, vector<16xf32>,
        tpu.vector_store %arg8[%swap3A_333, %swap3A_334], %gather3A_176 {strides = array<i32>} : memref<64x512xf32, #tpu.memory_space<vmem>>, vector<16xf32>,
        %add3A_336 = arith.constant 6432 : i32
        %add3A_337 = vector.broadcast %add3A_336 : i32 to vector<16xi32>
        %add3A_338 = arith.addi %convert_element_type3A_113, %add3A_337 : vector<16xi32>
        %gather3A_339 = tpu.vector_load_idx %arg9[%add3A_338] : memref<12864xf32, #tpu.memory_space<vmem>>[vector<16xi32>], vector<16xf32>,
        %add3A_340 = arith.constant 6633 : i32
        %add3A_341 = vector.broadcast %add3A_340 : i32 to vector<16xi32>
        %add3A_342 = arith.addi %convert_element_type3A_113, %add3A_341 : vector<16xi32>
        %gather3A_343 = tpu.vector_load_idx %arg9[%add3A_342] : memref<12864xf32, #tpu.memory_space<vmem>>[vector<16xi32>], vector<16xf32>,
        %add3A_344 = arith.constant 6834 : i32
        %add3A_345 = vector.broadcast %add3A_344 : i32 to vector<16xi32>
        %add3A_346 = arith.addi %convert_element_type3A_113, %add3A_345 : vector<16xi32>
        %gather3A_347 = tpu.vector_load_idx %arg9[%add3A_346] : memref<12864xf32, #tpu.memory_space<vmem>>[vector<16xi32>], vector<16xf32>,
        %add3A_348 = arith.constant 7035 : i32
        %add3A_349 = vector.broadcast %add3A_348 : i32 to vector<16xi32>
        %add3A_350 = arith.addi %convert_element_type3A_113, %add3A_349 : vector<16xi32>
        %gather3A_351 = tpu.vector_load_idx %arg9[%add3A_350] : memref<12864xf32, #tpu.memory_space<vmem>>[vector<16xi32>], vector<16xf32>,
        %add3A_352 = arith.constant 7236 : i32
        %add3A_353 = vector.broadcast %add3A_352 : i32 to vector<16xi32>
        %add3A_354 = arith.addi %convert_element_type3A_113, %add3A_353 : vector<16xi32>
        %gather3A_355 = tpu.vector_load_idx %arg9[%add3A_354] : memref<12864xf32, #tpu.memory_space<vmem>>[vector<16xi32>], vector<16xf32>,
        %add3A_356 = arith.constant 7437 : i32
        %add3A_357 = vector.broadcast %add3A_356 : i32 to vector<16xi32>
        %add3A_358 = arith.addi %convert_element_type3A_113, %add3A_357 : vector<16xi32>
        %gather3A_359 = tpu.vector_load_idx %arg9[%add3A_358] : memref<12864xf32, #tpu.memory_space<vmem>>[vector<16xi32>], vector<16xf32>,
        %add3A_360 = arith.constant 7638 : i32
        %add3A_361 = vector.broadcast %add3A_360 : i32 to vector<16xi32>
        %add3A_362 = arith.addi %convert_element_type3A_113, %add3A_361 : vector<16xi32>
        %gather3A_363 = tpu.vector_load_idx %arg9[%add3A_362] : memref<12864xf32, #tpu.memory_space<vmem>>[vector<16xi32>], vector<16xf32>,
        %add3A_364 = arith.constant 7839 : i32
        %add3A_365 = vector.broadcast %add3A_364 : i32 to vector<16xi32>
        %add3A_366 = arith.addi %convert_element_type3A_113, %add3A_365 : vector<16xi32>
        %gather3A_367 = tpu.vector_load_idx %arg9[%add3A_366] : memref<12864xf32, #tpu.memory_space<vmem>>[vector<16xi32>], vector<16xf32>,
        %add3A_368 = arith.constant 8040 : i32
        %add3A_369 = vector.broadcast %add3A_368 : i32 to vector<16xi32>
        %add3A_370 = arith.addi %convert_element_type3A_113, %add3A_369 : vector<16xi32>
        %gather3A_371 = tpu.vector_load_idx %arg9[%add3A_370] : memref<12864xf32, #tpu.memory_space<vmem>>[vector<16xi32>], vector<16xf32>,
        %add3A_372 = arith.constant 8241 : i32
        %add3A_373 = vector.broadcast %add3A_372 : i32 to vector<16xi32>
        %add3A_374 = arith.addi %convert_element_type3A_113, %add3A_373 : vector<16xi32>
        %gather3A_375 = tpu.vector_load_idx %arg9[%add3A_374] : memref<12864xf32, #tpu.memory_space<vmem>>[vector<16xi32>], vector<16xf32>,
        %add3A_376 = arith.constant 8442 : i32
        %add3A_377 = vector.broadcast %add3A_376 : i32 to vector<16xi32>
        %add3A_378 = arith.addi %convert_element_type3A_113, %add3A_377 : vector<16xi32>
        %gather3A_379 = tpu.vector_load_idx %arg9[%add3A_378] : memref<12864xf32, #tpu.memory_space<vmem>>[vector<16xi32>], vector<16xf32>,
        %add3A_380 = arith.constant 8643 : i32
        %add3A_381 = vector.broadcast %add3A_380 : i32 to vector<16xi32>
        %add3A_382 = arith.addi %convert_element_type3A_113, %add3A_381 : vector<16xi32>
        %gather3A_383 = tpu.vector_load_idx %arg9[%add3A_382] : memref<12864xf32, #tpu.memory_space<vmem>>[vector<16xi32>], vector<16xf32>,
        %add3A_384 = arith.constant 8844 : i32
        %add3A_385 = vector.broadcast %add3A_384 : i32 to vector<16xi32>
        %add3A_386 = arith.addi %convert_element_type3A_113, %add3A_385 : vector<16xi32>
        %gather3A_387 = tpu.vector_load_idx %arg9[%add3A_386] : memref<12864xf32, #tpu.memory_space<vmem>>[vector<16xi32>], vector<16xf32>,
        %add3A_388 = arith.constant 9045 : i32
        %add3A_389 = vector.broadcast %add3A_388 : i32 to vector<16xi32>
        %add3A_390 = arith.addi %convert_element_type3A_113, %add3A_389 : vector<16xi32>
        %gather3A_391 = tpu.vector_load_idx %arg9[%add3A_390] : memref<12864xf32, #tpu.memory_space<vmem>>[vector<16xi32>], vector<16xf32>,
        %add3A_392 = arith.constant 9246 : i32
        %add3A_393 = vector.broadcast %add3A_392 : i32 to vector<16xi32>
        %add3A_394 = arith.addi %convert_element_type3A_113, %add3A_393 : vector<16xi32>
        %gather3A_395 = tpu.vector_load_idx %arg9[%add3A_394] : memref<12864xf32, #tpu.memory_space<vmem>>[vector<16xi32>], vector<16xf32>,
        %add3A_396 = arith.constant 9447 : i32
        %add3A_397 = vector.broadcast %add3A_396 : i32 to vector<16xi32>
        %add3A_398 = arith.addi %convert_element_type3A_113, %add3A_397 : vector<16xi32>
        %gather3A_399 = tpu.vector_load_idx %arg9[%add3A_398] : memref<12864xf32, #tpu.memory_space<vmem>>[vector<16xi32>], vector<16xf32>,
        %mul3A_400 = arith.constant 16 : i32
        %mul3A_401 = arith.muli %scan3A_103, %mul3A_400 : i32
        %swap3A_402 = arith.constant 16 : i32
        %swap3A_403 = arith.index_cast %swap3A_402 : i32 to index
        %swap3A_404 = arith.index_cast %mul3A_401 : i32 to index
        %swap3A_405 = tpu.vector_load %arg8[%swap3A_403, %swap3A_404] {strides = array<i32>} : memref<64x512xf32, #tpu.memory_space<vmem>>, vector<16xf32>,
        tpu.vector_store %arg8[%swap3A_403, %swap3A_404], %gather3A_180 {strides = array<i32>} : memref<64x512xf32, #tpu.memory_space<vmem>>, vector<16xf32>,
        %mul3A_406 = arith.constant 16 : i32
        %mul3A_407 = arith.muli %scan3A_103, %mul3A_406 : i32
        %swap3A_408 = arith.constant 17 : i32
        %swap3A_409 = arith.index_cast %swap3A_408 : i32 to index
        %swap3A_410 = arith.index_cast %mul3A_407 : i32 to index
        %swap3A_411 = tpu.vector_load %arg8[%swap3A_409, %swap3A_410] {strides = array<i32>} : memref<64x512xf32, #tpu.memory_space<vmem>>, vector<16xf32>,
        tpu.vector_store %arg8[%swap3A_409, %swap3A_410], %gather3A_184 {strides = array<i32>} : memref<64x512xf32, #tpu.memory_space<vmem>>, vector<16xf32>,
        %mul3A_412 = arith.constant 16 : i32
        %mul3A_413 = arith.muli %scan3A_103, %mul3A_412 : i32
        %swap3A_414 = arith.constant 18 : i32
        %swap3A_415 = arith.index_cast %swap3A_414 : i32 to index
        %swap3A_416 = arith.index_cast %mul3A_413 : i32 to index
        %swap3A_417 = tpu.vector_load %arg8[%swap3A_415, %swap3A_416] {strides = array<i32>} : memref<64x512xf32, #tpu.memory_space<vmem>>, vector<16xf32>,
        tpu.vector_store %arg8[%swap3A_415, %swap3A_416], %gather3A_188 {strides = array<i32>} : memref<64x512xf32, #tpu.memory_space<vmem>>, vector<16xf32>,
        %mul3A_418 = arith.constant 16 : i32
        %mul3A_419 = arith.muli %scan3A_103, %mul3A_418 : i32
        %swap3A_420 = arith.constant 19 : i32
        %swap3A_421 = arith.index_cast %swap3A_420 : i32 to index
        %swap3A_422 = arith.index_cast %mul3A_419 : i32 to index
        %swap3A_423 = tpu.vector_load %arg8[%swap3A_421, %swap3A_422] {strides = array<i32>} : memref<64x512xf32, #tpu.memory_space<vmem>>, vector<16xf32>,
        tpu.vector_store %arg8[%swap3A_421, %swap3A_422], %gather3A_192 {strides = array<i32>} : memref<64x512xf32, #tpu.memory_space<vmem>>, vector<16xf32>,
        %mul3A_424 = arith.constant 16 : i32
        %mul3A_425 = arith.muli %scan3A_103, %mul3A_424 : i32
        %swap3A_426 = arith.constant 20 : i32
        %swap3A_427 = arith.index_cast %swap3A_426 : i32 to index
        %swap3A_428 = arith.index_cast %mul3A_425 : i32 to index
        %swap3A_429 = tpu.vector_load %arg8[%swap3A_427, %swap3A_428] {strides = array<i32>} : memref<64x512xf32, #tpu.memory_space<vmem>>, vector<16xf32>,
        tpu.vector_store %arg8[%swap3A_427, %swap3A_428], %gather3A_196 {strides = array<i32>} : memref<64x512xf32, #tpu.memory_space<vmem>>, vector<16xf32>,
        %mul3A_430 = arith.constant 16 : i32
        %mul3A_431 = arith.muli %scan3A_103, %mul3A_430 : i32
        %swap3A_432 = arith.constant 21 : i32
        %swap3A_433 = arith.index_cast %swap3A_432 : i32 to index
        %swap3A_434 = arith.index_cast %mul3A_431 : i32 to index
        %swap3A_435 = tpu.vector_load %arg8[%swap3A_433, %swap3A_434] {strides = array<i32>} : memref<64x512xf32, #tpu.memory_space<vmem>>, vector<16xf32>,
        tpu.vector_store %arg8[%swap3A_433, %swap3A_434], %gather3A_200 {strides = array<i32>} : memref<64x512xf32, #tpu.memory_space<vmem>>, vector<16xf32>,
        %mul3A_436 = arith.constant 16 : i32
        %mul3A_437 = arith.muli %scan3A_103, %mul3A_436 : i32
        %swap3A_438 = arith.constant 22 : i32
        %swap3A_439 = arith.index_cast %swap3A_438 : i32 to index
        %swap3A_440 = arith.index_cast %mul3A_437 : i32 to index
        %swap3A_441 = tpu.vector_load %arg8[%swap3A_439, %swap3A_440] {strides = array<i32>} : memref<64x512xf32, #tpu.memory_space<vmem>>, vector<16xf32>,
        tpu.vector_store %arg8[%swap3A_439, %swap3A_440], %gather3A_204 {strides = array<i32>} : memref<64x512xf32, #tpu.memory_space<vmem>>, vector<16xf32>,
        %mul3A_442 = arith.constant 16 : i32
        %mul3A_443 = arith.muli %scan3A_103, %mul3A_442 : i32
        %swap3A_444 = arith.constant 23 : i32
        %swap3A_445 = arith.index_cast %swap3A_444 : i32 to index
        %swap3A_446 = arith.index_cast %mul3A_443 : i32 to index
        %swap3A_447 = tpu.vector_load %arg8[%swap3A_445, %swap3A_446] {strides = array<i32>} : memref<64x512xf32, #tpu.memory_space<vmem>>, vector<16xf32>,
        tpu.vector_store %arg8[%swap3A_445, %swap3A_446], %gather3A_208 {strides = array<i32>} : memref<64x512xf32, #tpu.memory_space<vmem>>, vector<16xf32>,
        %mul3A_448 = arith.constant 16 : i32
        %mul3A_449 = arith.muli %scan3A_103, %mul3A_448 : i32
        %swap3A_450 = arith.constant 24 : i32
        %swap3A_451 = arith.index_cast %swap3A_450 : i32 to index
        %swap3A_452 = arith.index_cast %mul3A_449 : i32 to index
        %swap3A_453 = tpu.vector_load %arg8[%swap3A_451, %swap3A_452] {strides = array<i32>} : memref<64x512xf32, #tpu.memory_space<vmem>>, vector<16xf32>,
        tpu.vector_store %arg8[%swap3A_451, %swap3A_452], %gather3A_212 {strides = array<i32>} : memref<64x512xf32, #tpu.memory_space<vmem>>, vector<16xf32>,
        %mul3A_454 = arith.constant 16 : i32
        %mul3A_455 = arith.muli %scan3A_103, %mul3A_454 : i32
        %swap3A_456 = arith.constant 25 : i32
        %swap3A_457 = arith.index_cast %swap3A_456 : i32 to index
        %swap3A_458 = arith.index_cast %mul3A_455 : i32 to index
        %swap3A_459 = tpu.vector_load %arg8[%swap3A_457, %swap3A_458] {strides = array<i32>} : memref<64x512xf32, #tpu.memory_space<vmem>>, vector<16xf32>,
        tpu.vector_store %arg8[%swap3A_457, %swap3A_458], %gather3A_216 {strides = array<i32>} : memref<64x512xf32, #tpu.memory_space<vmem>>, vector<16xf32>,
        %mul3A_460 = arith.constant 16 : i32
        %mul3A_461 = arith.muli %scan3A_103, %mul3A_460 : i32
        %swap3A_462 = arith.constant 26 : i32
        %swap3A_463 = arith.index_cast %swap3A_462 : i32 to index
        %swap3A_464 = arith.index_cast %mul3A_461 : i32 to index
        %swap3A_465 = tpu.vector_load %arg8[%swap3A_463, %swap3A_464] {strides = array<i32>} : memref<64x512xf32, #tpu.memory_space<vmem>>, vector<16xf32>,
        tpu.vector_store %arg8[%swap3A_463, %swap3A_464], %gather3A_220 {strides = array<i32>} : memref<64x512xf32, #tpu.memory_space<vmem>>, vector<16xf32>,
        %mul3A_466 = arith.constant 16 : i32
        %mul3A_467 = arith.muli %scan3A_103, %mul3A_466 : i32
        %swap3A_468 = arith.constant 27 : i32
        %swap3A_469 = arith.index_cast %swap3A_468 : i32 to index
        %swap3A_470 = arith.index_cast %mul3A_467 : i32 to index
        %swap3A_471 = tpu.vector_load %arg8[%swap3A_469, %swap3A_470] {strides = array<i32>} : memref<64x512xf32, #tpu.memory_space<vmem>>, vector<16xf32>,
        tpu.vector_store %arg8[%swap3A_469, %swap3A_470], %gather3A_224 {strides = array<i32>} : memref<64x512xf32, #tpu.memory_space<vmem>>, vector<16xf32>,
        %mul3A_472 = arith.constant 16 : i32
        %mul3A_473 = arith.muli %scan3A_103, %mul3A_472 : i32
        %swap3A_474 = arith.constant 28 : i32
        %swap3A_475 = arith.index_cast %swap3A_474 : i32 to index
        %swap3A_476 = arith.index_cast %mul3A_473 : i32 to index
        %swap3A_477 = tpu.vector_load %arg8[%swap3A_475, %swap3A_476] {strides = array<i32>} : memref<64x512xf32, #tpu.memory_space<vmem>>, vector<16xf32>,
        tpu.vector_store %arg8[%swap3A_475, %swap3A_476], %gather3A_228 {strides = array<i32>} : memref<64x512xf32, #tpu.memory_space<vmem>>, vector<16xf32>,
        %mul3A_478 = arith.constant 16 : i32
        %mul3A_479 = arith.muli %scan3A_103, %mul3A_478 : i32
        %swap3A_480 = arith.constant 29 : i32
        %swap3A_481 = arith.index_cast %swap3A_480 : i32 to index
        %swap3A_482 = arith.index_cast %mul3A_479 : i32 to index
        %swap3A_483 = tpu.vector_load %arg8[%swap3A_481, %swap3A_482] {strides = array<i32>} : memref<64x512xf32, #tpu.memory_space<vmem>>, vector<16xf32>,
        tpu.vector_store %arg8[%swap3A_481, %swap3A_482], %gather3A_232 {strides = array<i32>} : memref<64x512xf32, #tpu.memory_space<vmem>>, vector<16xf32>,
        %mul3A_484 = arith.constant 16 : i32
        %mul3A_485 = arith.muli %scan3A_103, %mul3A_484 : i32
        %swap3A_486 = arith.constant 30 : i32
        %swap3A_487 = arith.index_cast %swap3A_486 : i32 to index
        %swap3A_488 = arith.index_cast %mul3A_485 : i32 to index
        %swap3A_489 = tpu.vector_load %arg8[%swap3A_487, %swap3A_488] {strides = array<i32>} : memref<64x512xf32, #tpu.memory_space<vmem>>, vector<16xf32>,
        tpu.vector_store %arg8[%swap3A_487, %swap3A_488], %gather3A_236 {strides = array<i32>} : memref<64x512xf32, #tpu.memory_space<vmem>>, vector<16xf32>,
        %mul3A_490 = arith.constant 16 : i32
        %mul3A_491 = arith.muli %scan3A_103, %mul3A_490 : i32
        %swap3A_492 = arith.constant 31 : i32
        %swap3A_493 = arith.index_cast %swap3A_492 : i32 to index
        %swap3A_494 = arith.index_cast %mul3A_491 : i32 to index
        %swap3A_495 = tpu.vector_load %arg8[%swap3A_493, %swap3A_494] {strides = array<i32>} : memref<64x512xf32, #tpu.memory_space<vmem>>, vector<16xf32>,
        tpu.vector_store %arg8[%swap3A_493, %swap3A_494], %gather3A_240 {strides = array<i32>} : memref<64x512xf32, #tpu.memory_space<vmem>>, vector<16xf32>,
        %add3A_496 = arith.constant 9648 : i32
        %add3A_497 = vector.broadcast %add3A_496 : i32 to vector<16xi32>
        %add3A_498 = arith.addi %convert_element_type3A_113, %add3A_497 : vector<16xi32>
        %gather3A_499 = tpu.vector_load_idx %arg9[%add3A_498] : memref<12864xf32, #tpu.memory_space<vmem>>[vector<16xi32>], vector<16xf32>,
        %add3A_500 = arith.constant 9849 : i32
        %add3A_501 = vector.broadcast %add3A_500 : i32 to vector<16xi32>
        %add3A_502 = arith.addi %convert_element_type3A_113, %add3A_501 : vector<16xi32>
        %gather3A_503 = tpu.vector_load_idx %arg9[%add3A_502] : memref<12864xf32, #tpu.memory_space<vmem>>[vector<16xi32>], vector<16xf32>,
        %add3A_504 = arith.constant 10050 : i32
        %add3A_505 = vector.broadcast %add3A_504 : i32 to vector<16xi32>
        %add3A_506 = arith.addi %convert_element_type3A_113, %add3A_505 : vector<16xi32>
        %gather3A_507 = tpu.vector_load_idx %arg9[%add3A_506] : memref<12864xf32, #tpu.memory_space<vmem>>[vector<16xi32>], vector<16xf32>,
        %add3A_508 = arith.constant 10251 : i32
        %add3A_509 = vector.broadcast %add3A_508 : i32 to vector<16xi32>
        %add3A_510 = arith.addi %convert_element_type3A_113, %add3A_509 : vector<16xi32>
        %gather3A_511 = tpu.vector_load_idx %arg9[%add3A_510] : memref<12864xf32, #tpu.memory_space<vmem>>[vector<16xi32>], vector<16xf32>,
        %add3A_512 = arith.constant 10452 : i32
        %add3A_513 = vector.broadcast %add3A_512 : i32 to vector<16xi32>
        %add3A_514 = arith.addi %convert_element_type3A_113, %add3A_513 : vector<16xi32>
        %gather3A_515 = tpu.vector_load_idx %arg9[%add3A_514] : memref<12864xf32, #tpu.memory_space<vmem>>[vector<16xi32>], vector<16xf32>,
        %add3A_516 = arith.constant 10653 : i32
        %add3A_517 = vector.broadcast %add3A_516 : i32 to vector<16xi32>
        %add3A_518 = arith.addi %convert_element_type3A_113, %add3A_517 : vector<16xi32>
        %gather3A_519 = tpu.vector_load_idx %arg9[%add3A_518] : memref<12864xf32, #tpu.memory_space<vmem>>[vector<16xi32>], vector<16xf32>,
        %add3A_520 = arith.constant 10854 : i32
        %add3A_521 = vector.broadcast %add3A_520 : i32 to vector<16xi32>
        %add3A_522 = arith.addi %convert_element_type3A_113, %add3A_521 : vector<16xi32>
        %gather3A_523 = tpu.vector_load_idx %arg9[%add3A_522] : memref<12864xf32, #tpu.memory_space<vmem>>[vector<16xi32>], vector<16xf32>,
        %add3A_524 = arith.constant 11055 : i32
        %add3A_525 = vector.broadcast %add3A_524 : i32 to vector<16xi32>
        %add3A_526 = arith.addi %convert_element_type3A_113, %add3A_525 : vector<16xi32>
        %gather3A_527 = tpu.vector_load_idx %arg9[%add3A_526] : memref<12864xf32, #tpu.memory_space<vmem>>[vector<16xi32>], vector<16xf32>,
        %add3A_528 = arith.constant 11256 : i32
        %add3A_529 = vector.broadcast %add3A_528 : i32 to vector<16xi32>
        %add3A_530 = arith.addi %convert_element_type3A_113, %add3A_529 : vector<16xi32>
        %gather3A_531 = tpu.vector_load_idx %arg9[%add3A_530] : memref<12864xf32, #tpu.memory_space<vmem>>[vector<16xi32>], vector<16xf32>,
        %add3A_532 = arith.constant 11457 : i32
        %add3A_533 = vector.broadcast %add3A_532 : i32 to vector<16xi32>
        %add3A_534 = arith.addi %convert_element_type3A_113, %add3A_533 : vector<16xi32>
        %gather3A_535 = tpu.vector_load_idx %arg9[%add3A_534] : memref<12864xf32, #tpu.memory_space<vmem>>[vector<16xi32>], vector<16xf32>,
        %add3A_536 = arith.constant 11658 : i32
        %add3A_537 = vector.broadcast %add3A_536 : i32 to vector<16xi32>
        %add3A_538 = arith.addi %convert_element_type3A_113, %add3A_537 : vector<16xi32>
        %gather3A_539 = tpu.vector_load_idx %arg9[%add3A_538] : memref<12864xf32, #tpu.memory_space<vmem>>[vector<16xi32>], vector<16xf32>,
        %add3A_540 = arith.constant 11859 : i32
        %add3A_541 = vector.broadcast %add3A_540 : i32 to vector<16xi32>
        %add3A_542 = arith.addi %convert_element_type3A_113, %add3A_541 : vector<16xi32>
        %gather3A_543 = tpu.vector_load_idx %arg9[%add3A_542] : memref<12864xf32, #tpu.memory_space<vmem>>[vector<16xi32>], vector<16xf32>,
        %add3A_544 = arith.constant 12060 : i32
        %add3A_545 = vector.broadcast %add3A_544 : i32 to vector<16xi32>
        %add3A_546 = arith.addi %convert_element_type3A_113, %add3A_545 : vector<16xi32>
        %gather3A_547 = tpu.vector_load_idx %arg9[%add3A_546] : memref<12864xf32, #tpu.memory_space<vmem>>[vector<16xi32>], vector<16xf32>,
        %add3A_548 = arith.constant 12261 : i32
        %add3A_549 = vector.broadcast %add3A_548 : i32 to vector<16xi32>
        %add3A_550 = arith.addi %convert_element_type3A_113, %add3A_549 : vector<16xi32>
        %gather3A_551 = tpu.vector_load_idx %arg9[%add3A_550] : memref<12864xf32, #tpu.memory_space<vmem>>[vector<16xi32>], vector<16xf32>,
        %add3A_552 = arith.constant 12462 : i32
        %add3A_553 = vector.broadcast %add3A_552 : i32 to vector<16xi32>
        %add3A_554 = arith.addi %convert_element_type3A_113, %add3A_553 : vector<16xi32>
        %gather3A_555 = tpu.vector_load_idx %arg9[%add3A_554] : memref<12864xf32, #tpu.memory_space<vmem>>[vector<16xi32>], vector<16xf32>,
        %add3A_556 = arith.constant 12663 : i32
        %add3A_557 = vector.broadcast %add3A_556 : i32 to vector<16xi32>
        %add3A_558 = arith.addi %convert_element_type3A_113, %add3A_557 : vector<16xi32>
        %gather3A_559 = tpu.vector_load_idx %arg9[%add3A_558] : memref<12864xf32, #tpu.memory_space<vmem>>[vector<16xi32>], vector<16xf32>,
        %mul3A_560 = arith.constant 16 : i32
        %mul3A_561 = arith.muli %scan3A_103, %mul3A_560 : i32
        %swap3A_562 = arith.constant 32 : i32
        %swap3A_563 = arith.index_cast %swap3A_562 : i32 to index
        %swap3A_564 = arith.index_cast %mul3A_561 : i32 to index
        %swap3A_565 = tpu.vector_load %arg8[%swap3A_563, %swap3A_564] {strides = array<i32>} : memref<64x512xf32, #tpu.memory_space<vmem>>, vector<16xf32>,
        tpu.vector_store %arg8[%swap3A_563, %swap3A_564], %gather3A_339 {strides = array<i32>} : memref<64x512xf32, #tpu.memory_space<vmem>>, vector<16xf32>,
        %mul3A_566 = arith.constant 16 : i32
        %mul3A_567 = arith.muli %scan3A_103, %mul3A_566 : i32
        %swap3A_568 = arith.constant 33 : i32
        %swap3A_569 = arith.index_cast %swap3A_568 : i32 to index
        %swap3A_570 = arith.index_cast %mul3A_567 : i32 to index
        %swap3A_571 = tpu.vector_load %arg8[%swap3A_569, %swap3A_570] {strides = array<i32>} : memref<64x512xf32, #tpu.memory_space<vmem>>, vector<16xf32>,
        tpu.vector_store %arg8[%swap3A_569, %swap3A_570], %gather3A_343 {strides = array<i32>} : memref<64x512xf32, #tpu.memory_space<vmem>>, vector<16xf32>,
        %mul3A_572 = arith.constant 16 : i32
        %mul3A_573 = arith.muli %scan3A_103, %mul3A_572 : i32
        %swap3A_574 = arith.constant 34 : i32
        %swap3A_575 = arith.index_cast %swap3A_574 : i32 to index
        %swap3A_576 = arith.index_cast %mul3A_573 : i32 to index
        %swap3A_577 = tpu.vector_load %arg8[%swap3A_575, %swap3A_576] {strides = array<i32>} : memref<64x512xf32, #tpu.memory_space<vmem>>, vector<16xf32>,
        tpu.vector_store %arg8[%swap3A_575, %swap3A_576], %gather3A_347 {strides = array<i32>} : memref<64x512xf32, #tpu.memory_space<vmem>>, vector<16xf32>,
        %mul3A_578 = arith.constant 16 : i32
        %mul3A_579 = arith.muli %scan3A_103, %mul3A_578 : i32
        %swap3A_580 = arith.constant 35 : i32
        %swap3A_581 = arith.index_cast %swap3A_580 : i32 to index
        %swap3A_582 = arith.index_cast %mul3A_579 : i32 to index
        %swap3A_583 = tpu.vector_load %arg8[%swap3A_581, %swap3A_582] {strides = array<i32>} : memref<64x512xf32, #tpu.memory_space<vmem>>, vector<16xf32>,
        tpu.vector_store %arg8[%swap3A_581, %swap3A_582], %gather3A_351 {strides = array<i32>} : memref<64x512xf32, #tpu.memory_space<vmem>>, vector<16xf32>,
        %mul3A_584 = arith.constant 16 : i32
        %mul3A_585 = arith.muli %scan3A_103, %mul3A_584 : i32
        %swap3A_586 = arith.constant 36 : i32
        %swap3A_587 = arith.index_cast %swap3A_586 : i32 to index
        %swap3A_588 = arith.index_cast %mul3A_585 : i32 to index
        %swap3A_589 = tpu.vector_load %arg8[%swap3A_587, %swap3A_588] {strides = array<i32>} : memref<64x512xf32, #tpu.memory_space<vmem>>, vector<16xf32>,
        tpu.vector_store %arg8[%swap3A_587, %swap3A_588], %gather3A_355 {strides = array<i32>} : memref<64x512xf32, #tpu.memory_space<vmem>>, vector<16xf32>,
        %mul3A_590 = arith.constant 16 : i32
        %mul3A_591 = arith.muli %scan3A_103, %mul3A_590 : i32
        %swap3A_592 = arith.constant 37 : i32
        %swap3A_593 = arith.index_cast %swap3A_592 : i32 to index
        %swap3A_594 = arith.index_cast %mul3A_591 : i32 to index
        %swap3A_595 = tpu.vector_load %arg8[%swap3A_593, %swap3A_594] {strides = array<i32>} : memref<64x512xf32, #tpu.memory_space<vmem>>, vector<16xf32>,
        tpu.vector_store %arg8[%swap3A_593, %swap3A_594], %gather3A_359 {strides = array<i32>} : memref<64x512xf32, #tpu.memory_space<vmem>>, vector<16xf32>,
        %mul3A_596 = arith.constant 16 : i32
        %mul3A_597 = arith.muli %scan3A_103, %mul3A_596 : i32
        %swap3A_598 = arith.constant 38 : i32
        %swap3A_599 = arith.index_cast %swap3A_598 : i32 to index
        %swap3A_600 = arith.index_cast %mul3A_597 : i32 to index
        %swap3A_601 = tpu.vector_load %arg8[%swap3A_599, %swap3A_600] {strides = array<i32>} : memref<64x512xf32, #tpu.memory_space<vmem>>, vector<16xf32>,
        tpu.vector_store %arg8[%swap3A_599, %swap3A_600], %gather3A_363 {strides = array<i32>} : memref<64x512xf32, #tpu.memory_space<vmem>>, vector<16xf32>,
        %mul3A_602 = arith.constant 16 : i32
        %mul3A_603 = arith.muli %scan3A_103, %mul3A_602 : i32
        %swap3A_604 = arith.constant 39 : i32
        %swap3A_605 = arith.index_cast %swap3A_604 : i32 to index
        %swap3A_606 = arith.index_cast %mul3A_603 : i32 to index
        %swap3A_607 = tpu.vector_load %arg8[%swap3A_605, %swap3A_606] {strides = array<i32>} : memref<64x512xf32, #tpu.memory_space<vmem>>, vector<16xf32>,
        tpu.vector_store %arg8[%swap3A_605, %swap3A_606], %gather3A_367 {strides = array<i32>} : memref<64x512xf32, #tpu.memory_space<vmem>>, vector<16xf32>,
        %mul3A_608 = arith.constant 16 : i32
        %mul3A_609 = arith.muli %scan3A_103, %mul3A_608 : i32
        %swap3A_610 = arith.constant 40 : i32
        %swap3A_611 = arith.index_cast %swap3A_610 : i32 to index
        %swap3A_612 = arith.index_cast %mul3A_609 : i32 to index
        %swap3A_613 = tpu.vector_load %arg8[%swap3A_611, %swap3A_612] {strides = array<i32>} : memref<64x512xf32, #tpu.memory_space<vmem>>, vector<16xf32>,
        tpu.vector_store %arg8[%swap3A_611, %swap3A_612], %gather3A_371 {strides = array<i32>} : memref<64x512xf32, #tpu.memory_space<vmem>>, vector<16xf32>,
        %mul3A_614 = arith.constant 16 : i32
        %mul3A_615 = arith.muli %scan3A_103, %mul3A_614 : i32
        %swap3A_616 = arith.constant 41 : i32
        %swap3A_617 = arith.index_cast %swap3A_616 : i32 to index
        %swap3A_618 = arith.index_cast %mul3A_615 : i32 to index
        %swap3A_619 = tpu.vector_load %arg8[%swap3A_617, %swap3A_618] {strides = array<i32>} : memref<64x512xf32, #tpu.memory_space<vmem>>, vector<16xf32>,
        tpu.vector_store %arg8[%swap3A_617, %swap3A_618], %gather3A_375 {strides = array<i32>} : memref<64x512xf32, #tpu.memory_space<vmem>>, vector<16xf32>,
        %mul3A_620 = arith.constant 16 : i32
        %mul3A_621 = arith.muli %scan3A_103, %mul3A_620 : i32
        %swap3A_622 = arith.constant 42 : i32
        %swap3A_623 = arith.index_cast %swap3A_622 : i32 to index
        %swap3A_624 = arith.index_cast %mul3A_621 : i32 to index
        %swap3A_625 = tpu.vector_load %arg8[%swap3A_623, %swap3A_624] {strides = array<i32>} : memref<64x512xf32, #tpu.memory_space<vmem>>, vector<16xf32>,
        tpu.vector_store %arg8[%swap3A_623, %swap3A_624], %gather3A_379 {strides = array<i32>} : memref<64x512xf32, #tpu.memory_space<vmem>>, vector<16xf32>,
        %mul3A_626 = arith.constant 16 : i32
        %mul3A_627 = arith.muli %scan3A_103, %mul3A_626 : i32
        %swap3A_628 = arith.constant 43 : i32
        %swap3A_629 = arith.index_cast %swap3A_628 : i32 to index
        %swap3A_630 = arith.index_cast %mul3A_627 : i32 to index
        %swap3A_631 = tpu.vector_load %arg8[%swap3A_629, %swap3A_630] {strides = array<i32>} : memref<64x512xf32, #tpu.memory_space<vmem>>, vector<16xf32>,
        tpu.vector_store %arg8[%swap3A_629, %swap3A_630], %gather3A_383 {strides = array<i32>} : memref<64x512xf32, #tpu.memory_space<vmem>>, vector<16xf32>,
        %mul3A_632 = arith.constant 16 : i32
        %mul3A_633 = arith.muli %scan3A_103, %mul3A_632 : i32
        %swap3A_634 = arith.constant 44 : i32
        %swap3A_635 = arith.index_cast %swap3A_634 : i32 to index
        %swap3A_636 = arith.index_cast %mul3A_633 : i32 to index
        %swap3A_637 = tpu.vector_load %arg8[%swap3A_635, %swap3A_636] {strides = array<i32>} : memref<64x512xf32, #tpu.memory_space<vmem>>, vector<16xf32>,
        tpu.vector_store %arg8[%swap3A_635, %swap3A_636], %gather3A_387 {strides = array<i32>} : memref<64x512xf32, #tpu.memory_space<vmem>>, vector<16xf32>,
        %mul3A_638 = arith.constant 16 : i32
        %mul3A_639 = arith.muli %scan3A_103, %mul3A_638 : i32
        %swap3A_640 = arith.constant 45 : i32
        %swap3A_641 = arith.index_cast %swap3A_640 : i32 to index
        %swap3A_642 = arith.index_cast %mul3A_639 : i32 to index
        %swap3A_643 = tpu.vector_load %arg8[%swap3A_641, %swap3A_642] {strides = array<i32>} : memref<64x512xf32, #tpu.memory_space<vmem>>, vector<16xf32>,
        tpu.vector_store %arg8[%swap3A_641, %swap3A_642], %gather3A_391 {strides = array<i32>} : memref<64x512xf32, #tpu.memory_space<vmem>>, vector<16xf32>,
        %mul3A_644 = arith.constant 16 : i32
        %mul3A_645 = arith.muli %scan3A_103, %mul3A_644 : i32
        %swap3A_646 = arith.constant 46 : i32
        %swap3A_647 = arith.index_cast %swap3A_646 : i32 to index
        %swap3A_648 = arith.index_cast %mul3A_645 : i32 to index
        %swap3A_649 = tpu.vector_load %arg8[%swap3A_647, %swap3A_648] {strides = array<i32>} : memref<64x512xf32, #tpu.memory_space<vmem>>, vector<16xf32>,
        tpu.vector_store %arg8[%swap3A_647, %swap3A_648], %gather3A_395 {strides = array<i32>} : memref<64x512xf32, #tpu.memory_space<vmem>>, vector<16xf32>,
        %mul3A_650 = arith.constant 16 : i32
        %mul3A_651 = arith.muli %scan3A_103, %mul3A_650 : i32
        %swap3A_652 = arith.constant 47 : i32
        %swap3A_653 = arith.index_cast %swap3A_652 : i32 to index
        %swap3A_654 = arith.index_cast %mul3A_651 : i32 to index
        %swap3A_655 = tpu.vector_load %arg8[%swap3A_653, %swap3A_654] {strides = array<i32>} : memref<64x512xf32, #tpu.memory_space<vmem>>, vector<16xf32>,
        tpu.vector_store %arg8[%swap3A_653, %swap3A_654], %gather3A_399 {strides = array<i32>} : memref<64x512xf32, #tpu.memory_space<vmem>>, vector<16xf32>,
        %mul3A_656 = arith.constant 16 : i32
        %mul3A_657 = arith.muli %scan3A_103, %mul3A_656 : i32
        %swap3A_658 = arith.constant 48 : i32
        %swap3A_659 = arith.index_cast %swap3A_658 : i32 to index
        %swap3A_660 = arith.index_cast %mul3A_657 : i32 to index
        %swap3A_661 = tpu.vector_load %arg8[%swap3A_659, %swap3A_660] {strides = array<i32>} : memref<64x512xf32, #tpu.memory_space<vmem>>, vector<16xf32>,
        tpu.vector_store %arg8[%swap3A_659, %swap3A_660], %gather3A_499 {strides = array<i32>} : memref<64x512xf32, #tpu.memory_space<vmem>>, vector<16xf32>,
        %mul3A_662 = arith.constant 16 : i32
        %mul3A_663 = arith.muli %scan3A_103, %mul3A_662 : i32
        %swap3A_664 = arith.constant 49 : i32
        %swap3A_665 = arith.index_cast %swap3A_664 : i32 to index
        %swap3A_666 = arith.index_cast %mul3A_663 : i32 to index
        %swap3A_667 = tpu.vector_load %arg8[%swap3A_665, %swap3A_666] {strides = array<i32>} : memref<64x512xf32, #tpu.memory_space<vmem>>, vector<16xf32>,
        tpu.vector_store %arg8[%swap3A_665, %swap3A_666], %gather3A_503 {strides = array<i32>} : memref<64x512xf32, #tpu.memory_space<vmem>>, vector<16xf32>,
        %mul3A_668 = arith.constant 16 : i32
        %mul3A_669 = arith.muli %scan3A_103, %mul3A_668 : i32
        %swap3A_670 = arith.constant 50 : i32
        %swap3A_671 = arith.index_cast %swap3A_670 : i32 to index
        %swap3A_672 = arith.index_cast %mul3A_669 : i32 to index
        %swap3A_673 = tpu.vector_load %arg8[%swap3A_671, %swap3A_672] {strides = array<i32>} : memref<64x512xf32, #tpu.memory_space<vmem>>, vector<16xf32>,
        tpu.vector_store %arg8[%swap3A_671, %swap3A_672], %gather3A_507 {strides = array<i32>} : memref<64x512xf32, #tpu.memory_space<vmem>>, vector<16xf32>,
        %mul3A_674 = arith.constant 16 : i32
        %mul3A_675 = arith.muli %scan3A_103, %mul3A_674 : i32
        %swap3A_676 = arith.constant 51 : i32
        %swap3A_677 = arith.index_cast %swap3A_676 : i32 to index
        %swap3A_678 = arith.index_cast %mul3A_675 : i32 to index
        %swap3A_679 = tpu.vector_load %arg8[%swap3A_677, %swap3A_678] {strides = array<i32>} : memref<64x512xf32, #tpu.memory_space<vmem>>, vector<16xf32>,
        tpu.vector_store %arg8[%swap3A_677, %swap3A_678], %gather3A_511 {strides = array<i32>} : memref<64x512xf32, #tpu.memory_space<vmem>>, vector<16xf32>,
        %mul3A_680 = arith.constant 16 : i32
        %mul3A_681 = arith.muli %scan3A_103, %mul3A_680 : i32
        %swap3A_682 = arith.constant 52 : i32
        %swap3A_683 = arith.index_cast %swap3A_682 : i32 to index
        %swap3A_684 = arith.index_cast %mul3A_681 : i32 to index
        %swap3A_685 = tpu.vector_load %arg8[%swap3A_683, %swap3A_684] {strides = array<i32>} : memref<64x512xf32, #tpu.memory_space<vmem>>, vector<16xf32>,
        tpu.vector_store %arg8[%swap3A_683, %swap3A_684], %gather3A_515 {strides = array<i32>} : memref<64x512xf32, #tpu.memory_space<vmem>>, vector<16xf32>,
        %mul3A_686 = arith.constant 16 : i32
        %mul3A_687 = arith.muli %scan3A_103, %mul3A_686 : i32
        %swap3A_688 = arith.constant 53 : i32
        %swap3A_689 = arith.index_cast %swap3A_688 : i32 to index
        %swap3A_690 = arith.index_cast %mul3A_687 : i32 to index
        %swap3A_691 = tpu.vector_load %arg8[%swap3A_689, %swap3A_690] {strides = array<i32>} : memref<64x512xf32, #tpu.memory_space<vmem>>, vector<16xf32>,
        tpu.vector_store %arg8[%swap3A_689, %swap3A_690], %gather3A_519 {strides = array<i32>} : memref<64x512xf32, #tpu.memory_space<vmem>>, vector<16xf32>,
        %mul3A_692 = arith.constant 16 : i32
        %mul3A_693 = arith.muli %scan3A_103, %mul3A_692 : i32
        %swap3A_694 = arith.constant 54 : i32
        %swap3A_695 = arith.index_cast %swap3A_694 : i32 to index
        %swap3A_696 = arith.index_cast %mul3A_693 : i32 to index
        %swap3A_697 = tpu.vector_load %arg8[%swap3A_695, %swap3A_696] {strides = array<i32>} : memref<64x512xf32, #tpu.memory_space<vmem>>, vector<16xf32>,
        tpu.vector_store %arg8[%swap3A_695, %swap3A_696], %gather3A_523 {strides = array<i32>} : memref<64x512xf32, #tpu.memory_space<vmem>>, vector<16xf32>,
        %mul3A_698 = arith.constant 16 : i32
        %mul3A_699 = arith.muli %scan3A_103, %mul3A_698 : i32
        %swap3A_700 = arith.constant 55 : i32
        %swap3A_701 = arith.index_cast %swap3A_700 : i32 to index
        %swap3A_702 = arith.index_cast %mul3A_699 : i32 to index
        %swap3A_703 = tpu.vector_load %arg8[%swap3A_701, %swap3A_702] {strides = array<i32>} : memref<64x512xf32, #tpu.memory_space<vmem>>, vector<16xf32>,
        tpu.vector_store %arg8[%swap3A_701, %swap3A_702], %gather3A_527 {strides = array<i32>} : memref<64x512xf32, #tpu.memory_space<vmem>>, vector<16xf32>,
        %mul3A_704 = arith.constant 16 : i32
        %mul3A_705 = arith.muli %scan3A_103, %mul3A_704 : i32
        %swap3A_706 = arith.constant 56 : i32
        %swap3A_707 = arith.index_cast %swap3A_706 : i32 to index
        %swap3A_708 = arith.index_cast %mul3A_705 : i32 to index
        %swap3A_709 = tpu.vector_load %arg8[%swap3A_707, %swap3A_708] {strides = array<i32>} : memref<64x512xf32, #tpu.memory_space<vmem>>, vector<16xf32>,
        tpu.vector_store %arg8[%swap3A_707, %swap3A_708], %gather3A_531 {strides = array<i32>} : memref<64x512xf32, #tpu.memory_space<vmem>>, vector<16xf32>,
        %mul3A_710 = arith.constant 16 : i32
        %mul3A_711 = arith.muli %scan3A_103, %mul3A_710 : i32
        %swap3A_712 = arith.constant 57 : i32
        %swap3A_713 = arith.index_cast %swap3A_712 : i32 to index
        %swap3A_714 = arith.index_cast %mul3A_711 : i32 to index
        %swap3A_715 = tpu.vector_load %arg8[%swap3A_713, %swap3A_714] {strides = array<i32>} : memref<64x512xf32, #tpu.memory_space<vmem>>, vector<16xf32>,
        tpu.vector_store %arg8[%swap3A_713, %swap3A_714], %gather3A_535 {strides = array<i32>} : memref<64x512xf32, #tpu.memory_space<vmem>>, vector<16xf32>,
        %mul3A_716 = arith.constant 16 : i32
        %mul3A_717 = arith.muli %scan3A_103, %mul3A_716 : i32
        %swap3A_718 = arith.constant 58 : i32
        %swap3A_719 = arith.index_cast %swap3A_718 : i32 to index
        %swap3A_720 = arith.index_cast %mul3A_717 : i32 to index
        %swap3A_721 = tpu.vector_load %arg8[%swap3A_719, %swap3A_720] {strides = array<i32>} : memref<64x512xf32, #tpu.memory_space<vmem>>, vector<16xf32>,
        tpu.vector_store %arg8[%swap3A_719, %swap3A_720], %gather3A_539 {strides = array<i32>} : memref<64x512xf32, #tpu.memory_space<vmem>>, vector<16xf32>,
        %mul3A_722 = arith.constant 16 : i32
        %mul3A_723 = arith.muli %scan3A_103, %mul3A_722 : i32
        %swap3A_724 = arith.constant 59 : i32
        %swap3A_725 = arith.index_cast %swap3A_724 : i32 to index
        %swap3A_726 = arith.index_cast %mul3A_723 : i32 to index
        %swap3A_727 = tpu.vector_load %arg8[%swap3A_725, %swap3A_726] {strides = array<i32>} : memref<64x512xf32, #tpu.memory_space<vmem>>, vector<16xf32>,
        tpu.vector_store %arg8[%swap3A_725, %swap3A_726], %gather3A_543 {strides = array<i32>} : memref<64x512xf32, #tpu.memory_space<vmem>>, vector<16xf32>,
        %mul3A_728 = arith.constant 16 : i32
        %mul3A_729 = arith.muli %scan3A_103, %mul3A_728 : i32
        %swap3A_730 = arith.constant 60 : i32
        %swap3A_731 = arith.index_cast %swap3A_730 : i32 to index
        %swap3A_732 = arith.index_cast %mul3A_729 : i32 to index
        %swap3A_733 = tpu.vector_load %arg8[%swap3A_731, %swap3A_732] {strides = array<i32>} : memref<64x512xf32, #tpu.memory_space<vmem>>, vector<16xf32>,
        tpu.vector_store %arg8[%swap3A_731, %swap3A_732], %gather3A_547 {strides = array<i32>} : memref<64x512xf32, #tpu.memory_space<vmem>>, vector<16xf32>,
        %mul3A_734 = arith.constant 16 : i32
        %mul3A_735 = arith.muli %scan3A_103, %mul3A_734 : i32
        %swap3A_736 = arith.constant 61 : i32
        %swap3A_737 = arith.index_cast %swap3A_736 : i32 to index
        %swap3A_738 = arith.index_cast %mul3A_735 : i32 to index
        %swap3A_739 = tpu.vector_load %arg8[%swap3A_737, %swap3A_738] {strides = array<i32>} : memref<64x512xf32, #tpu.memory_space<vmem>>, vector<16xf32>,
        tpu.vector_store %arg8[%swap3A_737, %swap3A_738], %gather3A_551 {strides = array<i32>} : memref<64x512xf32, #tpu.memory_space<vmem>>, vector<16xf32>,
        %mul3A_740 = arith.constant 16 : i32
        %mul3A_741 = arith.muli %scan3A_103, %mul3A_740 : i32
        %swap3A_742 = arith.constant 62 : i32
        %swap3A_743 = arith.index_cast %swap3A_742 : i32 to index
        %swap3A_744 = arith.index_cast %mul3A_741 : i32 to index
        %swap3A_745 = tpu.vector_load %arg8[%swap3A_743, %swap3A_744] {strides = array<i32>} : memref<64x512xf32, #tpu.memory_space<vmem>>, vector<16xf32>,
        tpu.vector_store %arg8[%swap3A_743, %swap3A_744], %gather3A_555 {strides = array<i32>} : memref<64x512xf32, #tpu.memory_space<vmem>>, vector<16xf32>,
        %mul3A_746 = arith.constant 16 : i32
        %mul3A_747 = arith.muli %scan3A_103, %mul3A_746 : i32
        %swap3A_748 = arith.constant 63 : i32
        %swap3A_749 = arith.index_cast %swap3A_748 : i32 to index
        %swap3A_750 = arith.index_cast %mul3A_747 : i32 to index
        %swap3A_751 = tpu.vector_load %arg8[%swap3A_749, %swap3A_750] {strides = array<i32>} : memref<64x512xf32, #tpu.memory_space<vmem>>, vector<16xf32>,
        tpu.vector_store %arg8[%swap3A_749, %swap3A_750], %gather3A_559 {strides = array<i32>} : memref<64x512xf32, #tpu.memory_space<vmem>>, vector<16xf32>,
      }
      %scan3A_94 = arith.constant 32 : i32
      %dma_start3A_95 = arith.constant 0 : i32
      %dma_start3A_96 = arith.constant 512 : i32
      %dma_start3A_97 = tpu.memref_slice %arg4[%add3A_67, %dma_start3A_95, %dma_start3A_96] : memref<1024x64x1024xf32, #tpu.memory_space<hbm>> -> memref<1x64x512xf32, #tpu.memory_space<hbm>>
      %dma_start3A_98 = tpu.memref_squeeze %dma_start3A_97 : memref<1x64x512xf32, #tpu.memory_space<hbm>> -> memref<64x512xf32, #tpu.memory_space<hbm>>
      %dma_start3A_99 = arith.constant 0 : i32
      %dma_start3A_100 = arith.constant 512 : i32
      %dma_start3A_101 = tpu.memref_slice %arg4[%add3A_67, %dma_start3A_99, %dma_start3A_100] : memref<1024x64x1024xf32, #tpu.memory_space<hbm>> -> memref<1x64x512xf32, #tpu.memory_space<hbm>>
      %dma_start3A_102 = tpu.memref_squeeze %dma_start3A_101 : memref<1x64x512xf32, #tpu.memory_space<hbm>> -> memref<64x512xf32, #tpu.memory_space<hbm>>
      tpu.enqueue_dma source(%arg8 : memref<64x512xf32, #tpu.memory_space<vmem>>) target(%dma_start3A_102 : memref<64x512xf32, #tpu.memory_space<hbm>>) target_semaphore(%arg12 : memref<!tpu.dma_semaphore, #tpu.memory_space<semaphore_mem>>)
    }
    %scan3A_28 = arith.constant 16 : i32
    %dma_wait3A_29 = arith.constant 0 : i32
    %dma_wait3A_30 = arith.constant 0 : i32
    %dma_wait3A_31 = arith.constant 0 : i32
    %dma_wait3A_32 = tpu.memref_slice %arg2[%dma_wait3A_29, %dma_wait3A_30, %dma_wait3A_31] : memref<32x32x1024xf32, #tpu.memory_space<hbm>> -> memref<1x16x1024xf32, #tpu.memory_space<hbm>>
    %dma_wait3A_33 = tpu.memref_squeeze %dma_wait3A_32 : memref<1x16x1024xf32, #tpu.memory_space<hbm>> -> memref<16x1024xf32, #tpu.memory_space<hbm>>
    %dma_wait3A_34 = arith.constant 0 : i32
    %dma_wait3A_35 = arith.constant 0 : i32
    %dma_wait3A_36 = tpu.memref_slice %arg2[%dma_wait3A_29, %dma_wait3A_34, %dma_wait3A_35] : memref<32x32x1024xf32, #tpu.memory_space<hbm>> -> memref<1x16x1024xf32, #tpu.memory_space<hbm>>
    %dma_wait3A_37 = tpu.memref_squeeze %dma_wait3A_36 : memref<1x16x1024xf32, #tpu.memory_space<hbm>> -> memref<16x1024xf32, #tpu.memory_space<hbm>>
    tpu.wait_dma2 semaphore(%arg10 : memref<!tpu.dma_semaphore, #tpu.memory_space<semaphore_mem>>) src(%dma_wait3A_37 : memref<16x1024xf32, #tpu.memory_space<hbm>>) dst(%arg6 : memref<16x1024xf32, #tpu.memory_space<vmem>>)
    %scan3A_38 = arith.constant 0 : i32
    %scan3A_39 = arith.constant 0 : i32
    %scan3A_40 = arith.constant 16 : i32
    %scan3A_41 = arith.addi %scan3A_39, %scan3A_40 : i32
    %scan3A_42 = arith.constant 1 : i32
    scf.for %scan3A_62 = %scan3A_39 to %scan3A_41 step %scan3A_42  : i32 {
      %mul3A_63 = arith.constant 32 : i32
      %mul3A_64 = arith.muli %add3A, %mul3A_63 : i32
      %add3A_65 = arith.constant 16 : i32
      %add3A_66 = arith.addi %mul3A_64, %add3A_65 : i32
      %add3A_67 = arith.addi %add3A_66, %scan3A_62 : i32
      %dma_wait3A_68 = arith.constant 0 : i32
      %dma_wait3A_69 = arith.constant 0 : i32
      %dma_wait3A_70 = arith.constant 0 : i32
      %dma_wait3A_71 = tpu.memref_slice %arg4[%dma_wait3A_68, %dma_wait3A_69, %dma_wait3A_70] : memref<1024x64x1024xf32, #tpu.memory_space<hbm>> -> memref<1x64x512xf32, #tpu.memory_space<hbm>>
      %dma_wait3A_72 = tpu.memref_squeeze %dma_wait3A_71 : memref<1x64x512xf32, #tpu.memory_space<hbm>> -> memref<64x512xf32, #tpu.memory_space<hbm>>
      %dma_wait3A_73 = arith.constant 0 : i32
      %dma_wait3A_74 = arith.constant 0 : i32
      %dma_wait3A_75 = tpu.memref_slice %arg4[%dma_wait3A_68, %dma_wait3A_73, %dma_wait3A_74] : memref<1024x64x1024xf32, #tpu.memory_space<hbm>> -> memref<1x64x512xf32, #tpu.memory_space<hbm>>
      %dma_wait3A_76 = tpu.memref_squeeze %dma_wait3A_75 : memref<1x64x512xf32, #tpu.memory_space<hbm>> -> memref<64x512xf32, #tpu.memory_space<hbm>>
      tpu.wait_dma2 semaphore(%arg11 : memref<!tpu.dma_semaphore, #tpu.memory_space<semaphore_mem>>) src(%arg7 : memref<64x512xf32, #tpu.memory_space<vmem>>) dst(%dma_wait3A_76 : memref<64x512xf32, #tpu.memory_space<hbm>>)
      %scan3A_77 = arith.constant 0 : i32
      %scan3A_78 = arith.constant 0 : i32
      %scan3A_79 = arith.constant 32 : i32
      %scan3A_80 = arith.addi %scan3A_78, %scan3A_79 : i32
      %scan3A_81 = arith.constant 1 : i32
      scf.for %scan3A_114 = %scan3A_78 to %scan3A_80 step %scan3A_81  : i32 {
        %mul3A_115 = arith.constant 16 : i32
        %mul3A_116 = arith.muli %scan3A_114, %mul3A_115 : i32
        %add3A_117 = arith.constant 0 : i32
        %add3A_118 = arith.addi %add3A_117, %mul3A_116 : i32
        %get3A = arith.index_cast %scan3A_62 : i32 to index
        %get3A_119 = arith.index_cast %add3A_118 : i32 to index
        %get3A_120 = tpu.vector_load %arg6[%get3A, %get3A_119] {strides = array<i32>} : memref<16x1024xf32, #tpu.memory_space<vmem>>, vector<16xf32>,
        %jit3A = arith.constant 0.000000e+00 : f32
        %jit3A_121 = arith.constant 2.000000e+02 : f32
        %max3A = vector.broadcast %jit3A : f32 to vector<16xf32>
        %max3A_122 = arith.maximumf %max3A, %get3A_120 : vector<16xf32>
        %min3A = vector.broadcast %jit3A_121 : f32 to vector<16xf32>
        %min3A_123 = arith.minimumf %min3A, %max3A_122 : vector<16xf32>
        %convert_element_type3A = arith.fptosi %min3A_123 : vector<16xf32> to vector<16xi32>
        %add3A_124 = arith.constant 0 : i32
        %add3A_125 = vector.broadcast %add3A_124 : i32 to vector<16xi32>
        %add3A_126 = arith.addi %convert_element_type3A, %add3A_125 : vector<16xi32>
        %gather3A = tpu.vector_load_idx %arg9[%add3A_126] : memref<12864xf32, #tpu.memory_space<vmem>>[vector<16xi32>], vector<16xf32>,
        %add3A_127 = arith.constant 201 : i32
        %add3A_128 = vector.broadcast %add3A_127 : i32 to vector<16xi32>
        %add3A_129 = arith.addi %convert_element_type3A, %add3A_128 : vector<16xi32>
        %gather3A_130 = tpu.vector_load_idx %arg9[%add3A_129] : memref<12864xf32, #tpu.memory_space<vmem>>[vector<16xi32>], vector<16xf32>,
        %add3A_131 = arith.constant 402 : i32
        %add3A_132 = vector.broadcast %add3A_131 : i32 to vector<16xi32>
        %add3A_133 = arith.addi %convert_element_type3A, %add3A_132 : vector<16xi32>
        %gather3A_134 = tpu.vector_load_idx %arg9[%add3A_133] : memref<12864xf32, #tpu.memory_space<vmem>>[vector<16xi32>], vector<16xf32>,
        %add3A_135 = arith.constant 603 : i32
        %add3A_136 = vector.broadcast %add3A_135 : i32 to vector<16xi32>
        %add3A_137 = arith.addi %convert_element_type3A, %add3A_136 : vector<16xi32>
        %gather3A_138 = tpu.vector_load_idx %arg9[%add3A_137] : memref<12864xf32, #tpu.memory_space<vmem>>[vector<16xi32>], vector<16xf32>,
        %add3A_139 = arith.constant 804 : i32
        %add3A_140 = vector.broadcast %add3A_139 : i32 to vector<16xi32>
        %add3A_141 = arith.addi %convert_element_type3A, %add3A_140 : vector<16xi32>
        %gather3A_142 = tpu.vector_load_idx %arg9[%add3A_141] : memref<12864xf32, #tpu.memory_space<vmem>>[vector<16xi32>], vector<16xf32>,
        %add3A_143 = arith.constant 1005 : i32
        %add3A_144 = vector.broadcast %add3A_143 : i32 to vector<16xi32>
        %add3A_145 = arith.addi %convert_element_type3A, %add3A_144 : vector<16xi32>
        %gather3A_146 = tpu.vector_load_idx %arg9[%add3A_145] : memref<12864xf32, #tpu.memory_space<vmem>>[vector<16xi32>], vector<16xf32>,
        %add3A_147 = arith.constant 1206 : i32
        %add3A_148 = vector.broadcast %add3A_147 : i32 to vector<16xi32>
        %add3A_149 = arith.addi %convert_element_type3A, %add3A_148 : vector<16xi32>
        %gather3A_150 = tpu.vector_load_idx %arg9[%add3A_149] : memref<12864xf32, #tpu.memory_space<vmem>>[vector<16xi32>], vector<16xf32>,
        %add3A_151 = arith.constant 1407 : i32
        %add3A_152 = vector.broadcast %add3A_151 : i32 to vector<16xi32>
        %add3A_153 = arith.addi %convert_element_type3A, %add3A_152 : vector<16xi32>
        %gather3A_154 = tpu.vector_load_idx %arg9[%add3A_153] : memref<12864xf32, #tpu.memory_space<vmem>>[vector<16xi32>], vector<16xf32>,
        %add3A_155 = arith.constant 1608 : i32
        %add3A_156 = vector.broadcast %add3A_155 : i32 to vector<16xi32>
        %add3A_157 = arith.addi %convert_element_type3A, %add3A_156 : vector<16xi32>
        %gather3A_158 = tpu.vector_load_idx %arg9[%add3A_157] : memref<12864xf32, #tpu.memory_space<vmem>>[vector<16xi32>], vector<16xf32>,
        %add3A_159 = arith.constant 1809 : i32
        %add3A_160 = vector.broadcast %add3A_159 : i32 to vector<16xi32>
        %add3A_161 = arith.addi %convert_element_type3A, %add3A_160 : vector<16xi32>
        %gather3A_162 = tpu.vector_load_idx %arg9[%add3A_161] : memref<12864xf32, #tpu.memory_space<vmem>>[vector<16xi32>], vector<16xf32>,
        %add3A_163 = arith.constant 2010 : i32
        %add3A_164 = vector.broadcast %add3A_163 : i32 to vector<16xi32>
        %add3A_165 = arith.addi %convert_element_type3A, %add3A_164 : vector<16xi32>
        %gather3A_166 = tpu.vector_load_idx %arg9[%add3A_165] : memref<12864xf32, #tpu.memory_space<vmem>>[vector<16xi32>], vector<16xf32>,
        %add3A_167 = arith.constant 2211 : i32
        %add3A_168 = vector.broadcast %add3A_167 : i32 to vector<16xi32>
        %add3A_169 = arith.addi %convert_element_type3A, %add3A_168 : vector<16xi32>
        %gather3A_170 = tpu.vector_load_idx %arg9[%add3A_169] : memref<12864xf32, #tpu.memory_space<vmem>>[vector<16xi32>], vector<16xf32>,
        %add3A_171 = arith.constant 2412 : i32
        %add3A_172 = vector.broadcast %add3A_171 : i32 to vector<16xi32>
        %add3A_173 = arith.addi %convert_element_type3A, %add3A_172 : vector<16xi32>
        %gather3A_174 = tpu.vector_load_idx %arg9[%add3A_173] : memref<12864xf32, #tpu.memory_space<vmem>>[vector<16xi32>], vector<16xf32>,
        %add3A_175 = arith.constant 2613 : i32
        %add3A_176 = vector.broadcast %add3A_175 : i32 to vector<16xi32>
        %add3A_177 = arith.addi %convert_element_type3A, %add3A_176 : vector<16xi32>
        %gather3A_178 = tpu.vector_load_idx %arg9[%add3A_177] : memref<12864xf32, #tpu.memory_space<vmem>>[vector<16xi32>], vector<16xf32>,
        %add3A_179 = arith.constant 2814 : i32
        %add3A_180 = vector.broadcast %add3A_179 : i32 to vector<16xi32>
        %add3A_181 = arith.addi %convert_element_type3A, %add3A_180 : vector<16xi32>
        %gather3A_182 = tpu.vector_load_idx %arg9[%add3A_181] : memref<12864xf32, #tpu.memory_space<vmem>>[vector<16xi32>], vector<16xf32>,
        %add3A_183 = arith.constant 3015 : i32
        %add3A_184 = vector.broadcast %add3A_183 : i32 to vector<16xi32>
        %add3A_185 = arith.addi %convert_element_type3A, %add3A_184 : vector<16xi32>
        %gather3A_186 = tpu.vector_load_idx %arg9[%add3A_185] : memref<12864xf32, #tpu.memory_space<vmem>>[vector<16xi32>], vector<16xf32>,
        %add3A_187 = arith.constant 3216 : i32
        %add3A_188 = vector.broadcast %add3A_187 : i32 to vector<16xi32>
        %add3A_189 = arith.addi %convert_element_type3A, %add3A_188 : vector<16xi32>
        %gather3A_190 = tpu.vector_load_idx %arg9[%add3A_189] : memref<12864xf32, #tpu.memory_space<vmem>>[vector<16xi32>], vector<16xf32>,
        %add3A_191 = arith.constant 3417 : i32
        %add3A_192 = vector.broadcast %add3A_191 : i32 to vector<16xi32>
        %add3A_193 = arith.addi %convert_element_type3A, %add3A_192 : vector<16xi32>
        %gather3A_194 = tpu.vector_load_idx %arg9[%add3A_193] : memref<12864xf32, #tpu.memory_space<vmem>>[vector<16xi32>], vector<16xf32>,
        %add3A_195 = arith.constant 3618 : i32
        %add3A_196 = vector.broadcast %add3A_195 : i32 to vector<16xi32>
        %add3A_197 = arith.addi %convert_element_type3A, %add3A_196 : vector<16xi32>
        %gather3A_198 = tpu.vector_load_idx %arg9[%add3A_197] : memref<12864xf32, #tpu.memory_space<vmem>>[vector<16xi32>], vector<16xf32>,
        %add3A_199 = arith.constant 3819 : i32
        %add3A_200 = vector.broadcast %add3A_199 : i32 to vector<16xi32>
        %add3A_201 = arith.addi %convert_element_type3A, %add3A_200 : vector<16xi32>
        %gather3A_202 = tpu.vector_load_idx %arg9[%add3A_201] : memref<12864xf32, #tpu.memory_space<vmem>>[vector<16xi32>], vector<16xf32>,
        %add3A_203 = arith.constant 4020 : i32
        %add3A_204 = vector.broadcast %add3A_203 : i32 to vector<16xi32>
        %add3A_205 = arith.addi %convert_element_type3A, %add3A_204 : vector<16xi32>
        %gather3A_206 = tpu.vector_load_idx %arg9[%add3A_205] : memref<12864xf32, #tpu.memory_space<vmem>>[vector<16xi32>], vector<16xf32>,
        %add3A_207 = arith.constant 4221 : i32
        %add3A_208 = vector.broadcast %add3A_207 : i32 to vector<16xi32>
        %add3A_209 = arith.addi %convert_element_type3A, %add3A_208 : vector<16xi32>
        %gather3A_210 = tpu.vector_load_idx %arg9[%add3A_209] : memref<12864xf32, #tpu.memory_space<vmem>>[vector<16xi32>], vector<16xf32>,
        %add3A_211 = arith.constant 4422 : i32
        %add3A_212 = vector.broadcast %add3A_211 : i32 to vector<16xi32>
        %add3A_213 = arith.addi %convert_element_type3A, %add3A_212 : vector<16xi32>
        %gather3A_214 = tpu.vector_load_idx %arg9[%add3A_213] : memref<12864xf32, #tpu.memory_space<vmem>>[vector<16xi32>], vector<16xf32>,
        %add3A_215 = arith.constant 4623 : i32
        %add3A_216 = vector.broadcast %add3A_215 : i32 to vector<16xi32>
        %add3A_217 = arith.addi %convert_element_type3A, %add3A_216 : vector<16xi32>
        %gather3A_218 = tpu.vector_load_idx %arg9[%add3A_217] : memref<12864xf32, #tpu.memory_space<vmem>>[vector<16xi32>], vector<16xf32>,
        %add3A_219 = arith.constant 4824 : i32
        %add3A_220 = vector.broadcast %add3A_219 : i32 to vector<16xi32>
        %add3A_221 = arith.addi %convert_element_type3A, %add3A_220 : vector<16xi32>
        %gather3A_222 = tpu.vector_load_idx %arg9[%add3A_221] : memref<12864xf32, #tpu.memory_space<vmem>>[vector<16xi32>], vector<16xf32>,
        %add3A_223 = arith.constant 5025 : i32
        %add3A_224 = vector.broadcast %add3A_223 : i32 to vector<16xi32>
        %add3A_225 = arith.addi %convert_element_type3A, %add3A_224 : vector<16xi32>
        %gather3A_226 = tpu.vector_load_idx %arg9[%add3A_225] : memref<12864xf32, #tpu.memory_space<vmem>>[vector<16xi32>], vector<16xf32>,
        %add3A_227 = arith.constant 5226 : i32
        %add3A_228 = vector.broadcast %add3A_227 : i32 to vector<16xi32>
        %add3A_229 = arith.addi %convert_element_type3A, %add3A_228 : vector<16xi32>
        %gather3A_230 = tpu.vector_load_idx %arg9[%add3A_229] : memref<12864xf32, #tpu.memory_space<vmem>>[vector<16xi32>], vector<16xf32>,
        %add3A_231 = arith.constant 5427 : i32
        %add3A_232 = vector.broadcast %add3A_231 : i32 to vector<16xi32>
        %add3A_233 = arith.addi %convert_element_type3A, %add3A_232 : vector<16xi32>
        %gather3A_234 = tpu.vector_load_idx %arg9[%add3A_233] : memref<12864xf32, #tpu.memory_space<vmem>>[vector<16xi32>], vector<16xf32>,
        %add3A_235 = arith.constant 5628 : i32
        %add3A_236 = vector.broadcast %add3A_235 : i32 to vector<16xi32>
        %add3A_237 = arith.addi %convert_element_type3A, %add3A_236 : vector<16xi32>
        %gather3A_238 = tpu.vector_load_idx %arg9[%add3A_237] : memref<12864xf32, #tpu.memory_space<vmem>>[vector<16xi32>], vector<16xf32>,
        %add3A_239 = arith.constant 5829 : i32
        %add3A_240 = vector.broadcast %add3A_239 : i32 to vector<16xi32>
        %add3A_241 = arith.addi %convert_element_type3A, %add3A_240 : vector<16xi32>
        %gather3A_242 = tpu.vector_load_idx %arg9[%add3A_241] : memref<12864xf32, #tpu.memory_space<vmem>>[vector<16xi32>], vector<16xf32>,
        %add3A_243 = arith.constant 6030 : i32
        %add3A_244 = vector.broadcast %add3A_243 : i32 to vector<16xi32>
        %add3A_245 = arith.addi %convert_element_type3A, %add3A_244 : vector<16xi32>
        %gather3A_246 = tpu.vector_load_idx %arg9[%add3A_245] : memref<12864xf32, #tpu.memory_space<vmem>>[vector<16xi32>], vector<16xf32>,
        %add3A_247 = arith.constant 6231 : i32
        %add3A_248 = vector.broadcast %add3A_247 : i32 to vector<16xi32>
        %add3A_249 = arith.addi %convert_element_type3A, %add3A_248 : vector<16xi32>
        %gather3A_250 = tpu.vector_load_idx %arg9[%add3A_249] : memref<12864xf32, #tpu.memory_space<vmem>>[vector<16xi32>], vector<16xf32>,
        %mul3A_251 = arith.constant 16 : i32
        %mul3A_252 = arith.muli %scan3A_114, %mul3A_251 : i32
        %swap3A = arith.constant 0 : i32
        %swap3A_253 = arith.index_cast %swap3A : i32 to index
        %swap3A_254 = arith.index_cast %mul3A_252 : i32 to index
        %swap3A_255 = tpu.vector_load %arg7[%swap3A_253, %swap3A_254] {strides = array<i32>} : memref<64x512xf32, #tpu.memory_space<vmem>>, vector<16xf32>,
        tpu.vector_store %arg7[%swap3A_253, %swap3A_254], %gather3A {strides = array<i32>} : memref<64x512xf32, #tpu.memory_space<vmem>>, vector<16xf32>,
        %mul3A_256 = arith.constant 16 : i32
        %mul3A_257 = arith.muli %scan3A_114, %mul3A_256 : i32
        %swap3A_258 = arith.constant 1 : i32
        %swap3A_259 = arith.index_cast %swap3A_258 : i32 to index
        %swap3A_260 = arith.index_cast %mul3A_257 : i32 to index
        %swap3A_261 = tpu.vector_load %arg7[%swap3A_259, %swap3A_260] {strides = array<i32>} : memref<64x512xf32, #tpu.memory_space<vmem>>, vector<16xf32>,
        tpu.vector_store %arg7[%swap3A_259, %swap3A_260], %gather3A_130 {strides = array<i32>} : memref<64x512xf32, #tpu.memory_space<vmem>>, vector<16xf32>,
        %mul3A_262 = arith.constant 16 : i32
        %mul3A_263 = arith.muli %scan3A_114, %mul3A_262 : i32
        %swap3A_264 = arith.constant 2 : i32
        %swap3A_265 = arith.index_cast %swap3A_264 : i32 to index
        %swap3A_266 = arith.index_cast %mul3A_263 : i32 to index
        %swap3A_267 = tpu.vector_load %arg7[%swap3A_265, %swap3A_266] {strides = array<i32>} : memref<64x512xf32, #tpu.memory_space<vmem>>, vector<16xf32>,
        tpu.vector_store %arg7[%swap3A_265, %swap3A_266], %gather3A_134 {strides = array<i32>} : memref<64x512xf32, #tpu.memory_space<vmem>>, vector<16xf32>,
        %mul3A_268 = arith.constant 16 : i32
        %mul3A_269 = arith.muli %scan3A_114, %mul3A_268 : i32
        %swap3A_270 = arith.constant 3 : i32
        %swap3A_271 = arith.index_cast %swap3A_270 : i32 to index
        %swap3A_272 = arith.index_cast %mul3A_269 : i32 to index
        %swap3A_273 = tpu.vector_load %arg7[%swap3A_271, %swap3A_272] {strides = array<i32>} : memref<64x512xf32, #tpu.memory_space<vmem>>, vector<16xf32>,
        tpu.vector_store %arg7[%swap3A_271, %swap3A_272], %gather3A_138 {strides = array<i32>} : memref<64x512xf32, #tpu.memory_space<vmem>>, vector<16xf32>,
        %mul3A_274 = arith.constant 16 : i32
        %mul3A_275 = arith.muli %scan3A_114, %mul3A_274 : i32
        %swap3A_276 = arith.constant 4 : i32
        %swap3A_277 = arith.index_cast %swap3A_276 : i32 to index
        %swap3A_278 = arith.index_cast %mul3A_275 : i32 to index
        %swap3A_279 = tpu.vector_load %arg7[%swap3A_277, %swap3A_278] {strides = array<i32>} : memref<64x512xf32, #tpu.memory_space<vmem>>, vector<16xf32>,
        tpu.vector_store %arg7[%swap3A_277, %swap3A_278], %gather3A_142 {strides = array<i32>} : memref<64x512xf32, #tpu.memory_space<vmem>>, vector<16xf32>,
        %mul3A_280 = arith.constant 16 : i32
        %mul3A_281 = arith.muli %scan3A_114, %mul3A_280 : i32
        %swap3A_282 = arith.constant 5 : i32
        %swap3A_283 = arith.index_cast %swap3A_282 : i32 to index
        %swap3A_284 = arith.index_cast %mul3A_281 : i32 to index
        %swap3A_285 = tpu.vector_load %arg7[%swap3A_283, %swap3A_284] {strides = array<i32>} : memref<64x512xf32, #tpu.memory_space<vmem>>, vector<16xf32>,
        tpu.vector_store %arg7[%swap3A_283, %swap3A_284], %gather3A_146 {strides = array<i32>} : memref<64x512xf32, #tpu.memory_space<vmem>>, vector<16xf32>,
        %mul3A_286 = arith.constant 16 : i32
        %mul3A_287 = arith.muli %scan3A_114, %mul3A_286 : i32
        %swap3A_288 = arith.constant 6 : i32
        %swap3A_289 = arith.index_cast %swap3A_288 : i32 to index
        %swap3A_290 = arith.index_cast %mul3A_287 : i32 to index
        %swap3A_291 = tpu.vector_load %arg7[%swap3A_289, %swap3A_290] {strides = array<i32>} : memref<64x512xf32, #tpu.memory_space<vmem>>, vector<16xf32>,
        tpu.vector_store %arg7[%swap3A_289, %swap3A_290], %gather3A_150 {strides = array<i32>} : memref<64x512xf32, #tpu.memory_space<vmem>>, vector<16xf32>,
        %mul3A_292 = arith.constant 16 : i32
        %mul3A_293 = arith.muli %scan3A_114, %mul3A_292 : i32
        %swap3A_294 = arith.constant 7 : i32
        %swap3A_295 = arith.index_cast %swap3A_294 : i32 to index
        %swap3A_296 = arith.index_cast %mul3A_293 : i32 to index
        %swap3A_297 = tpu.vector_load %arg7[%swap3A_295, %swap3A_296] {strides = array<i32>} : memref<64x512xf32, #tpu.memory_space<vmem>>, vector<16xf32>,
        tpu.vector_store %arg7[%swap3A_295, %swap3A_296], %gather3A_154 {strides = array<i32>} : memref<64x512xf32, #tpu.memory_space<vmem>>, vector<16xf32>,
        %mul3A_298 = arith.constant 16 : i32
        %mul3A_299 = arith.muli %scan3A_114, %mul3A_298 : i32
        %swap3A_300 = arith.constant 8 : i32
        %swap3A_301 = arith.index_cast %swap3A_300 : i32 to index
        %swap3A_302 = arith.index_cast %mul3A_299 : i32 to index
        %swap3A_303 = tpu.vector_load %arg7[%swap3A_301, %swap3A_302] {strides = array<i32>} : memref<64x512xf32, #tpu.memory_space<vmem>>, vector<16xf32>,
        tpu.vector_store %arg7[%swap3A_301, %swap3A_302], %gather3A_158 {strides = array<i32>} : memref<64x512xf32, #tpu.memory_space<vmem>>, vector<16xf32>,
        %mul3A_304 = arith.constant 16 : i32
        %mul3A_305 = arith.muli %scan3A_114, %mul3A_304 : i32
        %swap3A_306 = arith.constant 9 : i32
        %swap3A_307 = arith.index_cast %swap3A_306 : i32 to index
        %swap3A_308 = arith.index_cast %mul3A_305 : i32 to index
        %swap3A_309 = tpu.vector_load %arg7[%swap3A_307, %swap3A_308] {strides = array<i32>} : memref<64x512xf32, #tpu.memory_space<vmem>>, vector<16xf32>,
        tpu.vector_store %arg7[%swap3A_307, %swap3A_308], %gather3A_162 {strides = array<i32>} : memref<64x512xf32, #tpu.memory_space<vmem>>, vector<16xf32>,
        %mul3A_310 = arith.constant 16 : i32
        %mul3A_311 = arith.muli %scan3A_114, %mul3A_310 : i32
        %swap3A_312 = arith.constant 10 : i32
        %swap3A_313 = arith.index_cast %swap3A_312 : i32 to index
        %swap3A_314 = arith.index_cast %mul3A_311 : i32 to index
        %swap3A_315 = tpu.vector_load %arg7[%swap3A_313, %swap3A_314] {strides = array<i32>} : memref<64x512xf32, #tpu.memory_space<vmem>>, vector<16xf32>,
        tpu.vector_store %arg7[%swap3A_313, %swap3A_314], %gather3A_166 {strides = array<i32>} : memref<64x512xf32, #tpu.memory_space<vmem>>, vector<16xf32>,
        %mul3A_316 = arith.constant 16 : i32
        %mul3A_317 = arith.muli %scan3A_114, %mul3A_316 : i32
        %swap3A_318 = arith.constant 11 : i32
        %swap3A_319 = arith.index_cast %swap3A_318 : i32 to index
        %swap3A_320 = arith.index_cast %mul3A_317 : i32 to index
        %swap3A_321 = tpu.vector_load %arg7[%swap3A_319, %swap3A_320] {strides = array<i32>} : memref<64x512xf32, #tpu.memory_space<vmem>>, vector<16xf32>,
        tpu.vector_store %arg7[%swap3A_319, %swap3A_320], %gather3A_170 {strides = array<i32>} : memref<64x512xf32, #tpu.memory_space<vmem>>, vector<16xf32>,
        %mul3A_322 = arith.constant 16 : i32
        %mul3A_323 = arith.muli %scan3A_114, %mul3A_322 : i32
        %swap3A_324 = arith.constant 12 : i32
        %swap3A_325 = arith.index_cast %swap3A_324 : i32 to index
        %swap3A_326 = arith.index_cast %mul3A_323 : i32 to index
        %swap3A_327 = tpu.vector_load %arg7[%swap3A_325, %swap3A_326] {strides = array<i32>} : memref<64x512xf32, #tpu.memory_space<vmem>>, vector<16xf32>,
        tpu.vector_store %arg7[%swap3A_325, %swap3A_326], %gather3A_174 {strides = array<i32>} : memref<64x512xf32, #tpu.memory_space<vmem>>, vector<16xf32>,
        %mul3A_328 = arith.constant 16 : i32
        %mul3A_329 = arith.muli %scan3A_114, %mul3A_328 : i32
        %swap3A_330 = arith.constant 13 : i32
        %swap3A_331 = arith.index_cast %swap3A_330 : i32 to index
        %swap3A_332 = arith.index_cast %mul3A_329 : i32 to index
        %swap3A_333 = tpu.vector_load %arg7[%swap3A_331, %swap3A_332] {strides = array<i32>} : memref<64x512xf32, #tpu.memory_space<vmem>>, vector<16xf32>,
        tpu.vector_store %arg7[%swap3A_331, %swap3A_332], %gather3A_178 {strides = array<i32>} : memref<64x512xf32, #tpu.memory_space<vmem>>, vector<16xf32>,
        %mul3A_334 = arith.constant 16 : i32
        %mul3A_335 = arith.muli %scan3A_114, %mul3A_334 : i32
        %swap3A_336 = arith.constant 14 : i32
        %swap3A_337 = arith.index_cast %swap3A_336 : i32 to index
        %swap3A_338 = arith.index_cast %mul3A_335 : i32 to index
        %swap3A_339 = tpu.vector_load %arg7[%swap3A_337, %swap3A_338] {strides = array<i32>} : memref<64x512xf32, #tpu.memory_space<vmem>>, vector<16xf32>,
        tpu.vector_store %arg7[%swap3A_337, %swap3A_338], %gather3A_182 {strides = array<i32>} : memref<64x512xf32, #tpu.memory_space<vmem>>, vector<16xf32>,
        %mul3A_340 = arith.constant 16 : i32
        %mul3A_341 = arith.muli %scan3A_114, %mul3A_340 : i32
        %swap3A_342 = arith.constant 15 : i32
        %swap3A_343 = arith.index_cast %swap3A_342 : i32 to index
        %swap3A_344 = arith.index_cast %mul3A_341 : i32 to index
        %swap3A_345 = tpu.vector_load %arg7[%swap3A_343, %swap3A_344] {strides = array<i32>} : memref<64x512xf32, #tpu.memory_space<vmem>>, vector<16xf32>,
        tpu.vector_store %arg7[%swap3A_343, %swap3A_344], %gather3A_186 {strides = array<i32>} : memref<64x512xf32, #tpu.memory_space<vmem>>, vector<16xf32>,
        %add3A_346 = arith.constant 6432 : i32
        %add3A_347 = vector.broadcast %add3A_346 : i32 to vector<16xi32>
        %add3A_348 = arith.addi %convert_element_type3A, %add3A_347 : vector<16xi32>
        %gather3A_349 = tpu.vector_load_idx %arg9[%add3A_348] : memref<12864xf32, #tpu.memory_space<vmem>>[vector<16xi32>], vector<16xf32>,
        %add3A_350 = arith.constant 6633 : i32
        %add3A_351 = vector.broadcast %add3A_350 : i32 to vector<16xi32>
        %add3A_352 = arith.addi %convert_element_type3A, %add3A_351 : vector<16xi32>
        %gather3A_353 = tpu.vector_load_idx %arg9[%add3A_352] : memref<12864xf32, #tpu.memory_space<vmem>>[vector<16xi32>], vector<16xf32>,
        %add3A_354 = arith.constant 6834 : i32
        %add3A_355 = vector.broadcast %add3A_354 : i32 to vector<16xi32>
        %add3A_356 = arith.addi %convert_element_type3A, %add3A_355 : vector<16xi32>
        %gather3A_357 = tpu.vector_load_idx %arg9[%add3A_356] : memref<12864xf32, #tpu.memory_space<vmem>>[vector<16xi32>], vector<16xf32>,
        %add3A_358 = arith.constant 7035 : i32
        %add3A_359 = vector.broadcast %add3A_358 : i32 to vector<16xi32>
        %add3A_360 = arith.addi %convert_element_type3A, %add3A_359 : vector<16xi32>
        %gather3A_361 = tpu.vector_load_idx %arg9[%add3A_360] : memref<12864xf32, #tpu.memory_space<vmem>>[vector<16xi32>], vector<16xf32>,
        %add3A_362 = arith.constant 7236 : i32
        %add3A_363 = vector.broadcast %add3A_362 : i32 to vector<16xi32>
        %add3A_364 = arith.addi %convert_element_type3A, %add3A_363 : vector<16xi32>
        %gather3A_365 = tpu.vector_load_idx %arg9[%add3A_364] : memref<12864xf32, #tpu.memory_space<vmem>>[vector<16xi32>], vector<16xf32>,
        %add3A_366 = arith.constant 7437 : i32
        %add3A_367 = vector.broadcast %add3A_366 : i32 to vector<16xi32>
        %add3A_368 = arith.addi %convert_element_type3A, %add3A_367 : vector<16xi32>
        %gather3A_369 = tpu.vector_load_idx %arg9[%add3A_368] : memref<12864xf32, #tpu.memory_space<vmem>>[vector<16xi32>], vector<16xf32>,
        %add3A_370 = arith.constant 7638 : i32
        %add3A_371 = vector.broadcast %add3A_370 : i32 to vector<16xi32>
        %add3A_372 = arith.addi %convert_element_type3A, %add3A_371 : vector<16xi32>
        %gather3A_373 = tpu.vector_load_idx %arg9[%add3A_372] : memref<12864xf32, #tpu.memory_space<vmem>>[vector<16xi32>], vector<16xf32>,
        %add3A_374 = arith.constant 7839 : i32
        %add3A_375 = vector.broadcast %add3A_374 : i32 to vector<16xi32>
        %add3A_376 = arith.addi %convert_element_type3A, %add3A_375 : vector<16xi32>
        %gather3A_377 = tpu.vector_load_idx %arg9[%add3A_376] : memref<12864xf32, #tpu.memory_space<vmem>>[vector<16xi32>], vector<16xf32>,
        %add3A_378 = arith.constant 8040 : i32
        %add3A_379 = vector.broadcast %add3A_378 : i32 to vector<16xi32>
        %add3A_380 = arith.addi %convert_element_type3A, %add3A_379 : vector<16xi32>
        %gather3A_381 = tpu.vector_load_idx %arg9[%add3A_380] : memref<12864xf32, #tpu.memory_space<vmem>>[vector<16xi32>], vector<16xf32>,
        %add3A_382 = arith.constant 8241 : i32
        %add3A_383 = vector.broadcast %add3A_382 : i32 to vector<16xi32>
        %add3A_384 = arith.addi %convert_element_type3A, %add3A_383 : vector<16xi32>
        %gather3A_385 = tpu.vector_load_idx %arg9[%add3A_384] : memref<12864xf32, #tpu.memory_space<vmem>>[vector<16xi32>], vector<16xf32>,
        %add3A_386 = arith.constant 8442 : i32
        %add3A_387 = vector.broadcast %add3A_386 : i32 to vector<16xi32>
        %add3A_388 = arith.addi %convert_element_type3A, %add3A_387 : vector<16xi32>
        %gather3A_389 = tpu.vector_load_idx %arg9[%add3A_388] : memref<12864xf32, #tpu.memory_space<vmem>>[vector<16xi32>], vector<16xf32>,
        %add3A_390 = arith.constant 8643 : i32
        %add3A_391 = vector.broadcast %add3A_390 : i32 to vector<16xi32>
        %add3A_392 = arith.addi %convert_element_type3A, %add3A_391 : vector<16xi32>
        %gather3A_393 = tpu.vector_load_idx %arg9[%add3A_392] : memref<12864xf32, #tpu.memory_space<vmem>>[vector<16xi32>], vector<16xf32>,
        %add3A_394 = arith.constant 8844 : i32
        %add3A_395 = vector.broadcast %add3A_394 : i32 to vector<16xi32>
        %add3A_396 = arith.addi %convert_element_type3A, %add3A_395 : vector<16xi32>
        %gather3A_397 = tpu.vector_load_idx %arg9[%add3A_396] : memref<12864xf32, #tpu.memory_space<vmem>>[vector<16xi32>], vector<16xf32>,
        %add3A_398 = arith.constant 9045 : i32
        %add3A_399 = vector.broadcast %add3A_398 : i32 to vector<16xi32>
        %add3A_400 = arith.addi %convert_element_type3A, %add3A_399 : vector<16xi32>
        %gather3A_401 = tpu.vector_load_idx %arg9[%add3A_400] : memref<12864xf32, #tpu.memory_space<vmem>>[vector<16xi32>], vector<16xf32>,
        %add3A_402 = arith.constant 9246 : i32
        %add3A_403 = vector.broadcast %add3A_402 : i32 to vector<16xi32>
        %add3A_404 = arith.addi %convert_element_type3A, %add3A_403 : vector<16xi32>
        %gather3A_405 = tpu.vector_load_idx %arg9[%add3A_404] : memref<12864xf32, #tpu.memory_space<vmem>>[vector<16xi32>], vector<16xf32>,
        %add3A_406 = arith.constant 9447 : i32
        %add3A_407 = vector.broadcast %add3A_406 : i32 to vector<16xi32>
        %add3A_408 = arith.addi %convert_element_type3A, %add3A_407 : vector<16xi32>
        %gather3A_409 = tpu.vector_load_idx %arg9[%add3A_408] : memref<12864xf32, #tpu.memory_space<vmem>>[vector<16xi32>], vector<16xf32>,
        %mul3A_410 = arith.constant 16 : i32
        %mul3A_411 = arith.muli %scan3A_114, %mul3A_410 : i32
        %swap3A_412 = arith.constant 16 : i32
        %swap3A_413 = arith.index_cast %swap3A_412 : i32 to index
        %swap3A_414 = arith.index_cast %mul3A_411 : i32 to index
        %swap3A_415 = tpu.vector_load %arg7[%swap3A_413, %swap3A_414] {strides = array<i32>} : memref<64x512xf32, #tpu.memory_space<vmem>>, vector<16xf32>,
        tpu.vector_store %arg7[%swap3A_413, %swap3A_414], %gather3A_190 {strides = array<i32>} : memref<64x512xf32, #tpu.memory_space<vmem>>, vector<16xf32>,
        %mul3A_416 = arith.constant 16 : i32
        %mul3A_417 = arith.muli %scan3A_114, %mul3A_416 : i32
        %swap3A_418 = arith.constant 17 : i32
        %swap3A_419 = arith.index_cast %swap3A_418 : i32 to index
        %swap3A_420 = arith.index_cast %mul3A_417 : i32 to index
        %swap3A_421 = tpu.vector_load %arg7[%swap3A_419, %swap3A_420] {strides = array<i32>} : memref<64x512xf32, #tpu.memory_space<vmem>>, vector<16xf32>,
        tpu.vector_store %arg7[%swap3A_419, %swap3A_420], %gather3A_194 {strides = array<i32>} : memref<64x512xf32, #tpu.memory_space<vmem>>, vector<16xf32>,
        %mul3A_422 = arith.constant 16 : i32
        %mul3A_423 = arith.muli %scan3A_114, %mul3A_422 : i32
        %swap3A_424 = arith.constant 18 : i32
        %swap3A_425 = arith.index_cast %swap3A_424 : i32 to index
        %swap3A_426 = arith.index_cast %mul3A_423 : i32 to index
        %swap3A_427 = tpu.vector_load %arg7[%swap3A_425, %swap3A_426] {strides = array<i32>} : memref<64x512xf32, #tpu.memory_space<vmem>>, vector<16xf32>,
        tpu.vector_store %arg7[%swap3A_425, %swap3A_426], %gather3A_198 {strides = array<i32>} : memref<64x512xf32, #tpu.memory_space<vmem>>, vector<16xf32>,
        %mul3A_428 = arith.constant 16 : i32
        %mul3A_429 = arith.muli %scan3A_114, %mul3A_428 : i32
        %swap3A_430 = arith.constant 19 : i32
        %swap3A_431 = arith.index_cast %swap3A_430 : i32 to index
        %swap3A_432 = arith.index_cast %mul3A_429 : i32 to index
        %swap3A_433 = tpu.vector_load %arg7[%swap3A_431, %swap3A_432] {strides = array<i32>} : memref<64x512xf32, #tpu.memory_space<vmem>>, vector<16xf32>,
        tpu.vector_store %arg7[%swap3A_431, %swap3A_432], %gather3A_202 {strides = array<i32>} : memref<64x512xf32, #tpu.memory_space<vmem>>, vector<16xf32>,
        %mul3A_434 = arith.constant 16 : i32
        %mul3A_435 = arith.muli %scan3A_114, %mul3A_434 : i32
        %swap3A_436 = arith.constant 20 : i32
        %swap3A_437 = arith.index_cast %swap3A_436 : i32 to index
        %swap3A_438 = arith.index_cast %mul3A_435 : i32 to index
        %swap3A_439 = tpu.vector_load %arg7[%swap3A_437, %swap3A_438] {strides = array<i32>} : memref<64x512xf32, #tpu.memory_space<vmem>>, vector<16xf32>,
        tpu.vector_store %arg7[%swap3A_437, %swap3A_438], %gather3A_206 {strides = array<i32>} : memref<64x512xf32, #tpu.memory_space<vmem>>, vector<16xf32>,
        %mul3A_440 = arith.constant 16 : i32
        %mul3A_441 = arith.muli %scan3A_114, %mul3A_440 : i32
        %swap3A_442 = arith.constant 21 : i32
        %swap3A_443 = arith.index_cast %swap3A_442 : i32 to index
        %swap3A_444 = arith.index_cast %mul3A_441 : i32 to index
        %swap3A_445 = tpu.vector_load %arg7[%swap3A_443, %swap3A_444] {strides = array<i32>} : memref<64x512xf32, #tpu.memory_space<vmem>>, vector<16xf32>,
        tpu.vector_store %arg7[%swap3A_443, %swap3A_444], %gather3A_210 {strides = array<i32>} : memref<64x512xf32, #tpu.memory_space<vmem>>, vector<16xf32>,
        %mul3A_446 = arith.constant 16 : i32
        %mul3A_447 = arith.muli %scan3A_114, %mul3A_446 : i32
        %swap3A_448 = arith.constant 22 : i32
        %swap3A_449 = arith.index_cast %swap3A_448 : i32 to index
        %swap3A_450 = arith.index_cast %mul3A_447 : i32 to index
        %swap3A_451 = tpu.vector_load %arg7[%swap3A_449, %swap3A_450] {strides = array<i32>} : memref<64x512xf32, #tpu.memory_space<vmem>>, vector<16xf32>,
        tpu.vector_store %arg7[%swap3A_449, %swap3A_450], %gather3A_214 {strides = array<i32>} : memref<64x512xf32, #tpu.memory_space<vmem>>, vector<16xf32>,
        %mul3A_452 = arith.constant 16 : i32
        %mul3A_453 = arith.muli %scan3A_114, %mul3A_452 : i32
        %swap3A_454 = arith.constant 23 : i32
        %swap3A_455 = arith.index_cast %swap3A_454 : i32 to index
        %swap3A_456 = arith.index_cast %mul3A_453 : i32 to index
        %swap3A_457 = tpu.vector_load %arg7[%swap3A_455, %swap3A_456] {strides = array<i32>} : memref<64x512xf32, #tpu.memory_space<vmem>>, vector<16xf32>,
        tpu.vector_store %arg7[%swap3A_455, %swap3A_456], %gather3A_218 {strides = array<i32>} : memref<64x512xf32, #tpu.memory_space<vmem>>, vector<16xf32>,
        %mul3A_458 = arith.constant 16 : i32
        %mul3A_459 = arith.muli %scan3A_114, %mul3A_458 : i32
        %swap3A_460 = arith.constant 24 : i32
        %swap3A_461 = arith.index_cast %swap3A_460 : i32 to index
        %swap3A_462 = arith.index_cast %mul3A_459 : i32 to index
        %swap3A_463 = tpu.vector_load %arg7[%swap3A_461, %swap3A_462] {strides = array<i32>} : memref<64x512xf32, #tpu.memory_space<vmem>>, vector<16xf32>,
        tpu.vector_store %arg7[%swap3A_461, %swap3A_462], %gather3A_222 {strides = array<i32>} : memref<64x512xf32, #tpu.memory_space<vmem>>, vector<16xf32>,
        %mul3A_464 = arith.constant 16 : i32
        %mul3A_465 = arith.muli %scan3A_114, %mul3A_464 : i32
        %swap3A_466 = arith.constant 25 : i32
        %swap3A_467 = arith.index_cast %swap3A_466 : i32 to index
        %swap3A_468 = arith.index_cast %mul3A_465 : i32 to index
        %swap3A_469 = tpu.vector_load %arg7[%swap3A_467, %swap3A_468] {strides = array<i32>} : memref<64x512xf32, #tpu.memory_space<vmem>>, vector<16xf32>,
        tpu.vector_store %arg7[%swap3A_467, %swap3A_468], %gather3A_226 {strides = array<i32>} : memref<64x512xf32, #tpu.memory_space<vmem>>, vector<16xf32>,
        %mul3A_470 = arith.constant 16 : i32
        %mul3A_471 = arith.muli %scan3A_114, %mul3A_470 : i32
        %swap3A_472 = arith.constant 26 : i32
        %swap3A_473 = arith.index_cast %swap3A_472 : i32 to index
        %swap3A_474 = arith.index_cast %mul3A_471 : i32 to index
        %swap3A_475 = tpu.vector_load %arg7[%swap3A_473, %swap3A_474] {strides = array<i32>} : memref<64x512xf32, #tpu.memory_space<vmem>>, vector<16xf32>,
        tpu.vector_store %arg7[%swap3A_473, %swap3A_474], %gather3A_230 {strides = array<i32>} : memref<64x512xf32, #tpu.memory_space<vmem>>, vector<16xf32>,
        %mul3A_476 = arith.constant 16 : i32
        %mul3A_477 = arith.muli %scan3A_114, %mul3A_476 : i32
        %swap3A_478 = arith.constant 27 : i32
        %swap3A_479 = arith.index_cast %swap3A_478 : i32 to index
        %swap3A_480 = arith.index_cast %mul3A_477 : i32 to index
        %swap3A_481 = tpu.vector_load %arg7[%swap3A_479, %swap3A_480] {strides = array<i32>} : memref<64x512xf32, #tpu.memory_space<vmem>>, vector<16xf32>,
        tpu.vector_store %arg7[%swap3A_479, %swap3A_480], %gather3A_234 {strides = array<i32>} : memref<64x512xf32, #tpu.memory_space<vmem>>, vector<16xf32>,
        %mul3A_482 = arith.constant 16 : i32
        %mul3A_483 = arith.muli %scan3A_114, %mul3A_482 : i32
        %swap3A_484 = arith.constant 28 : i32
        %swap3A_485 = arith.index_cast %swap3A_484 : i32 to index
        %swap3A_486 = arith.index_cast %mul3A_483 : i32 to index
        %swap3A_487 = tpu.vector_load %arg7[%swap3A_485, %swap3A_486] {strides = array<i32>} : memref<64x512xf32, #tpu.memory_space<vmem>>, vector<16xf32>,
        tpu.vector_store %arg7[%swap3A_485, %swap3A_486], %gather3A_238 {strides = array<i32>} : memref<64x512xf32, #tpu.memory_space<vmem>>, vector<16xf32>,
        %mul3A_488 = arith.constant 16 : i32
        %mul3A_489 = arith.muli %scan3A_114, %mul3A_488 : i32
        %swap3A_490 = arith.constant 29 : i32
        %swap3A_491 = arith.index_cast %swap3A_490 : i32 to index
        %swap3A_492 = arith.index_cast %mul3A_489 : i32 to index
        %swap3A_493 = tpu.vector_load %arg7[%swap3A_491, %swap3A_492] {strides = array<i32>} : memref<64x512xf32, #tpu.memory_space<vmem>>, vector<16xf32>,
        tpu.vector_store %arg7[%swap3A_491, %swap3A_492], %gather3A_242 {strides = array<i32>} : memref<64x512xf32, #tpu.memory_space<vmem>>, vector<16xf32>,
        %mul3A_494 = arith.constant 16 : i32
        %mul3A_495 = arith.muli %scan3A_114, %mul3A_494 : i32
        %swap3A_496 = arith.constant 30 : i32
        %swap3A_497 = arith.index_cast %swap3A_496 : i32 to index
        %swap3A_498 = arith.index_cast %mul3A_495 : i32 to index
        %swap3A_499 = tpu.vector_load %arg7[%swap3A_497, %swap3A_498] {strides = array<i32>} : memref<64x512xf32, #tpu.memory_space<vmem>>, vector<16xf32>,
        tpu.vector_store %arg7[%swap3A_497, %swap3A_498], %gather3A_246 {strides = array<i32>} : memref<64x512xf32, #tpu.memory_space<vmem>>, vector<16xf32>,
        %mul3A_500 = arith.constant 16 : i32
        %mul3A_501 = arith.muli %scan3A_114, %mul3A_500 : i32
        %swap3A_502 = arith.constant 31 : i32
        %swap3A_503 = arith.index_cast %swap3A_502 : i32 to index
        %swap3A_504 = arith.index_cast %mul3A_501 : i32 to index
        %swap3A_505 = tpu.vector_load %arg7[%swap3A_503, %swap3A_504] {strides = array<i32>} : memref<64x512xf32, #tpu.memory_space<vmem>>, vector<16xf32>,
        tpu.vector_store %arg7[%swap3A_503, %swap3A_504], %gather3A_250 {strides = array<i32>} : memref<64x512xf32, #tpu.memory_space<vmem>>, vector<16xf32>,
        %add3A_506 = arith.constant 9648 : i32
        %add3A_507 = vector.broadcast %add3A_506 : i32 to vector<16xi32>
        %add3A_508 = arith.addi %convert_element_type3A, %add3A_507 : vector<16xi32>
        %gather3A_509 = tpu.vector_load_idx %arg9[%add3A_508] : memref<12864xf32, #tpu.memory_space<vmem>>[vector<16xi32>], vector<16xf32>,
        %add3A_510 = arith.constant 9849 : i32
        %add3A_511 = vector.broadcast %add3A_510 : i32 to vector<16xi32>
        %add3A_512 = arith.addi %convert_element_type3A, %add3A_511 : vector<16xi32>
        %gather3A_513 = tpu.vector_load_idx %arg9[%add3A_512] : memref<12864xf32, #tpu.memory_space<vmem>>[vector<16xi32>], vector<16xf32>,
        %add3A_514 = arith.constant 10050 : i32
        %add3A_515 = vector.broadcast %add3A_514 : i32 to vector<16xi32>
        %add3A_516 = arith.addi %convert_element_type3A, %add3A_515 : vector<16xi32>
        %gather3A_517 = tpu.vector_load_idx %arg9[%add3A_516] : memref<12864xf32, #tpu.memory_space<vmem>>[vector<16xi32>], vector<16xf32>,
        %add3A_518 = arith.constant 10251 : i32
        %add3A_519 = vector.broadcast %add3A_518 : i32 to vector<16xi32>
        %add3A_520 = arith.addi %convert_element_type3A, %add3A_519 : vector<16xi32>
        %gather3A_521 = tpu.vector_load_idx %arg9[%add3A_520] : memref<12864xf32, #tpu.memory_space<vmem>>[vector<16xi32>], vector<16xf32>,
        %add3A_522 = arith.constant 10452 : i32
        %add3A_523 = vector.broadcast %add3A_522 : i32 to vector<16xi32>
        %add3A_524 = arith.addi %convert_element_type3A, %add3A_523 : vector<16xi32>
        %gather3A_525 = tpu.vector_load_idx %arg9[%add3A_524] : memref<12864xf32, #tpu.memory_space<vmem>>[vector<16xi32>], vector<16xf32>,
        %add3A_526 = arith.constant 10653 : i32
        %add3A_527 = vector.broadcast %add3A_526 : i32 to vector<16xi32>
        %add3A_528 = arith.addi %convert_element_type3A, %add3A_527 : vector<16xi32>
        %gather3A_529 = tpu.vector_load_idx %arg9[%add3A_528] : memref<12864xf32, #tpu.memory_space<vmem>>[vector<16xi32>], vector<16xf32>,
        %add3A_530 = arith.constant 10854 : i32
        %add3A_531 = vector.broadcast %add3A_530 : i32 to vector<16xi32>
        %add3A_532 = arith.addi %convert_element_type3A, %add3A_531 : vector<16xi32>
        %gather3A_533 = tpu.vector_load_idx %arg9[%add3A_532] : memref<12864xf32, #tpu.memory_space<vmem>>[vector<16xi32>], vector<16xf32>,
        %add3A_534 = arith.constant 11055 : i32
        %add3A_535 = vector.broadcast %add3A_534 : i32 to vector<16xi32>
        %add3A_536 = arith.addi %convert_element_type3A, %add3A_535 : vector<16xi32>
        %gather3A_537 = tpu.vector_load_idx %arg9[%add3A_536] : memref<12864xf32, #tpu.memory_space<vmem>>[vector<16xi32>], vector<16xf32>,
        %add3A_538 = arith.constant 11256 : i32
        %add3A_539 = vector.broadcast %add3A_538 : i32 to vector<16xi32>
        %add3A_540 = arith.addi %convert_element_type3A, %add3A_539 : vector<16xi32>
        %gather3A_541 = tpu.vector_load_idx %arg9[%add3A_540] : memref<12864xf32, #tpu.memory_space<vmem>>[vector<16xi32>], vector<16xf32>,
        %add3A_542 = arith.constant 11457 : i32
        %add3A_543 = vector.broadcast %add3A_542 : i32 to vector<16xi32>
        %add3A_544 = arith.addi %convert_element_type3A, %add3A_543 : vector<16xi32>
        %gather3A_545 = tpu.vector_load_idx %arg9[%add3A_544] : memref<12864xf32, #tpu.memory_space<vmem>>[vector<16xi32>], vector<16xf32>,
        %add3A_546 = arith.constant 11658 : i32
        %add3A_547 = vector.broadcast %add3A_546 : i32 to vector<16xi32>
        %add3A_548 = arith.addi %convert_element_type3A, %add3A_547 : vector<16xi32>
        %gather3A_549 = tpu.vector_load_idx %arg9[%add3A_548] : memref<12864xf32, #tpu.memory_space<vmem>>[vector<16xi32>], vector<16xf32>,
        %add3A_550 = arith.constant 11859 : i32
        %add3A_551 = vector.broadcast %add3A_550 : i32 to vector<16xi32>
        %add3A_552 = arith.addi %convert_element_type3A, %add3A_551 : vector<16xi32>
        %gather3A_553 = tpu.vector_load_idx %arg9[%add3A_552] : memref<12864xf32, #tpu.memory_space<vmem>>[vector<16xi32>], vector<16xf32>,
        %add3A_554 = arith.constant 12060 : i32
        %add3A_555 = vector.broadcast %add3A_554 : i32 to vector<16xi32>
        %add3A_556 = arith.addi %convert_element_type3A, %add3A_555 : vector<16xi32>
        %gather3A_557 = tpu.vector_load_idx %arg9[%add3A_556] : memref<12864xf32, #tpu.memory_space<vmem>>[vector<16xi32>], vector<16xf32>,
        %add3A_558 = arith.constant 12261 : i32
        %add3A_559 = vector.broadcast %add3A_558 : i32 to vector<16xi32>
        %add3A_560 = arith.addi %convert_element_type3A, %add3A_559 : vector<16xi32>
        %gather3A_561 = tpu.vector_load_idx %arg9[%add3A_560] : memref<12864xf32, #tpu.memory_space<vmem>>[vector<16xi32>], vector<16xf32>,
        %add3A_562 = arith.constant 12462 : i32
        %add3A_563 = vector.broadcast %add3A_562 : i32 to vector<16xi32>
        %add3A_564 = arith.addi %convert_element_type3A, %add3A_563 : vector<16xi32>
        %gather3A_565 = tpu.vector_load_idx %arg9[%add3A_564] : memref<12864xf32, #tpu.memory_space<vmem>>[vector<16xi32>], vector<16xf32>,
        %add3A_566 = arith.constant 12663 : i32
        %add3A_567 = vector.broadcast %add3A_566 : i32 to vector<16xi32>
        %add3A_568 = arith.addi %convert_element_type3A, %add3A_567 : vector<16xi32>
        %gather3A_569 = tpu.vector_load_idx %arg9[%add3A_568] : memref<12864xf32, #tpu.memory_space<vmem>>[vector<16xi32>], vector<16xf32>,
        %mul3A_570 = arith.constant 16 : i32
        %mul3A_571 = arith.muli %scan3A_114, %mul3A_570 : i32
        %swap3A_572 = arith.constant 32 : i32
        %swap3A_573 = arith.index_cast %swap3A_572 : i32 to index
        %swap3A_574 = arith.index_cast %mul3A_571 : i32 to index
        %swap3A_575 = tpu.vector_load %arg7[%swap3A_573, %swap3A_574] {strides = array<i32>} : memref<64x512xf32, #tpu.memory_space<vmem>>, vector<16xf32>,
        tpu.vector_store %arg7[%swap3A_573, %swap3A_574], %gather3A_349 {strides = array<i32>} : memref<64x512xf32, #tpu.memory_space<vmem>>, vector<16xf32>,
        %mul3A_576 = arith.constant 16 : i32
        %mul3A_577 = arith.muli %scan3A_114, %mul3A_576 : i32
        %swap3A_578 = arith.constant 33 : i32
        %swap3A_579 = arith.index_cast %swap3A_578 : i32 to index
        %swap3A_580 = arith.index_cast %mul3A_577 : i32 to index
        %swap3A_581 = tpu.vector_load %arg7[%swap3A_579, %swap3A_580] {strides = array<i32>} : memref<64x512xf32, #tpu.memory_space<vmem>>, vector<16xf32>,
        tpu.vector_store %arg7[%swap3A_579, %swap3A_580], %gather3A_353 {strides = array<i32>} : memref<64x512xf32, #tpu.memory_space<vmem>>, vector<16xf32>,
        %mul3A_582 = arith.constant 16 : i32
        %mul3A_583 = arith.muli %scan3A_114, %mul3A_582 : i32
        %swap3A_584 = arith.constant 34 : i32
        %swap3A_585 = arith.index_cast %swap3A_584 : i32 to index
        %swap3A_586 = arith.index_cast %mul3A_583 : i32 to index
        %swap3A_587 = tpu.vector_load %arg7[%swap3A_585, %swap3A_586] {strides = array<i32>} : memref<64x512xf32, #tpu.memory_space<vmem>>, vector<16xf32>,
        tpu.vector_store %arg7[%swap3A_585, %swap3A_586], %gather3A_357 {strides = array<i32>} : memref<64x512xf32, #tpu.memory_space<vmem>>, vector<16xf32>,
        %mul3A_588 = arith.constant 16 : i32
        %mul3A_589 = arith.muli %scan3A_114, %mul3A_588 : i32
        %swap3A_590 = arith.constant 35 : i32
        %swap3A_591 = arith.index_cast %swap3A_590 : i32 to index
        %swap3A_592 = arith.index_cast %mul3A_589 : i32 to index
        %swap3A_593 = tpu.vector_load %arg7[%swap3A_591, %swap3A_592] {strides = array<i32>} : memref<64x512xf32, #tpu.memory_space<vmem>>, vector<16xf32>,
        tpu.vector_store %arg7[%swap3A_591, %swap3A_592], %gather3A_361 {strides = array<i32>} : memref<64x512xf32, #tpu.memory_space<vmem>>, vector<16xf32>,
        %mul3A_594 = arith.constant 16 : i32
        %mul3A_595 = arith.muli %scan3A_114, %mul3A_594 : i32
        %swap3A_596 = arith.constant 36 : i32
        %swap3A_597 = arith.index_cast %swap3A_596 : i32 to index
        %swap3A_598 = arith.index_cast %mul3A_595 : i32 to index
        %swap3A_599 = tpu.vector_load %arg7[%swap3A_597, %swap3A_598] {strides = array<i32>} : memref<64x512xf32, #tpu.memory_space<vmem>>, vector<16xf32>,
        tpu.vector_store %arg7[%swap3A_597, %swap3A_598], %gather3A_365 {strides = array<i32>} : memref<64x512xf32, #tpu.memory_space<vmem>>, vector<16xf32>,
        %mul3A_600 = arith.constant 16 : i32
        %mul3A_601 = arith.muli %scan3A_114, %mul3A_600 : i32
        %swap3A_602 = arith.constant 37 : i32
        %swap3A_603 = arith.index_cast %swap3A_602 : i32 to index
        %swap3A_604 = arith.index_cast %mul3A_601 : i32 to index
        %swap3A_605 = tpu.vector_load %arg7[%swap3A_603, %swap3A_604] {strides = array<i32>} : memref<64x512xf32, #tpu.memory_space<vmem>>, vector<16xf32>,
        tpu.vector_store %arg7[%swap3A_603, %swap3A_604], %gather3A_369 {strides = array<i32>} : memref<64x512xf32, #tpu.memory_space<vmem>>, vector<16xf32>,
        %mul3A_606 = arith.constant 16 : i32
        %mul3A_607 = arith.muli %scan3A_114, %mul3A_606 : i32
        %swap3A_608 = arith.constant 38 : i32
        %swap3A_609 = arith.index_cast %swap3A_608 : i32 to index
        %swap3A_610 = arith.index_cast %mul3A_607 : i32 to index
        %swap3A_611 = tpu.vector_load %arg7[%swap3A_609, %swap3A_610] {strides = array<i32>} : memref<64x512xf32, #tpu.memory_space<vmem>>, vector<16xf32>,
        tpu.vector_store %arg7[%swap3A_609, %swap3A_610], %gather3A_373 {strides = array<i32>} : memref<64x512xf32, #tpu.memory_space<vmem>>, vector<16xf32>,
        %mul3A_612 = arith.constant 16 : i32
        %mul3A_613 = arith.muli %scan3A_114, %mul3A_612 : i32
        %swap3A_614 = arith.constant 39 : i32
        %swap3A_615 = arith.index_cast %swap3A_614 : i32 to index
        %swap3A_616 = arith.index_cast %mul3A_613 : i32 to index
        %swap3A_617 = tpu.vector_load %arg7[%swap3A_615, %swap3A_616] {strides = array<i32>} : memref<64x512xf32, #tpu.memory_space<vmem>>, vector<16xf32>,
        tpu.vector_store %arg7[%swap3A_615, %swap3A_616], %gather3A_377 {strides = array<i32>} : memref<64x512xf32, #tpu.memory_space<vmem>>, vector<16xf32>,
        %mul3A_618 = arith.constant 16 : i32
        %mul3A_619 = arith.muli %scan3A_114, %mul3A_618 : i32
        %swap3A_620 = arith.constant 40 : i32
        %swap3A_621 = arith.index_cast %swap3A_620 : i32 to index
        %swap3A_622 = arith.index_cast %mul3A_619 : i32 to index
        %swap3A_623 = tpu.vector_load %arg7[%swap3A_621, %swap3A_622] {strides = array<i32>} : memref<64x512xf32, #tpu.memory_space<vmem>>, vector<16xf32>,
        tpu.vector_store %arg7[%swap3A_621, %swap3A_622], %gather3A_381 {strides = array<i32>} : memref<64x512xf32, #tpu.memory_space<vmem>>, vector<16xf32>,
        %mul3A_624 = arith.constant 16 : i32
        %mul3A_625 = arith.muli %scan3A_114, %mul3A_624 : i32
        %swap3A_626 = arith.constant 41 : i32
        %swap3A_627 = arith.index_cast %swap3A_626 : i32 to index
        %swap3A_628 = arith.index_cast %mul3A_625 : i32 to index
        %swap3A_629 = tpu.vector_load %arg7[%swap3A_627, %swap3A_628] {strides = array<i32>} : memref<64x512xf32, #tpu.memory_space<vmem>>, vector<16xf32>,
        tpu.vector_store %arg7[%swap3A_627, %swap3A_628], %gather3A_385 {strides = array<i32>} : memref<64x512xf32, #tpu.memory_space<vmem>>, vector<16xf32>,
        %mul3A_630 = arith.constant 16 : i32
        %mul3A_631 = arith.muli %scan3A_114, %mul3A_630 : i32
        %swap3A_632 = arith.constant 42 : i32
        %swap3A_633 = arith.index_cast %swap3A_632 : i32 to index
        %swap3A_634 = arith.index_cast %mul3A_631 : i32 to index
        %swap3A_635 = tpu.vector_load %arg7[%swap3A_633, %swap3A_634] {strides = array<i32>} : memref<64x512xf32, #tpu.memory_space<vmem>>, vector<16xf32>,
        tpu.vector_store %arg7[%swap3A_633, %swap3A_634], %gather3A_389 {strides = array<i32>} : memref<64x512xf32, #tpu.memory_space<vmem>>, vector<16xf32>,
        %mul3A_636 = arith.constant 16 : i32
        %mul3A_637 = arith.muli %scan3A_114, %mul3A_636 : i32
        %swap3A_638 = arith.constant 43 : i32
        %swap3A_639 = arith.index_cast %swap3A_638 : i32 to index
        %swap3A_640 = arith.index_cast %mul3A_637 : i32 to index
        %swap3A_641 = tpu.vector_load %arg7[%swap3A_639, %swap3A_640] {strides = array<i32>} : memref<64x512xf32, #tpu.memory_space<vmem>>, vector<16xf32>,
        tpu.vector_store %arg7[%swap3A_639, %swap3A_640], %gather3A_393 {strides = array<i32>} : memref<64x512xf32, #tpu.memory_space<vmem>>, vector<16xf32>,
        %mul3A_642 = arith.constant 16 : i32
        %mul3A_643 = arith.muli %scan3A_114, %mul3A_642 : i32
        %swap3A_644 = arith.constant 44 : i32
        %swap3A_645 = arith.index_cast %swap3A_644 : i32 to index
        %swap3A_646 = arith.index_cast %mul3A_643 : i32 to index
        %swap3A_647 = tpu.vector_load %arg7[%swap3A_645, %swap3A_646] {strides = array<i32>} : memref<64x512xf32, #tpu.memory_space<vmem>>, vector<16xf32>,
        tpu.vector_store %arg7[%swap3A_645, %swap3A_646], %gather3A_397 {strides = array<i32>} : memref<64x512xf32, #tpu.memory_space<vmem>>, vector<16xf32>,
        %mul3A_648 = arith.constant 16 : i32
        %mul3A_649 = arith.muli %scan3A_114, %mul3A_648 : i32
        %swap3A_650 = arith.constant 45 : i32
        %swap3A_651 = arith.index_cast %swap3A_650 : i32 to index
        %swap3A_652 = arith.index_cast %mul3A_649 : i32 to index
        %swap3A_653 = tpu.vector_load %arg7[%swap3A_651, %swap3A_652] {strides = array<i32>} : memref<64x512xf32, #tpu.memory_space<vmem>>, vector<16xf32>,
        tpu.vector_store %arg7[%swap3A_651, %swap3A_652], %gather3A_401 {strides = array<i32>} : memref<64x512xf32, #tpu.memory_space<vmem>>, vector<16xf32>,
        %mul3A_654 = arith.constant 16 : i32
        %mul3A_655 = arith.muli %scan3A_114, %mul3A_654 : i32
        %swap3A_656 = arith.constant 46 : i32
        %swap3A_657 = arith.index_cast %swap3A_656 : i32 to index
        %swap3A_658 = arith.index_cast %mul3A_655 : i32 to index
        %swap3A_659 = tpu.vector_load %arg7[%swap3A_657, %swap3A_658] {strides = array<i32>} : memref<64x512xf32, #tpu.memory_space<vmem>>, vector<16xf32>,
        tpu.vector_store %arg7[%swap3A_657, %swap3A_658], %gather3A_405 {strides = array<i32>} : memref<64x512xf32, #tpu.memory_space<vmem>>, vector<16xf32>,
        %mul3A_660 = arith.constant 16 : i32
        %mul3A_661 = arith.muli %scan3A_114, %mul3A_660 : i32
        %swap3A_662 = arith.constant 47 : i32
        %swap3A_663 = arith.index_cast %swap3A_662 : i32 to index
        %swap3A_664 = arith.index_cast %mul3A_661 : i32 to index
        %swap3A_665 = tpu.vector_load %arg7[%swap3A_663, %swap3A_664] {strides = array<i32>} : memref<64x512xf32, #tpu.memory_space<vmem>>, vector<16xf32>,
        tpu.vector_store %arg7[%swap3A_663, %swap3A_664], %gather3A_409 {strides = array<i32>} : memref<64x512xf32, #tpu.memory_space<vmem>>, vector<16xf32>,
        %mul3A_666 = arith.constant 16 : i32
        %mul3A_667 = arith.muli %scan3A_114, %mul3A_666 : i32
        %swap3A_668 = arith.constant 48 : i32
        %swap3A_669 = arith.index_cast %swap3A_668 : i32 to index
        %swap3A_670 = arith.index_cast %mul3A_667 : i32 to index
        %swap3A_671 = tpu.vector_load %arg7[%swap3A_669, %swap3A_670] {strides = array<i32>} : memref<64x512xf32, #tpu.memory_space<vmem>>, vector<16xf32>,
        tpu.vector_store %arg7[%swap3A_669, %swap3A_670], %gather3A_509 {strides = array<i32>} : memref<64x512xf32, #tpu.memory_space<vmem>>, vector<16xf32>,
        %mul3A_672 = arith.constant 16 : i32
        %mul3A_673 = arith.muli %scan3A_114, %mul3A_672 : i32
        %swap3A_674 = arith.constant 49 : i32
        %swap3A_675 = arith.index_cast %swap3A_674 : i32 to index
        %swap3A_676 = arith.index_cast %mul3A_673 : i32 to index
        %swap3A_677 = tpu.vector_load %arg7[%swap3A_675, %swap3A_676] {strides = array<i32>} : memref<64x512xf32, #tpu.memory_space<vmem>>, vector<16xf32>,
        tpu.vector_store %arg7[%swap3A_675, %swap3A_676], %gather3A_513 {strides = array<i32>} : memref<64x512xf32, #tpu.memory_space<vmem>>, vector<16xf32>,
        %mul3A_678 = arith.constant 16 : i32
        %mul3A_679 = arith.muli %scan3A_114, %mul3A_678 : i32
        %swap3A_680 = arith.constant 50 : i32
        %swap3A_681 = arith.index_cast %swap3A_680 : i32 to index
        %swap3A_682 = arith.index_cast %mul3A_679 : i32 to index
        %swap3A_683 = tpu.vector_load %arg7[%swap3A_681, %swap3A_682] {strides = array<i32>} : memref<64x512xf32, #tpu.memory_space<vmem>>, vector<16xf32>,
        tpu.vector_store %arg7[%swap3A_681, %swap3A_682], %gather3A_517 {strides = array<i32>} : memref<64x512xf32, #tpu.memory_space<vmem>>, vector<16xf32>,
        %mul3A_684 = arith.constant 16 : i32
        %mul3A_685 = arith.muli %scan3A_114, %mul3A_684 : i32
        %swap3A_686 = arith.constant 51 : i32
        %swap3A_687 = arith.index_cast %swap3A_686 : i32 to index
        %swap3A_688 = arith.index_cast %mul3A_685 : i32 to index
        %swap3A_689 = tpu.vector_load %arg7[%swap3A_687, %swap3A_688] {strides = array<i32>} : memref<64x512xf32, #tpu.memory_space<vmem>>, vector<16xf32>,
        tpu.vector_store %arg7[%swap3A_687, %swap3A_688], %gather3A_521 {strides = array<i32>} : memref<64x512xf32, #tpu.memory_space<vmem>>, vector<16xf32>,
        %mul3A_690 = arith.constant 16 : i32
        %mul3A_691 = arith.muli %scan3A_114, %mul3A_690 : i32
        %swap3A_692 = arith.constant 52 : i32
        %swap3A_693 = arith.index_cast %swap3A_692 : i32 to index
        %swap3A_694 = arith.index_cast %mul3A_691 : i32 to index
        %swap3A_695 = tpu.vector_load %arg7[%swap3A_693, %swap3A_694] {strides = array<i32>} : memref<64x512xf32, #tpu.memory_space<vmem>>, vector<16xf32>,
        tpu.vector_store %arg7[%swap3A_693, %swap3A_694], %gather3A_525 {strides = array<i32>} : memref<64x512xf32, #tpu.memory_space<vmem>>, vector<16xf32>,
        %mul3A_696 = arith.constant 16 : i32
        %mul3A_697 = arith.muli %scan3A_114, %mul3A_696 : i32
        %swap3A_698 = arith.constant 53 : i32
        %swap3A_699 = arith.index_cast %swap3A_698 : i32 to index
        %swap3A_700 = arith.index_cast %mul3A_697 : i32 to index
        %swap3A_701 = tpu.vector_load %arg7[%swap3A_699, %swap3A_700] {strides = array<i32>} : memref<64x512xf32, #tpu.memory_space<vmem>>, vector<16xf32>,
        tpu.vector_store %arg7[%swap3A_699, %swap3A_700], %gather3A_529 {strides = array<i32>} : memref<64x512xf32, #tpu.memory_space<vmem>>, vector<16xf32>,
        %mul3A_702 = arith.constant 16 : i32
        %mul3A_703 = arith.muli %scan3A_114, %mul3A_702 : i32
        %swap3A_704 = arith.constant 54 : i32
        %swap3A_705 = arith.index_cast %swap3A_704 : i32 to index
        %swap3A_706 = arith.index_cast %mul3A_703 : i32 to index
        %swap3A_707 = tpu.vector_load %arg7[%swap3A_705, %swap3A_706] {strides = array<i32>} : memref<64x512xf32, #tpu.memory_space<vmem>>, vector<16xf32>,
        tpu.vector_store %arg7[%swap3A_705, %swap3A_706], %gather3A_533 {strides = array<i32>} : memref<64x512xf32, #tpu.memory_space<vmem>>, vector<16xf32>,
        %mul3A_708 = arith.constant 16 : i32
        %mul3A_709 = arith.muli %scan3A_114, %mul3A_708 : i32
        %swap3A_710 = arith.constant 55 : i32
        %swap3A_711 = arith.index_cast %swap3A_710 : i32 to index
        %swap3A_712 = arith.index_cast %mul3A_709 : i32 to index
        %swap3A_713 = tpu.vector_load %arg7[%swap3A_711, %swap3A_712] {strides = array<i32>} : memref<64x512xf32, #tpu.memory_space<vmem>>, vector<16xf32>,
        tpu.vector_store %arg7[%swap3A_711, %swap3A_712], %gather3A_537 {strides = array<i32>} : memref<64x512xf32, #tpu.memory_space<vmem>>, vector<16xf32>,
        %mul3A_714 = arith.constant 16 : i32
        %mul3A_715 = arith.muli %scan3A_114, %mul3A_714 : i32
        %swap3A_716 = arith.constant 56 : i32
        %swap3A_717 = arith.index_cast %swap3A_716 : i32 to index
        %swap3A_718 = arith.index_cast %mul3A_715 : i32 to index
        %swap3A_719 = tpu.vector_load %arg7[%swap3A_717, %swap3A_718] {strides = array<i32>} : memref<64x512xf32, #tpu.memory_space<vmem>>, vector<16xf32>,
        tpu.vector_store %arg7[%swap3A_717, %swap3A_718], %gather3A_541 {strides = array<i32>} : memref<64x512xf32, #tpu.memory_space<vmem>>, vector<16xf32>,
        %mul3A_720 = arith.constant 16 : i32
        %mul3A_721 = arith.muli %scan3A_114, %mul3A_720 : i32
        %swap3A_722 = arith.constant 57 : i32
        %swap3A_723 = arith.index_cast %swap3A_722 : i32 to index
        %swap3A_724 = arith.index_cast %mul3A_721 : i32 to index
        %swap3A_725 = tpu.vector_load %arg7[%swap3A_723, %swap3A_724] {strides = array<i32>} : memref<64x512xf32, #tpu.memory_space<vmem>>, vector<16xf32>,
        tpu.vector_store %arg7[%swap3A_723, %swap3A_724], %gather3A_545 {strides = array<i32>} : memref<64x512xf32, #tpu.memory_space<vmem>>, vector<16xf32>,
        %mul3A_726 = arith.constant 16 : i32
        %mul3A_727 = arith.muli %scan3A_114, %mul3A_726 : i32
        %swap3A_728 = arith.constant 58 : i32
        %swap3A_729 = arith.index_cast %swap3A_728 : i32 to index
        %swap3A_730 = arith.index_cast %mul3A_727 : i32 to index
        %swap3A_731 = tpu.vector_load %arg7[%swap3A_729, %swap3A_730] {strides = array<i32>} : memref<64x512xf32, #tpu.memory_space<vmem>>, vector<16xf32>,
        tpu.vector_store %arg7[%swap3A_729, %swap3A_730], %gather3A_549 {strides = array<i32>} : memref<64x512xf32, #tpu.memory_space<vmem>>, vector<16xf32>,
        %mul3A_732 = arith.constant 16 : i32
        %mul3A_733 = arith.muli %scan3A_114, %mul3A_732 : i32
        %swap3A_734 = arith.constant 59 : i32
        %swap3A_735 = arith.index_cast %swap3A_734 : i32 to index
        %swap3A_736 = arith.index_cast %mul3A_733 : i32 to index
        %swap3A_737 = tpu.vector_load %arg7[%swap3A_735, %swap3A_736] {strides = array<i32>} : memref<64x512xf32, #tpu.memory_space<vmem>>, vector<16xf32>,
        tpu.vector_store %arg7[%swap3A_735, %swap3A_736], %gather3A_553 {strides = array<i32>} : memref<64x512xf32, #tpu.memory_space<vmem>>, vector<16xf32>,
        %mul3A_738 = arith.constant 16 : i32
        %mul3A_739 = arith.muli %scan3A_114, %mul3A_738 : i32
        %swap3A_740 = arith.constant 60 : i32
        %swap3A_741 = arith.index_cast %swap3A_740 : i32 to index
        %swap3A_742 = arith.index_cast %mul3A_739 : i32 to index
        %swap3A_743 = tpu.vector_load %arg7[%swap3A_741, %swap3A_742] {strides = array<i32>} : memref<64x512xf32, #tpu.memory_space<vmem>>, vector<16xf32>,
        tpu.vector_store %arg7[%swap3A_741, %swap3A_742], %gather3A_557 {strides = array<i32>} : memref<64x512xf32, #tpu.memory_space<vmem>>, vector<16xf32>,
        %mul3A_744 = arith.constant 16 : i32
        %mul3A_745 = arith.muli %scan3A_114, %mul3A_744 : i32
        %swap3A_746 = arith.constant 61 : i32
        %swap3A_747 = arith.index_cast %swap3A_746 : i32 to index
        %swap3A_748 = arith.index_cast %mul3A_745 : i32 to index
        %swap3A_749 = tpu.vector_load %arg7[%swap3A_747, %swap3A_748] {strides = array<i32>} : memref<64x512xf32, #tpu.memory_space<vmem>>, vector<16xf32>,
        tpu.vector_store %arg7[%swap3A_747, %swap3A_748], %gather3A_561 {strides = array<i32>} : memref<64x512xf32, #tpu.memory_space<vmem>>, vector<16xf32>,
        %mul3A_750 = arith.constant 16 : i32
        %mul3A_751 = arith.muli %scan3A_114, %mul3A_750 : i32
        %swap3A_752 = arith.constant 62 : i32
        %swap3A_753 = arith.index_cast %swap3A_752 : i32 to index
        %swap3A_754 = arith.index_cast %mul3A_751 : i32 to index
        %swap3A_755 = tpu.vector_load %arg7[%swap3A_753, %swap3A_754] {strides = array<i32>} : memref<64x512xf32, #tpu.memory_space<vmem>>, vector<16xf32>,
        tpu.vector_store %arg7[%swap3A_753, %swap3A_754], %gather3A_565 {strides = array<i32>} : memref<64x512xf32, #tpu.memory_space<vmem>>, vector<16xf32>,
        %mul3A_756 = arith.constant 16 : i32
        %mul3A_757 = arith.muli %scan3A_114, %mul3A_756 : i32
        %swap3A_758 = arith.constant 63 : i32
        %swap3A_759 = arith.index_cast %swap3A_758 : i32 to index
        %swap3A_760 = arith.index_cast %mul3A_757 : i32 to index
        %swap3A_761 = tpu.vector_load %arg7[%swap3A_759, %swap3A_760] {strides = array<i32>} : memref<64x512xf32, #tpu.memory_space<vmem>>, vector<16xf32>,
        tpu.vector_store %arg7[%swap3A_759, %swap3A_760], %gather3A_569 {strides = array<i32>} : memref<64x512xf32, #tpu.memory_space<vmem>>, vector<16xf32>,
      }
      %scan3A_82 = arith.constant 32 : i32
      %dma_start3A_83 = arith.constant 0 : i32
      %dma_start3A_84 = arith.constant 0 : i32
      %dma_start3A_85 = tpu.memref_slice %arg4[%add3A_67, %dma_start3A_83, %dma_start3A_84] : memref<1024x64x1024xf32, #tpu.memory_space<hbm>> -> memref<1x64x512xf32, #tpu.memory_space<hbm>>
      %dma_start3A_86 = tpu.memref_squeeze %dma_start3A_85 : memref<1x64x512xf32, #tpu.memory_space<hbm>> -> memref<64x512xf32, #tpu.memory_space<hbm>>
      %dma_start3A_87 = arith.constant 0 : i32
      %dma_start3A_88 = arith.constant 0 : i32
      %dma_start3A_89 = tpu.memref_slice %arg4[%add3A_67, %dma_start3A_87, %dma_start3A_88] : memref<1024x64x1024xf32, #tpu.memory_space<hbm>> -> memref<1x64x512xf32, #tpu.memory_space<hbm>>
      %dma_start3A_90 = tpu.memref_squeeze %dma_start3A_89 : memref<1x64x512xf32, #tpu.memory_space<hbm>> -> memref<64x512xf32, #tpu.memory_space<hbm>>
      tpu.enqueue_dma source(%arg7 : memref<64x512xf32, #tpu.memory_space<vmem>>) target(%dma_start3A_90 : memref<64x512xf32, #tpu.memory_space<hbm>>) target_semaphore(%arg11 : memref<!tpu.dma_semaphore, #tpu.memory_space<semaphore_mem>>)
      %dma_wait3A_91 = arith.constant 0 : i32
      %dma_wait3A_92 = arith.constant 0 : i32
      %dma_wait3A_93 = arith.constant 0 : i32
      %dma_wait3A_94 = tpu.memref_slice %arg4[%dma_wait3A_91, %dma_wait3A_92, %dma_wait3A_93] : memref<1024x64x1024xf32, #tpu.memory_space<hbm>> -> memref<1x64x512xf32, #tpu.memory_space<hbm>>
      %dma_wait3A_95 = tpu.memref_squeeze %dma_wait3A_94 : memref<1x64x512xf32, #tpu.memory_space<hbm>> -> memref<64x512xf32, #tpu.memory_space<hbm>>
      %dma_wait3A_96 = arith.constant 0 : i32
      %dma_wait3A_97 = arith.constant 0 : i32
      %dma_wait3A_98 = tpu.memref_slice %arg4[%dma_wait3A_91, %dma_wait3A_96, %dma_wait3A_97] : memref<1024x64x1024xf32, #tpu.memory_space<hbm>> -> memref<1x64x512xf32, #tpu.memory_space<hbm>>
      %dma_wait3A_99 = tpu.memref_squeeze %dma_wait3A_98 : memref<1x64x512xf32, #tpu.memory_space<hbm>> -> memref<64x512xf32, #tpu.memory_space<hbm>>
      tpu.wait_dma2 semaphore(%arg12 : memref<!tpu.dma_semaphore, #tpu.memory_space<semaphore_mem>>) src(%arg8 : memref<64x512xf32, #tpu.memory_space<vmem>>) dst(%dma_wait3A_99 : memref<64x512xf32, #tpu.memory_space<hbm>>)
      %scan3A_100 = arith.constant 0 : i32
      %scan3A_101 = arith.constant 0 : i32
      %scan3A_102 = arith.constant 32 : i32
      %scan3A_103 = arith.addi %scan3A_101, %scan3A_102 : i32
      %scan3A_104 = arith.constant 1 : i32
      scf.for %scan3A_114 = %scan3A_101 to %scan3A_103 step %scan3A_104  : i32 {
        %mul3A_115 = arith.constant 16 : i32
        %mul3A_116 = arith.muli %scan3A_114, %mul3A_115 : i32
        %add3A_117 = arith.constant 512 : i32
        %add3A_118 = arith.addi %add3A_117, %mul3A_116 : i32
        %get3A = arith.index_cast %scan3A_62 : i32 to index
        %get3A_119 = arith.index_cast %add3A_118 : i32 to index
        %get3A_120 = tpu.vector_load %arg6[%get3A, %get3A_119] {strides = array<i32>} : memref<16x1024xf32, #tpu.memory_space<vmem>>, vector<16xf32>,
        %jit3A = arith.constant 0.000000e+00 : f32
        %jit3A_121 = arith.constant 2.000000e+02 : f32
        %max3A = vector.broadcast %jit3A : f32 to vector<16xf32>
        %max3A_122 = arith.maximumf %max3A, %get3A_120 : vector<16xf32>
        %min3A = vector.broadcast %jit3A_121 : f32 to vector<16xf32>
        %min3A_123 = arith.minimumf %min3A, %max3A_122 : vector<16xf32>
        %convert_element_type3A = arith.fptosi %min3A_123 : vector<16xf32> to vector<16xi32>
        %add3A_124 = arith.constant 0 : i32
        %add3A_125 = vector.broadcast %add3A_124 : i32 to vector<16xi32>
        %add3A_126 = arith.addi %convert_element_type3A, %add3A_125 : vector<16xi32>
        %gather3A = tpu.vector_load_idx %arg9[%add3A_126] : memref<12864xf32, #tpu.memory_space<vmem>>[vector<16xi32>], vector<16xf32>,
        %add3A_127 = arith.constant 201 : i32
        %add3A_128 = vector.broadcast %add3A_127 : i32 to vector<16xi32>
        %add3A_129 = arith.addi %convert_element_type3A, %add3A_128 : vector<16xi32>
        %gather3A_130 = tpu.vector_load_idx %arg9[%add3A_129] : memref<12864xf32, #tpu.memory_space<vmem>>[vector<16xi32>], vector<16xf32>,
        %add3A_131 = arith.constant 402 : i32
        %add3A_132 = vector.broadcast %add3A_131 : i32 to vector<16xi32>
        %add3A_133 = arith.addi %convert_element_type3A, %add3A_132 : vector<16xi32>
        %gather3A_134 = tpu.vector_load_idx %arg9[%add3A_133] : memref<12864xf32, #tpu.memory_space<vmem>>[vector<16xi32>], vector<16xf32>,
        %add3A_135 = arith.constant 603 : i32
        %add3A_136 = vector.broadcast %add3A_135 : i32 to vector<16xi32>
        %add3A_137 = arith.addi %convert_element_type3A, %add3A_136 : vector<16xi32>
        %gather3A_138 = tpu.vector_load_idx %arg9[%add3A_137] : memref<12864xf32, #tpu.memory_space<vmem>>[vector<16xi32>], vector<16xf32>,
        %add3A_139 = arith.constant 804 : i32
        %add3A_140 = vector.broadcast %add3A_139 : i32 to vector<16xi32>
        %add3A_141 = arith.addi %convert_element_type3A, %add3A_140 : vector<16xi32>
        %gather3A_142 = tpu.vector_load_idx %arg9[%add3A_141] : memref<12864xf32, #tpu.memory_space<vmem>>[vector<16xi32>], vector<16xf32>,
        %add3A_143 = arith.constant 1005 : i32
        %add3A_144 = vector.broadcast %add3A_143 : i32 to vector<16xi32>
        %add3A_145 = arith.addi %convert_element_type3A, %add3A_144 : vector<16xi32>
        %gather3A_146 = tpu.vector_load_idx %arg9[%add3A_145] : memref<12864xf32, #tpu.memory_space<vmem>>[vector<16xi32>], vector<16xf32>,
        %add3A_147 = arith.constant 1206 : i32
        %add3A_148 = vector.broadcast %add3A_147 : i32 to vector<16xi32>
        %add3A_149 = arith.addi %convert_element_type3A, %add3A_148 : vector<16xi32>
        %gather3A_150 = tpu.vector_load_idx %arg9[%add3A_149] : memref<12864xf32, #tpu.memory_space<vmem>>[vector<16xi32>], vector<16xf32>,
        %add3A_151 = arith.constant 1407 : i32
        %add3A_152 = vector.broadcast %add3A_151 : i32 to vector<16xi32>
        %add3A_153 = arith.addi %convert_element_type3A, %add3A_152 : vector<16xi32>
        %gather3A_154 = tpu.vector_load_idx %arg9[%add3A_153] : memref<12864xf32, #tpu.memory_space<vmem>>[vector<16xi32>], vector<16xf32>,
        %add3A_155 = arith.constant 1608 : i32
        %add3A_156 = vector.broadcast %add3A_155 : i32 to vector<16xi32>
        %add3A_157 = arith.addi %convert_element_type3A, %add3A_156 : vector<16xi32>
        %gather3A_158 = tpu.vector_load_idx %arg9[%add3A_157] : memref<12864xf32, #tpu.memory_space<vmem>>[vector<16xi32>], vector<16xf32>,
        %add3A_159 = arith.constant 1809 : i32
        %add3A_160 = vector.broadcast %add3A_159 : i32 to vector<16xi32>
        %add3A_161 = arith.addi %convert_element_type3A, %add3A_160 : vector<16xi32>
        %gather3A_162 = tpu.vector_load_idx %arg9[%add3A_161] : memref<12864xf32, #tpu.memory_space<vmem>>[vector<16xi32>], vector<16xf32>,
        %add3A_163 = arith.constant 2010 : i32
        %add3A_164 = vector.broadcast %add3A_163 : i32 to vector<16xi32>
        %add3A_165 = arith.addi %convert_element_type3A, %add3A_164 : vector<16xi32>
        %gather3A_166 = tpu.vector_load_idx %arg9[%add3A_165] : memref<12864xf32, #tpu.memory_space<vmem>>[vector<16xi32>], vector<16xf32>,
        %add3A_167 = arith.constant 2211 : i32
        %add3A_168 = vector.broadcast %add3A_167 : i32 to vector<16xi32>
        %add3A_169 = arith.addi %convert_element_type3A, %add3A_168 : vector<16xi32>
        %gather3A_170 = tpu.vector_load_idx %arg9[%add3A_169] : memref<12864xf32, #tpu.memory_space<vmem>>[vector<16xi32>], vector<16xf32>,
        %add3A_171 = arith.constant 2412 : i32
        %add3A_172 = vector.broadcast %add3A_171 : i32 to vector<16xi32>
        %add3A_173 = arith.addi %convert_element_type3A, %add3A_172 : vector<16xi32>
        %gather3A_174 = tpu.vector_load_idx %arg9[%add3A_173] : memref<12864xf32, #tpu.memory_space<vmem>>[vector<16xi32>], vector<16xf32>,
        %add3A_175 = arith.constant 2613 : i32
        %add3A_176 = vector.broadcast %add3A_175 : i32 to vector<16xi32>
        %add3A_177 = arith.addi %convert_element_type3A, %add3A_176 : vector<16xi32>
        %gather3A_178 = tpu.vector_load_idx %arg9[%add3A_177] : memref<12864xf32, #tpu.memory_space<vmem>>[vector<16xi32>], vector<16xf32>,
        %add3A_179 = arith.constant 2814 : i32
        %add3A_180 = vector.broadcast %add3A_179 : i32 to vector<16xi32>
        %add3A_181 = arith.addi %convert_element_type3A, %add3A_180 : vector<16xi32>
        %gather3A_182 = tpu.vector_load_idx %arg9[%add3A_181] : memref<12864xf32, #tpu.memory_space<vmem>>[vector<16xi32>], vector<16xf32>,
        %add3A_183 = arith.constant 3015 : i32
        %add3A_184 = vector.broadcast %add3A_183 : i32 to vector<16xi32>
        %add3A_185 = arith.addi %convert_element_type3A, %add3A_184 : vector<16xi32>
        %gather3A_186 = tpu.vector_load_idx %arg9[%add3A_185] : memref<12864xf32, #tpu.memory_space<vmem>>[vector<16xi32>], vector<16xf32>,
        %add3A_187 = arith.constant 3216 : i32
        %add3A_188 = vector.broadcast %add3A_187 : i32 to vector<16xi32>
        %add3A_189 = arith.addi %convert_element_type3A, %add3A_188 : vector<16xi32>
        %gather3A_190 = tpu.vector_load_idx %arg9[%add3A_189] : memref<12864xf32, #tpu.memory_space<vmem>>[vector<16xi32>], vector<16xf32>,
        %add3A_191 = arith.constant 3417 : i32
        %add3A_192 = vector.broadcast %add3A_191 : i32 to vector<16xi32>
        %add3A_193 = arith.addi %convert_element_type3A, %add3A_192 : vector<16xi32>
        %gather3A_194 = tpu.vector_load_idx %arg9[%add3A_193] : memref<12864xf32, #tpu.memory_space<vmem>>[vector<16xi32>], vector<16xf32>,
        %add3A_195 = arith.constant 3618 : i32
        %add3A_196 = vector.broadcast %add3A_195 : i32 to vector<16xi32>
        %add3A_197 = arith.addi %convert_element_type3A, %add3A_196 : vector<16xi32>
        %gather3A_198 = tpu.vector_load_idx %arg9[%add3A_197] : memref<12864xf32, #tpu.memory_space<vmem>>[vector<16xi32>], vector<16xf32>,
        %add3A_199 = arith.constant 3819 : i32
        %add3A_200 = vector.broadcast %add3A_199 : i32 to vector<16xi32>
        %add3A_201 = arith.addi %convert_element_type3A, %add3A_200 : vector<16xi32>
        %gather3A_202 = tpu.vector_load_idx %arg9[%add3A_201] : memref<12864xf32, #tpu.memory_space<vmem>>[vector<16xi32>], vector<16xf32>,
        %add3A_203 = arith.constant 4020 : i32
        %add3A_204 = vector.broadcast %add3A_203 : i32 to vector<16xi32>
        %add3A_205 = arith.addi %convert_element_type3A, %add3A_204 : vector<16xi32>
        %gather3A_206 = tpu.vector_load_idx %arg9[%add3A_205] : memref<12864xf32, #tpu.memory_space<vmem>>[vector<16xi32>], vector<16xf32>,
        %add3A_207 = arith.constant 4221 : i32
        %add3A_208 = vector.broadcast %add3A_207 : i32 to vector<16xi32>
        %add3A_209 = arith.addi %convert_element_type3A, %add3A_208 : vector<16xi32>
        %gather3A_210 = tpu.vector_load_idx %arg9[%add3A_209] : memref<12864xf32, #tpu.memory_space<vmem>>[vector<16xi32>], vector<16xf32>,
        %add3A_211 = arith.constant 4422 : i32
        %add3A_212 = vector.broadcast %add3A_211 : i32 to vector<16xi32>
        %add3A_213 = arith.addi %convert_element_type3A, %add3A_212 : vector<16xi32>
        %gather3A_214 = tpu.vector_load_idx %arg9[%add3A_213] : memref<12864xf32, #tpu.memory_space<vmem>>[vector<16xi32>], vector<16xf32>,
        %add3A_215 = arith.constant 4623 : i32
        %add3A_216 = vector.broadcast %add3A_215 : i32 to vector<16xi32>
        %add3A_217 = arith.addi %convert_element_type3A, %add3A_216 : vector<16xi32>
        %gather3A_218 = tpu.vector_load_idx %arg9[%add3A_217] : memref<12864xf32, #tpu.memory_space<vmem>>[vector<16xi32>], vector<16xf32>,
        %add3A_219 = arith.constant 4824 : i32
        %add3A_220 = vector.broadcast %add3A_219 : i32 to vector<16xi32>
        %add3A_221 = arith.addi %convert_element_type3A, %add3A_220 : vector<16xi32>
        %gather3A_222 = tpu.vector_load_idx %arg9[%add3A_221] : memref<12864xf32, #tpu.memory_space<vmem>>[vector<16xi32>], vector<16xf32>,
        %add3A_223 = arith.constant 5025 : i32
        %add3A_224 = vector.broadcast %add3A_223 : i32 to vector<16xi32>
        %add3A_225 = arith.addi %convert_element_type3A, %add3A_224 : vector<16xi32>
        %gather3A_226 = tpu.vector_load_idx %arg9[%add3A_225] : memref<12864xf32, #tpu.memory_space<vmem>>[vector<16xi32>], vector<16xf32>,
        %add3A_227 = arith.constant 5226 : i32
        %add3A_228 = vector.broadcast %add3A_227 : i32 to vector<16xi32>
        %add3A_229 = arith.addi %convert_element_type3A, %add3A_228 : vector<16xi32>
        %gather3A_230 = tpu.vector_load_idx %arg9[%add3A_229] : memref<12864xf32, #tpu.memory_space<vmem>>[vector<16xi32>], vector<16xf32>,
        %add3A_231 = arith.constant 5427 : i32
        %add3A_232 = vector.broadcast %add3A_231 : i32 to vector<16xi32>
        %add3A_233 = arith.addi %convert_element_type3A, %add3A_232 : vector<16xi32>
        %gather3A_234 = tpu.vector_load_idx %arg9[%add3A_233] : memref<12864xf32, #tpu.memory_space<vmem>>[vector<16xi32>], vector<16xf32>,
        %add3A_235 = arith.constant 5628 : i32
        %add3A_236 = vector.broadcast %add3A_235 : i32 to vector<16xi32>
        %add3A_237 = arith.addi %convert_element_type3A, %add3A_236 : vector<16xi32>
        %gather3A_238 = tpu.vector_load_idx %arg9[%add3A_237] : memref<12864xf32, #tpu.memory_space<vmem>>[vector<16xi32>], vector<16xf32>,
        %add3A_239 = arith.constant 5829 : i32
        %add3A_240 = vector.broadcast %add3A_239 : i32 to vector<16xi32>
        %add3A_241 = arith.addi %convert_element_type3A, %add3A_240 : vector<16xi32>
        %gather3A_242 = tpu.vector_load_idx %arg9[%add3A_241] : memref<12864xf32, #tpu.memory_space<vmem>>[vector<16xi32>], vector<16xf32>,
        %add3A_243 = arith.constant 6030 : i32
        %add3A_244 = vector.broadcast %add3A_243 : i32 to vector<16xi32>
        %add3A_245 = arith.addi %convert_element_type3A, %add3A_244 : vector<16xi32>
        %gather3A_246 = tpu.vector_load_idx %arg9[%add3A_245] : memref<12864xf32, #tpu.memory_space<vmem>>[vector<16xi32>], vector<16xf32>,
        %add3A_247 = arith.constant 6231 : i32
        %add3A_248 = vector.broadcast %add3A_247 : i32 to vector<16xi32>
        %add3A_249 = arith.addi %convert_element_type3A, %add3A_248 : vector<16xi32>
        %gather3A_250 = tpu.vector_load_idx %arg9[%add3A_249] : memref<12864xf32, #tpu.memory_space<vmem>>[vector<16xi32>], vector<16xf32>,
        %mul3A_251 = arith.constant 16 : i32
        %mul3A_252 = arith.muli %scan3A_114, %mul3A_251 : i32
        %swap3A = arith.constant 0 : i32
        %swap3A_253 = arith.index_cast %swap3A : i32 to index
        %swap3A_254 = arith.index_cast %mul3A_252 : i32 to index
        %swap3A_255 = tpu.vector_load %arg8[%swap3A_253, %swap3A_254] {strides = array<i32>} : memref<64x512xf32, #tpu.memory_space<vmem>>, vector<16xf32>,
        tpu.vector_store %arg8[%swap3A_253, %swap3A_254], %gather3A {strides = array<i32>} : memref<64x512xf32, #tpu.memory_space<vmem>>, vector<16xf32>,
        %mul3A_256 = arith.constant 16 : i32
        %mul3A_257 = arith.muli %scan3A_114, %mul3A_256 : i32
        %swap3A_258 = arith.constant 1 : i32
        %swap3A_259 = arith.index_cast %swap3A_258 : i32 to index
        %swap3A_260 = arith.index_cast %mul3A_257 : i32 to index
        %swap3A_261 = tpu.vector_load %arg8[%swap3A_259, %swap3A_260] {strides = array<i32>} : memref<64x512xf32, #tpu.memory_space<vmem>>, vector<16xf32>,
        tpu.vector_store %arg8[%swap3A_259, %swap3A_260], %gather3A_130 {strides = array<i32>} : memref<64x512xf32, #tpu.memory_space<vmem>>, vector<16xf32>,
        %mul3A_262 = arith.constant 16 : i32
        %mul3A_263 = arith.muli %scan3A_114, %mul3A_262 : i32
        %swap3A_264 = arith.constant 2 : i32
        %swap3A_265 = arith.index_cast %swap3A_264 : i32 to index
        %swap3A_266 = arith.index_cast %mul3A_263 : i32 to index
        %swap3A_267 = tpu.vector_load %arg8[%swap3A_265, %swap3A_266] {strides = array<i32>} : memref<64x512xf32, #tpu.memory_space<vmem>>, vector<16xf32>,
        tpu.vector_store %arg8[%swap3A_265, %swap3A_266], %gather3A_134 {strides = array<i32>} : memref<64x512xf32, #tpu.memory_space<vmem>>, vector<16xf32>,
        %mul3A_268 = arith.constant 16 : i32
        %mul3A_269 = arith.muli %scan3A_114, %mul3A_268 : i32
        %swap3A_270 = arith.constant 3 : i32
        %swap3A_271 = arith.index_cast %swap3A_270 : i32 to index
        %swap3A_272 = arith.index_cast %mul3A_269 : i32 to index
        %swap3A_273 = tpu.vector_load %arg8[%swap3A_271, %swap3A_272] {strides = array<i32>} : memref<64x512xf32, #tpu.memory_space<vmem>>, vector<16xf32>,
        tpu.vector_store %arg8[%swap3A_271, %swap3A_272], %gather3A_138 {strides = array<i32>} : memref<64x512xf32, #tpu.memory_space<vmem>>, vector<16xf32>,
        %mul3A_274 = arith.constant 16 : i32
        %mul3A_275 = arith.muli %scan3A_114, %mul3A_274 : i32
        %swap3A_276 = arith.constant 4 : i32
        %swap3A_277 = arith.index_cast %swap3A_276 : i32 to index
        %swap3A_278 = arith.index_cast %mul3A_275 : i32 to index
        %swap3A_279 = tpu.vector_load %arg8[%swap3A_277, %swap3A_278] {strides = array<i32>} : memref<64x512xf32, #tpu.memory_space<vmem>>, vector<16xf32>,
        tpu.vector_store %arg8[%swap3A_277, %swap3A_278], %gather3A_142 {strides = array<i32>} : memref<64x512xf32, #tpu.memory_space<vmem>>, vector<16xf32>,
        %mul3A_280 = arith.constant 16 : i32
        %mul3A_281 = arith.muli %scan3A_114, %mul3A_280 : i32
        %swap3A_282 = arith.constant 5 : i32
        %swap3A_283 = arith.index_cast %swap3A_282 : i32 to index
        %swap3A_284 = arith.index_cast %mul3A_281 : i32 to index
        %swap3A_285 = tpu.vector_load %arg8[%swap3A_283, %swap3A_284] {strides = array<i32>} : memref<64x512xf32, #tpu.memory_space<vmem>>, vector<16xf32>,
        tpu.vector_store %arg8[%swap3A_283, %swap3A_284], %gather3A_146 {strides = array<i32>} : memref<64x512xf32, #tpu.memory_space<vmem>>, vector<16xf32>,
        %mul3A_286 = arith.constant 16 : i32
        %mul3A_287 = arith.muli %scan3A_114, %mul3A_286 : i32
        %swap3A_288 = arith.constant 6 : i32
        %swap3A_289 = arith.index_cast %swap3A_288 : i32 to index
        %swap3A_290 = arith.index_cast %mul3A_287 : i32 to index
        %swap3A_291 = tpu.vector_load %arg8[%swap3A_289, %swap3A_290] {strides = array<i32>} : memref<64x512xf32, #tpu.memory_space<vmem>>, vector<16xf32>,
        tpu.vector_store %arg8[%swap3A_289, %swap3A_290], %gather3A_150 {strides = array<i32>} : memref<64x512xf32, #tpu.memory_space<vmem>>, vector<16xf32>,
        %mul3A_292 = arith.constant 16 : i32
        %mul3A_293 = arith.muli %scan3A_114, %mul3A_292 : i32
        %swap3A_294 = arith.constant 7 : i32
        %swap3A_295 = arith.index_cast %swap3A_294 : i32 to index
        %swap3A_296 = arith.index_cast %mul3A_293 : i32 to index
        %swap3A_297 = tpu.vector_load %arg8[%swap3A_295, %swap3A_296] {strides = array<i32>} : memref<64x512xf32, #tpu.memory_space<vmem>>, vector<16xf32>,
        tpu.vector_store %arg8[%swap3A_295, %swap3A_296], %gather3A_154 {strides = array<i32>} : memref<64x512xf32, #tpu.memory_space<vmem>>, vector<16xf32>,
        %mul3A_298 = arith.constant 16 : i32
        %mul3A_299 = arith.muli %scan3A_114, %mul3A_298 : i32
        %swap3A_300 = arith.constant 8 : i32
        %swap3A_301 = arith.index_cast %swap3A_300 : i32 to index
        %swap3A_302 = arith.index_cast %mul3A_299 : i32 to index
        %swap3A_303 = tpu.vector_load %arg8[%swap3A_301, %swap3A_302] {strides = array<i32>} : memref<64x512xf32, #tpu.memory_space<vmem>>, vector<16xf32>,
        tpu.vector_store %arg8[%swap3A_301, %swap3A_302], %gather3A_158 {strides = array<i32>} : memref<64x512xf32, #tpu.memory_space<vmem>>, vector<16xf32>,
        %mul3A_304 = arith.constant 16 : i32
        %mul3A_305 = arith.muli %scan3A_114, %mul3A_304 : i32
        %swap3A_306 = arith.constant 9 : i32
        %swap3A_307 = arith.index_cast %swap3A_306 : i32 to index
        %swap3A_308 = arith.index_cast %mul3A_305 : i32 to index
        %swap3A_309 = tpu.vector_load %arg8[%swap3A_307, %swap3A_308] {strides = array<i32>} : memref<64x512xf32, #tpu.memory_space<vmem>>, vector<16xf32>,
        tpu.vector_store %arg8[%swap3A_307, %swap3A_308], %gather3A_162 {strides = array<i32>} : memref<64x512xf32, #tpu.memory_space<vmem>>, vector<16xf32>,
        %mul3A_310 = arith.constant 16 : i32
        %mul3A_311 = arith.muli %scan3A_114, %mul3A_310 : i32
        %swap3A_312 = arith.constant 10 : i32
        %swap3A_313 = arith.index_cast %swap3A_312 : i32 to index
        %swap3A_314 = arith.index_cast %mul3A_311 : i32 to index
        %swap3A_315 = tpu.vector_load %arg8[%swap3A_313, %swap3A_314] {strides = array<i32>} : memref<64x512xf32, #tpu.memory_space<vmem>>, vector<16xf32>,
        tpu.vector_store %arg8[%swap3A_313, %swap3A_314], %gather3A_166 {strides = array<i32>} : memref<64x512xf32, #tpu.memory_space<vmem>>, vector<16xf32>,
        %mul3A_316 = arith.constant 16 : i32
        %mul3A_317 = arith.muli %scan3A_114, %mul3A_316 : i32
        %swap3A_318 = arith.constant 11 : i32
        %swap3A_319 = arith.index_cast %swap3A_318 : i32 to index
        %swap3A_320 = arith.index_cast %mul3A_317 : i32 to index
        %swap3A_321 = tpu.vector_load %arg8[%swap3A_319, %swap3A_320] {strides = array<i32>} : memref<64x512xf32, #tpu.memory_space<vmem>>, vector<16xf32>,
        tpu.vector_store %arg8[%swap3A_319, %swap3A_320], %gather3A_170 {strides = array<i32>} : memref<64x512xf32, #tpu.memory_space<vmem>>, vector<16xf32>,
        %mul3A_322 = arith.constant 16 : i32
        %mul3A_323 = arith.muli %scan3A_114, %mul3A_322 : i32
        %swap3A_324 = arith.constant 12 : i32
        %swap3A_325 = arith.index_cast %swap3A_324 : i32 to index
        %swap3A_326 = arith.index_cast %mul3A_323 : i32 to index
        %swap3A_327 = tpu.vector_load %arg8[%swap3A_325, %swap3A_326] {strides = array<i32>} : memref<64x512xf32, #tpu.memory_space<vmem>>, vector<16xf32>,
        tpu.vector_store %arg8[%swap3A_325, %swap3A_326], %gather3A_174 {strides = array<i32>} : memref<64x512xf32, #tpu.memory_space<vmem>>, vector<16xf32>,
        %mul3A_328 = arith.constant 16 : i32
        %mul3A_329 = arith.muli %scan3A_114, %mul3A_328 : i32
        %swap3A_330 = arith.constant 13 : i32
        %swap3A_331 = arith.index_cast %swap3A_330 : i32 to index
        %swap3A_332 = arith.index_cast %mul3A_329 : i32 to index
        %swap3A_333 = tpu.vector_load %arg8[%swap3A_331, %swap3A_332] {strides = array<i32>} : memref<64x512xf32, #tpu.memory_space<vmem>>, vector<16xf32>,
        tpu.vector_store %arg8[%swap3A_331, %swap3A_332], %gather3A_178 {strides = array<i32>} : memref<64x512xf32, #tpu.memory_space<vmem>>, vector<16xf32>,
        %mul3A_334 = arith.constant 16 : i32
        %mul3A_335 = arith.muli %scan3A_114, %mul3A_334 : i32
        %swap3A_336 = arith.constant 14 : i32
        %swap3A_337 = arith.index_cast %swap3A_336 : i32 to index
        %swap3A_338 = arith.index_cast %mul3A_335 : i32 to index
        %swap3A_339 = tpu.vector_load %arg8[%swap3A_337, %swap3A_338] {strides = array<i32>} : memref<64x512xf32, #tpu.memory_space<vmem>>, vector<16xf32>,
        tpu.vector_store %arg8[%swap3A_337, %swap3A_338], %gather3A_182 {strides = array<i32>} : memref<64x512xf32, #tpu.memory_space<vmem>>, vector<16xf32>,
        %mul3A_340 = arith.constant 16 : i32
        %mul3A_341 = arith.muli %scan3A_114, %mul3A_340 : i32
        %swap3A_342 = arith.constant 15 : i32
        %swap3A_343 = arith.index_cast %swap3A_342 : i32 to index
        %swap3A_344 = arith.index_cast %mul3A_341 : i32 to index
        %swap3A_345 = tpu.vector_load %arg8[%swap3A_343, %swap3A_344] {strides = array<i32>} : memref<64x512xf32, #tpu.memory_space<vmem>>, vector<16xf32>,
        tpu.vector_store %arg8[%swap3A_343, %swap3A_344], %gather3A_186 {strides = array<i32>} : memref<64x512xf32, #tpu.memory_space<vmem>>, vector<16xf32>,
        %add3A_346 = arith.constant 6432 : i32
        %add3A_347 = vector.broadcast %add3A_346 : i32 to vector<16xi32>
        %add3A_348 = arith.addi %convert_element_type3A, %add3A_347 : vector<16xi32>
        %gather3A_349 = tpu.vector_load_idx %arg9[%add3A_348] : memref<12864xf32, #tpu.memory_space<vmem>>[vector<16xi32>], vector<16xf32>,
        %add3A_350 = arith.constant 6633 : i32
        %add3A_351 = vector.broadcast %add3A_350 : i32 to vector<16xi32>
        %add3A_352 = arith.addi %convert_element_type3A, %add3A_351 : vector<16xi32>
        %gather3A_353 = tpu.vector_load_idx %arg9[%add3A_352] : memref<12864xf32, #tpu.memory_space<vmem>>[vector<16xi32>], vector<16xf32>,
        %add3A_354 = arith.constant 6834 : i32
        %add3A_355 = vector.broadcast %add3A_354 : i32 to vector<16xi32>
        %add3A_356 = arith.addi %convert_element_type3A, %add3A_355 : vector<16xi32>
        %gather3A_357 = tpu.vector_load_idx %arg9[%add3A_356] : memref<12864xf32, #tpu.memory_space<vmem>>[vector<16xi32>], vector<16xf32>,
        %add3A_358 = arith.constant 7035 : i32
        %add3A_359 = vector.broadcast %add3A_358 : i32 to vector<16xi32>
        %add3A_360 = arith.addi %convert_element_type3A, %add3A_359 : vector<16xi32>
        %gather3A_361 = tpu.vector_load_idx %arg9[%add3A_360] : memref<12864xf32, #tpu.memory_space<vmem>>[vector<16xi32>], vector<16xf32>,
        %add3A_362 = arith.constant 7236 : i32
        %add3A_363 = vector.broadcast %add3A_362 : i32 to vector<16xi32>
        %add3A_364 = arith.addi %convert_element_type3A, %add3A_363 : vector<16xi32>
        %gather3A_365 = tpu.vector_load_idx %arg9[%add3A_364] : memref<12864xf32, #tpu.memory_space<vmem>>[vector<16xi32>], vector<16xf32>,
        %add3A_366 = arith.constant 7437 : i32
        %add3A_367 = vector.broadcast %add3A_366 : i32 to vector<16xi32>
        %add3A_368 = arith.addi %convert_element_type3A, %add3A_367 : vector<16xi32>
        %gather3A_369 = tpu.vector_load_idx %arg9[%add3A_368] : memref<12864xf32, #tpu.memory_space<vmem>>[vector<16xi32>], vector<16xf32>,
        %add3A_370 = arith.constant 7638 : i32
        %add3A_371 = vector.broadcast %add3A_370 : i32 to vector<16xi32>
        %add3A_372 = arith.addi %convert_element_type3A, %add3A_371 : vector<16xi32>
        %gather3A_373 = tpu.vector_load_idx %arg9[%add3A_372] : memref<12864xf32, #tpu.memory_space<vmem>>[vector<16xi32>], vector<16xf32>,
        %add3A_374 = arith.constant 7839 : i32
        %add3A_375 = vector.broadcast %add3A_374 : i32 to vector<16xi32>
        %add3A_376 = arith.addi %convert_element_type3A, %add3A_375 : vector<16xi32>
        %gather3A_377 = tpu.vector_load_idx %arg9[%add3A_376] : memref<12864xf32, #tpu.memory_space<vmem>>[vector<16xi32>], vector<16xf32>,
        %add3A_378 = arith.constant 8040 : i32
        %add3A_379 = vector.broadcast %add3A_378 : i32 to vector<16xi32>
        %add3A_380 = arith.addi %convert_element_type3A, %add3A_379 : vector<16xi32>
        %gather3A_381 = tpu.vector_load_idx %arg9[%add3A_380] : memref<12864xf32, #tpu.memory_space<vmem>>[vector<16xi32>], vector<16xf32>,
        %add3A_382 = arith.constant 8241 : i32
        %add3A_383 = vector.broadcast %add3A_382 : i32 to vector<16xi32>
        %add3A_384 = arith.addi %convert_element_type3A, %add3A_383 : vector<16xi32>
        %gather3A_385 = tpu.vector_load_idx %arg9[%add3A_384] : memref<12864xf32, #tpu.memory_space<vmem>>[vector<16xi32>], vector<16xf32>,
        %add3A_386 = arith.constant 8442 : i32
        %add3A_387 = vector.broadcast %add3A_386 : i32 to vector<16xi32>
        %add3A_388 = arith.addi %convert_element_type3A, %add3A_387 : vector<16xi32>
        %gather3A_389 = tpu.vector_load_idx %arg9[%add3A_388] : memref<12864xf32, #tpu.memory_space<vmem>>[vector<16xi32>], vector<16xf32>,
        %add3A_390 = arith.constant 8643 : i32
        %add3A_391 = vector.broadcast %add3A_390 : i32 to vector<16xi32>
        %add3A_392 = arith.addi %convert_element_type3A, %add3A_391 : vector<16xi32>
        %gather3A_393 = tpu.vector_load_idx %arg9[%add3A_392] : memref<12864xf32, #tpu.memory_space<vmem>>[vector<16xi32>], vector<16xf32>,
        %add3A_394 = arith.constant 8844 : i32
        %add3A_395 = vector.broadcast %add3A_394 : i32 to vector<16xi32>
        %add3A_396 = arith.addi %convert_element_type3A, %add3A_395 : vector<16xi32>
        %gather3A_397 = tpu.vector_load_idx %arg9[%add3A_396] : memref<12864xf32, #tpu.memory_space<vmem>>[vector<16xi32>], vector<16xf32>,
        %add3A_398 = arith.constant 9045 : i32
        %add3A_399 = vector.broadcast %add3A_398 : i32 to vector<16xi32>
        %add3A_400 = arith.addi %convert_element_type3A, %add3A_399 : vector<16xi32>
        %gather3A_401 = tpu.vector_load_idx %arg9[%add3A_400] : memref<12864xf32, #tpu.memory_space<vmem>>[vector<16xi32>], vector<16xf32>,
        %add3A_402 = arith.constant 9246 : i32
        %add3A_403 = vector.broadcast %add3A_402 : i32 to vector<16xi32>
        %add3A_404 = arith.addi %convert_element_type3A, %add3A_403 : vector<16xi32>
        %gather3A_405 = tpu.vector_load_idx %arg9[%add3A_404] : memref<12864xf32, #tpu.memory_space<vmem>>[vector<16xi32>], vector<16xf32>,
        %add3A_406 = arith.constant 9447 : i32
        %add3A_407 = vector.broadcast %add3A_406 : i32 to vector<16xi32>
        %add3A_408 = arith.addi %convert_element_type3A, %add3A_407 : vector<16xi32>
        %gather3A_409 = tpu.vector_load_idx %arg9[%add3A_408] : memref<12864xf32, #tpu.memory_space<vmem>>[vector<16xi32>], vector<16xf32>,
        %mul3A_410 = arith.constant 16 : i32
        %mul3A_411 = arith.muli %scan3A_114, %mul3A_410 : i32
        %swap3A_412 = arith.constant 16 : i32
        %swap3A_413 = arith.index_cast %swap3A_412 : i32 to index
        %swap3A_414 = arith.index_cast %mul3A_411 : i32 to index
        %swap3A_415 = tpu.vector_load %arg8[%swap3A_413, %swap3A_414] {strides = array<i32>} : memref<64x512xf32, #tpu.memory_space<vmem>>, vector<16xf32>,
        tpu.vector_store %arg8[%swap3A_413, %swap3A_414], %gather3A_190 {strides = array<i32>} : memref<64x512xf32, #tpu.memory_space<vmem>>, vector<16xf32>,
        %mul3A_416 = arith.constant 16 : i32
        %mul3A_417 = arith.muli %scan3A_114, %mul3A_416 : i32
        %swap3A_418 = arith.constant 17 : i32
        %swap3A_419 = arith.index_cast %swap3A_418 : i32 to index
        %swap3A_420 = arith.index_cast %mul3A_417 : i32 to index
        %swap3A_421 = tpu.vector_load %arg8[%swap3A_419, %swap3A_420] {strides = array<i32>} : memref<64x512xf32, #tpu.memory_space<vmem>>, vector<16xf32>,
        tpu.vector_store %arg8[%swap3A_419, %swap3A_420], %gather3A_194 {strides = array<i32>} : memref<64x512xf32, #tpu.memory_space<vmem>>, vector<16xf32>,
        %mul3A_422 = arith.constant 16 : i32
        %mul3A_423 = arith.muli %scan3A_114, %mul3A_422 : i32
        %swap3A_424 = arith.constant 18 : i32
        %swap3A_425 = arith.index_cast %swap3A_424 : i32 to index
        %swap3A_426 = arith.index_cast %mul3A_423 : i32 to index
        %swap3A_427 = tpu.vector_load %arg8[%swap3A_425, %swap3A_426] {strides = array<i32>} : memref<64x512xf32, #tpu.memory_space<vmem>>, vector<16xf32>,
        tpu.vector_store %arg8[%swap3A_425, %swap3A_426], %gather3A_198 {strides = array<i32>} : memref<64x512xf32, #tpu.memory_space<vmem>>, vector<16xf32>,
        %mul3A_428 = arith.constant 16 : i32
        %mul3A_429 = arith.muli %scan3A_114, %mul3A_428 : i32
        %swap3A_430 = arith.constant 19 : i32
        %swap3A_431 = arith.index_cast %swap3A_430 : i32 to index
        %swap3A_432 = arith.index_cast %mul3A_429 : i32 to index
        %swap3A_433 = tpu.vector_load %arg8[%swap3A_431, %swap3A_432] {strides = array<i32>} : memref<64x512xf32, #tpu.memory_space<vmem>>, vector<16xf32>,
        tpu.vector_store %arg8[%swap3A_431, %swap3A_432], %gather3A_202 {strides = array<i32>} : memref<64x512xf32, #tpu.memory_space<vmem>>, vector<16xf32>,
        %mul3A_434 = arith.constant 16 : i32
        %mul3A_435 = arith.muli %scan3A_114, %mul3A_434 : i32
        %swap3A_436 = arith.constant 20 : i32
        %swap3A_437 = arith.index_cast %swap3A_436 : i32 to index
        %swap3A_438 = arith.index_cast %mul3A_435 : i32 to index
        %swap3A_439 = tpu.vector_load %arg8[%swap3A_437, %swap3A_438] {strides = array<i32>} : memref<64x512xf32, #tpu.memory_space<vmem>>, vector<16xf32>,
        tpu.vector_store %arg8[%swap3A_437, %swap3A_438], %gather3A_206 {strides = array<i32>} : memref<64x512xf32, #tpu.memory_space<vmem>>, vector<16xf32>,
        %mul3A_440 = arith.constant 16 : i32
        %mul3A_441 = arith.muli %scan3A_114, %mul3A_440 : i32
        %swap3A_442 = arith.constant 21 : i32
        %swap3A_443 = arith.index_cast %swap3A_442 : i32 to index
        %swap3A_444 = arith.index_cast %mul3A_441 : i32 to index
        %swap3A_445 = tpu.vector_load %arg8[%swap3A_443, %swap3A_444] {strides = array<i32>} : memref<64x512xf32, #tpu.memory_space<vmem>>, vector<16xf32>,
        tpu.vector_store %arg8[%swap3A_443, %swap3A_444], %gather3A_210 {strides = array<i32>} : memref<64x512xf32, #tpu.memory_space<vmem>>, vector<16xf32>,
        %mul3A_446 = arith.constant 16 : i32
        %mul3A_447 = arith.muli %scan3A_114, %mul3A_446 : i32
        %swap3A_448 = arith.constant 22 : i32
        %swap3A_449 = arith.index_cast %swap3A_448 : i32 to index
        %swap3A_450 = arith.index_cast %mul3A_447 : i32 to index
        %swap3A_451 = tpu.vector_load %arg8[%swap3A_449, %swap3A_450] {strides = array<i32>} : memref<64x512xf32, #tpu.memory_space<vmem>>, vector<16xf32>,
        tpu.vector_store %arg8[%swap3A_449, %swap3A_450], %gather3A_214 {strides = array<i32>} : memref<64x512xf32, #tpu.memory_space<vmem>>, vector<16xf32>,
        %mul3A_452 = arith.constant 16 : i32
        %mul3A_453 = arith.muli %scan3A_114, %mul3A_452 : i32
        %swap3A_454 = arith.constant 23 : i32
        %swap3A_455 = arith.index_cast %swap3A_454 : i32 to index
        %swap3A_456 = arith.index_cast %mul3A_453 : i32 to index
        %swap3A_457 = tpu.vector_load %arg8[%swap3A_455, %swap3A_456] {strides = array<i32>} : memref<64x512xf32, #tpu.memory_space<vmem>>, vector<16xf32>,
        tpu.vector_store %arg8[%swap3A_455, %swap3A_456], %gather3A_218 {strides = array<i32>} : memref<64x512xf32, #tpu.memory_space<vmem>>, vector<16xf32>,
        %mul3A_458 = arith.constant 16 : i32
        %mul3A_459 = arith.muli %scan3A_114, %mul3A_458 : i32
        %swap3A_460 = arith.constant 24 : i32
        %swap3A_461 = arith.index_cast %swap3A_460 : i32 to index
        %swap3A_462 = arith.index_cast %mul3A_459 : i32 to index
        %swap3A_463 = tpu.vector_load %arg8[%swap3A_461, %swap3A_462] {strides = array<i32>} : memref<64x512xf32, #tpu.memory_space<vmem>>, vector<16xf32>,
        tpu.vector_store %arg8[%swap3A_461, %swap3A_462], %gather3A_222 {strides = array<i32>} : memref<64x512xf32, #tpu.memory_space<vmem>>, vector<16xf32>,
        %mul3A_464 = arith.constant 16 : i32
        %mul3A_465 = arith.muli %scan3A_114, %mul3A_464 : i32
        %swap3A_466 = arith.constant 25 : i32
        %swap3A_467 = arith.index_cast %swap3A_466 : i32 to index
        %swap3A_468 = arith.index_cast %mul3A_465 : i32 to index
        %swap3A_469 = tpu.vector_load %arg8[%swap3A_467, %swap3A_468] {strides = array<i32>} : memref<64x512xf32, #tpu.memory_space<vmem>>, vector<16xf32>,
        tpu.vector_store %arg8[%swap3A_467, %swap3A_468], %gather3A_226 {strides = array<i32>} : memref<64x512xf32, #tpu.memory_space<vmem>>, vector<16xf32>,
        %mul3A_470 = arith.constant 16 : i32
        %mul3A_471 = arith.muli %scan3A_114, %mul3A_470 : i32
        %swap3A_472 = arith.constant 26 : i32
        %swap3A_473 = arith.index_cast %swap3A_472 : i32 to index
        %swap3A_474 = arith.index_cast %mul3A_471 : i32 to index
        %swap3A_475 = tpu.vector_load %arg8[%swap3A_473, %swap3A_474] {strides = array<i32>} : memref<64x512xf32, #tpu.memory_space<vmem>>, vector<16xf32>,
        tpu.vector_store %arg8[%swap3A_473, %swap3A_474], %gather3A_230 {strides = array<i32>} : memref<64x512xf32, #tpu.memory_space<vmem>>, vector<16xf32>,
        %mul3A_476 = arith.constant 16 : i32
        %mul3A_477 = arith.muli %scan3A_114, %mul3A_476 : i32
        %swap3A_478 = arith.constant 27 : i32
        %swap3A_479 = arith.index_cast %swap3A_478 : i32 to index
        %swap3A_480 = arith.index_cast %mul3A_477 : i32 to index
        %swap3A_481 = tpu.vector_load %arg8[%swap3A_479, %swap3A_480] {strides = array<i32>} : memref<64x512xf32, #tpu.memory_space<vmem>>, vector<16xf32>,
        tpu.vector_store %arg8[%swap3A_479, %swap3A_480], %gather3A_234 {strides = array<i32>} : memref<64x512xf32, #tpu.memory_space<vmem>>, vector<16xf32>,
        %mul3A_482 = arith.constant 16 : i32
        %mul3A_483 = arith.muli %scan3A_114, %mul3A_482 : i32
        %swap3A_484 = arith.constant 28 : i32
        %swap3A_485 = arith.index_cast %swap3A_484 : i32 to index
        %swap3A_486 = arith.index_cast %mul3A_483 : i32 to index
        %swap3A_487 = tpu.vector_load %arg8[%swap3A_485, %swap3A_486] {strides = array<i32>} : memref<64x512xf32, #tpu.memory_space<vmem>>, vector<16xf32>,
        tpu.vector_store %arg8[%swap3A_485, %swap3A_486], %gather3A_238 {strides = array<i32>} : memref<64x512xf32, #tpu.memory_space<vmem>>, vector<16xf32>,
        %mul3A_488 = arith.constant 16 : i32
        %mul3A_489 = arith.muli %scan3A_114, %mul3A_488 : i32
        %swap3A_490 = arith.constant 29 : i32
        %swap3A_491 = arith.index_cast %swap3A_490 : i32 to index
        %swap3A_492 = arith.index_cast %mul3A_489 : i32 to index
        %swap3A_493 = tpu.vector_load %arg8[%swap3A_491, %swap3A_492] {strides = array<i32>} : memref<64x512xf32, #tpu.memory_space<vmem>>, vector<16xf32>,
        tpu.vector_store %arg8[%swap3A_491, %swap3A_492], %gather3A_242 {strides = array<i32>} : memref<64x512xf32, #tpu.memory_space<vmem>>, vector<16xf32>,
        %mul3A_494 = arith.constant 16 : i32
        %mul3A_495 = arith.muli %scan3A_114, %mul3A_494 : i32
        %swap3A_496 = arith.constant 30 : i32
        %swap3A_497 = arith.index_cast %swap3A_496 : i32 to index
        %swap3A_498 = arith.index_cast %mul3A_495 : i32 to index
        %swap3A_499 = tpu.vector_load %arg8[%swap3A_497, %swap3A_498] {strides = array<i32>} : memref<64x512xf32, #tpu.memory_space<vmem>>, vector<16xf32>,
        tpu.vector_store %arg8[%swap3A_497, %swap3A_498], %gather3A_246 {strides = array<i32>} : memref<64x512xf32, #tpu.memory_space<vmem>>, vector<16xf32>,
        %mul3A_500 = arith.constant 16 : i32
        %mul3A_501 = arith.muli %scan3A_114, %mul3A_500 : i32
        %swap3A_502 = arith.constant 31 : i32
        %swap3A_503 = arith.index_cast %swap3A_502 : i32 to index
        %swap3A_504 = arith.index_cast %mul3A_501 : i32 to index
        %swap3A_505 = tpu.vector_load %arg8[%swap3A_503, %swap3A_504] {strides = array<i32>} : memref<64x512xf32, #tpu.memory_space<vmem>>, vector<16xf32>,
        tpu.vector_store %arg8[%swap3A_503, %swap3A_504], %gather3A_250 {strides = array<i32>} : memref<64x512xf32, #tpu.memory_space<vmem>>, vector<16xf32>,
        %add3A_506 = arith.constant 9648 : i32
        %add3A_507 = vector.broadcast %add3A_506 : i32 to vector<16xi32>
        %add3A_508 = arith.addi %convert_element_type3A, %add3A_507 : vector<16xi32>
        %gather3A_509 = tpu.vector_load_idx %arg9[%add3A_508] : memref<12864xf32, #tpu.memory_space<vmem>>[vector<16xi32>], vector<16xf32>,
        %add3A_510 = arith.constant 9849 : i32
        %add3A_511 = vector.broadcast %add3A_510 : i32 to vector<16xi32>
        %add3A_512 = arith.addi %convert_element_type3A, %add3A_511 : vector<16xi32>
        %gather3A_513 = tpu.vector_load_idx %arg9[%add3A_512] : memref<12864xf32, #tpu.memory_space<vmem>>[vector<16xi32>], vector<16xf32>,
        %add3A_514 = arith.constant 10050 : i32
        %add3A_515 = vector.broadcast %add3A_514 : i32 to vector<16xi32>
        %add3A_516 = arith.addi %convert_element_type3A, %add3A_515 : vector<16xi32>
        %gather3A_517 = tpu.vector_load_idx %arg9[%add3A_516] : memref<12864xf32, #tpu.memory_space<vmem>>[vector<16xi32>], vector<16xf32>,
        %add3A_518 = arith.constant 10251 : i32
        %add3A_519 = vector.broadcast %add3A_518 : i32 to vector<16xi32>
        %add3A_520 = arith.addi %convert_element_type3A, %add3A_519 : vector<16xi32>
        %gather3A_521 = tpu.vector_load_idx %arg9[%add3A_520] : memref<12864xf32, #tpu.memory_space<vmem>>[vector<16xi32>], vector<16xf32>,
        %add3A_522 = arith.constant 10452 : i32
        %add3A_523 = vector.broadcast %add3A_522 : i32 to vector<16xi32>
        %add3A_524 = arith.addi %convert_element_type3A, %add3A_523 : vector<16xi32>
        %gather3A_525 = tpu.vector_load_idx %arg9[%add3A_524] : memref<12864xf32, #tpu.memory_space<vmem>>[vector<16xi32>], vector<16xf32>,
        %add3A_526 = arith.constant 10653 : i32
        %add3A_527 = vector.broadcast %add3A_526 : i32 to vector<16xi32>
        %add3A_528 = arith.addi %convert_element_type3A, %add3A_527 : vector<16xi32>
        %gather3A_529 = tpu.vector_load_idx %arg9[%add3A_528] : memref<12864xf32, #tpu.memory_space<vmem>>[vector<16xi32>], vector<16xf32>,
        %add3A_530 = arith.constant 10854 : i32
        %add3A_531 = vector.broadcast %add3A_530 : i32 to vector<16xi32>
        %add3A_532 = arith.addi %convert_element_type3A, %add3A_531 : vector<16xi32>
        %gather3A_533 = tpu.vector_load_idx %arg9[%add3A_532] : memref<12864xf32, #tpu.memory_space<vmem>>[vector<16xi32>], vector<16xf32>,
        %add3A_534 = arith.constant 11055 : i32
        %add3A_535 = vector.broadcast %add3A_534 : i32 to vector<16xi32>
        %add3A_536 = arith.addi %convert_element_type3A, %add3A_535 : vector<16xi32>
        %gather3A_537 = tpu.vector_load_idx %arg9[%add3A_536] : memref<12864xf32, #tpu.memory_space<vmem>>[vector<16xi32>], vector<16xf32>,
        %add3A_538 = arith.constant 11256 : i32
        %add3A_539 = vector.broadcast %add3A_538 : i32 to vector<16xi32>
        %add3A_540 = arith.addi %convert_element_type3A, %add3A_539 : vector<16xi32>
        %gather3A_541 = tpu.vector_load_idx %arg9[%add3A_540] : memref<12864xf32, #tpu.memory_space<vmem>>[vector<16xi32>], vector<16xf32>,
        %add3A_542 = arith.constant 11457 : i32
        %add3A_543 = vector.broadcast %add3A_542 : i32 to vector<16xi32>
        %add3A_544 = arith.addi %convert_element_type3A, %add3A_543 : vector<16xi32>
        %gather3A_545 = tpu.vector_load_idx %arg9[%add3A_544] : memref<12864xf32, #tpu.memory_space<vmem>>[vector<16xi32>], vector<16xf32>,
        %add3A_546 = arith.constant 11658 : i32
        %add3A_547 = vector.broadcast %add3A_546 : i32 to vector<16xi32>
        %add3A_548 = arith.addi %convert_element_type3A, %add3A_547 : vector<16xi32>
        %gather3A_549 = tpu.vector_load_idx %arg9[%add3A_548] : memref<12864xf32, #tpu.memory_space<vmem>>[vector<16xi32>], vector<16xf32>,
        %add3A_550 = arith.constant 11859 : i32
        %add3A_551 = vector.broadcast %add3A_550 : i32 to vector<16xi32>
        %add3A_552 = arith.addi %convert_element_type3A, %add3A_551 : vector<16xi32>
        %gather3A_553 = tpu.vector_load_idx %arg9[%add3A_552] : memref<12864xf32, #tpu.memory_space<vmem>>[vector<16xi32>], vector<16xf32>,
        %add3A_554 = arith.constant 12060 : i32
        %add3A_555 = vector.broadcast %add3A_554 : i32 to vector<16xi32>
        %add3A_556 = arith.addi %convert_element_type3A, %add3A_555 : vector<16xi32>
        %gather3A_557 = tpu.vector_load_idx %arg9[%add3A_556] : memref<12864xf32, #tpu.memory_space<vmem>>[vector<16xi32>], vector<16xf32>,
        %add3A_558 = arith.constant 12261 : i32
        %add3A_559 = vector.broadcast %add3A_558 : i32 to vector<16xi32>
        %add3A_560 = arith.addi %convert_element_type3A, %add3A_559 : vector<16xi32>
        %gather3A_561 = tpu.vector_load_idx %arg9[%add3A_560] : memref<12864xf32, #tpu.memory_space<vmem>>[vector<16xi32>], vector<16xf32>,
        %add3A_562 = arith.constant 12462 : i32
        %add3A_563 = vector.broadcast %add3A_562 : i32 to vector<16xi32>
        %add3A_564 = arith.addi %convert_element_type3A, %add3A_563 : vector<16xi32>
        %gather3A_565 = tpu.vector_load_idx %arg9[%add3A_564] : memref<12864xf32, #tpu.memory_space<vmem>>[vector<16xi32>], vector<16xf32>,
        %add3A_566 = arith.constant 12663 : i32
        %add3A_567 = vector.broadcast %add3A_566 : i32 to vector<16xi32>
        %add3A_568 = arith.addi %convert_element_type3A, %add3A_567 : vector<16xi32>
        %gather3A_569 = tpu.vector_load_idx %arg9[%add3A_568] : memref<12864xf32, #tpu.memory_space<vmem>>[vector<16xi32>], vector<16xf32>,
        %mul3A_570 = arith.constant 16 : i32
        %mul3A_571 = arith.muli %scan3A_114, %mul3A_570 : i32
        %swap3A_572 = arith.constant 32 : i32
        %swap3A_573 = arith.index_cast %swap3A_572 : i32 to index
        %swap3A_574 = arith.index_cast %mul3A_571 : i32 to index
        %swap3A_575 = tpu.vector_load %arg8[%swap3A_573, %swap3A_574] {strides = array<i32>} : memref<64x512xf32, #tpu.memory_space<vmem>>, vector<16xf32>,
        tpu.vector_store %arg8[%swap3A_573, %swap3A_574], %gather3A_349 {strides = array<i32>} : memref<64x512xf32, #tpu.memory_space<vmem>>, vector<16xf32>,
        %mul3A_576 = arith.constant 16 : i32
        %mul3A_577 = arith.muli %scan3A_114, %mul3A_576 : i32
        %swap3A_578 = arith.constant 33 : i32
        %swap3A_579 = arith.index_cast %swap3A_578 : i32 to index
        %swap3A_580 = arith.index_cast %mul3A_577 : i32 to index
        %swap3A_581 = tpu.vector_load %arg8[%swap3A_579, %swap3A_580] {strides = array<i32>} : memref<64x512xf32, #tpu.memory_space<vmem>>, vector<16xf32>,
        tpu.vector_store %arg8[%swap3A_579, %swap3A_580], %gather3A_353 {strides = array<i32>} : memref<64x512xf32, #tpu.memory_space<vmem>>, vector<16xf32>,
        %mul3A_582 = arith.constant 16 : i32
        %mul3A_583 = arith.muli %scan3A_114, %mul3A_582 : i32
        %swap3A_584 = arith.constant 34 : i32
        %swap3A_585 = arith.index_cast %swap3A_584 : i32 to index
        %swap3A_586 = arith.index_cast %mul3A_583 : i32 to index
        %swap3A_587 = tpu.vector_load %arg8[%swap3A_585, %swap3A_586] {strides = array<i32>} : memref<64x512xf32, #tpu.memory_space<vmem>>, vector<16xf32>,
        tpu.vector_store %arg8[%swap3A_585, %swap3A_586], %gather3A_357 {strides = array<i32>} : memref<64x512xf32, #tpu.memory_space<vmem>>, vector<16xf32>,
        %mul3A_588 = arith.constant 16 : i32
        %mul3A_589 = arith.muli %scan3A_114, %mul3A_588 : i32
        %swap3A_590 = arith.constant 35 : i32
        %swap3A_591 = arith.index_cast %swap3A_590 : i32 to index
        %swap3A_592 = arith.index_cast %mul3A_589 : i32 to index
        %swap3A_593 = tpu.vector_load %arg8[%swap3A_591, %swap3A_592] {strides = array<i32>} : memref<64x512xf32, #tpu.memory_space<vmem>>, vector<16xf32>,
        tpu.vector_store %arg8[%swap3A_591, %swap3A_592], %gather3A_361 {strides = array<i32>} : memref<64x512xf32, #tpu.memory_space<vmem>>, vector<16xf32>,
        %mul3A_594 = arith.constant 16 : i32
        %mul3A_595 = arith.muli %scan3A_114, %mul3A_594 : i32
        %swap3A_596 = arith.constant 36 : i32
        %swap3A_597 = arith.index_cast %swap3A_596 : i32 to index
        %swap3A_598 = arith.index_cast %mul3A_595 : i32 to index
        %swap3A_599 = tpu.vector_load %arg8[%swap3A_597, %swap3A_598] {strides = array<i32>} : memref<64x512xf32, #tpu.memory_space<vmem>>, vector<16xf32>,
        tpu.vector_store %arg8[%swap3A_597, %swap3A_598], %gather3A_365 {strides = array<i32>} : memref<64x512xf32, #tpu.memory_space<vmem>>, vector<16xf32>,
        %mul3A_600 = arith.constant 16 : i32
        %mul3A_601 = arith.muli %scan3A_114, %mul3A_600 : i32
        %swap3A_602 = arith.constant 37 : i32
        %swap3A_603 = arith.index_cast %swap3A_602 : i32 to index
        %swap3A_604 = arith.index_cast %mul3A_601 : i32 to index
        %swap3A_605 = tpu.vector_load %arg8[%swap3A_603, %swap3A_604] {strides = array<i32>} : memref<64x512xf32, #tpu.memory_space<vmem>>, vector<16xf32>,
        tpu.vector_store %arg8[%swap3A_603, %swap3A_604], %gather3A_369 {strides = array<i32>} : memref<64x512xf32, #tpu.memory_space<vmem>>, vector<16xf32>,
        %mul3A_606 = arith.constant 16 : i32
        %mul3A_607 = arith.muli %scan3A_114, %mul3A_606 : i32
        %swap3A_608 = arith.constant 38 : i32
        %swap3A_609 = arith.index_cast %swap3A_608 : i32 to index
        %swap3A_610 = arith.index_cast %mul3A_607 : i32 to index
        %swap3A_611 = tpu.vector_load %arg8[%swap3A_609, %swap3A_610] {strides = array<i32>} : memref<64x512xf32, #tpu.memory_space<vmem>>, vector<16xf32>,
        tpu.vector_store %arg8[%swap3A_609, %swap3A_610], %gather3A_373 {strides = array<i32>} : memref<64x512xf32, #tpu.memory_space<vmem>>, vector<16xf32>,
        %mul3A_612 = arith.constant 16 : i32
        %mul3A_613 = arith.muli %scan3A_114, %mul3A_612 : i32
        %swap3A_614 = arith.constant 39 : i32
        %swap3A_615 = arith.index_cast %swap3A_614 : i32 to index
        %swap3A_616 = arith.index_cast %mul3A_613 : i32 to index
        %swap3A_617 = tpu.vector_load %arg8[%swap3A_615, %swap3A_616] {strides = array<i32>} : memref<64x512xf32, #tpu.memory_space<vmem>>, vector<16xf32>,
        tpu.vector_store %arg8[%swap3A_615, %swap3A_616], %gather3A_377 {strides = array<i32>} : memref<64x512xf32, #tpu.memory_space<vmem>>, vector<16xf32>,
        %mul3A_618 = arith.constant 16 : i32
        %mul3A_619 = arith.muli %scan3A_114, %mul3A_618 : i32
        %swap3A_620 = arith.constant 40 : i32
        %swap3A_621 = arith.index_cast %swap3A_620 : i32 to index
        %swap3A_622 = arith.index_cast %mul3A_619 : i32 to index
        %swap3A_623 = tpu.vector_load %arg8[%swap3A_621, %swap3A_622] {strides = array<i32>} : memref<64x512xf32, #tpu.memory_space<vmem>>, vector<16xf32>,
        tpu.vector_store %arg8[%swap3A_621, %swap3A_622], %gather3A_381 {strides = array<i32>} : memref<64x512xf32, #tpu.memory_space<vmem>>, vector<16xf32>,
        %mul3A_624 = arith.constant 16 : i32
        %mul3A_625 = arith.muli %scan3A_114, %mul3A_624 : i32
        %swap3A_626 = arith.constant 41 : i32
        %swap3A_627 = arith.index_cast %swap3A_626 : i32 to index
        %swap3A_628 = arith.index_cast %mul3A_625 : i32 to index
        %swap3A_629 = tpu.vector_load %arg8[%swap3A_627, %swap3A_628] {strides = array<i32>} : memref<64x512xf32, #tpu.memory_space<vmem>>, vector<16xf32>,
        tpu.vector_store %arg8[%swap3A_627, %swap3A_628], %gather3A_385 {strides = array<i32>} : memref<64x512xf32, #tpu.memory_space<vmem>>, vector<16xf32>,
        %mul3A_630 = arith.constant 16 : i32
        %mul3A_631 = arith.muli %scan3A_114, %mul3A_630 : i32
        %swap3A_632 = arith.constant 42 : i32
        %swap3A_633 = arith.index_cast %swap3A_632 : i32 to index
        %swap3A_634 = arith.index_cast %mul3A_631 : i32 to index
        %swap3A_635 = tpu.vector_load %arg8[%swap3A_633, %swap3A_634] {strides = array<i32>} : memref<64x512xf32, #tpu.memory_space<vmem>>, vector<16xf32>,
        tpu.vector_store %arg8[%swap3A_633, %swap3A_634], %gather3A_389 {strides = array<i32>} : memref<64x512xf32, #tpu.memory_space<vmem>>, vector<16xf32>,
        %mul3A_636 = arith.constant 16 : i32
        %mul3A_637 = arith.muli %scan3A_114, %mul3A_636 : i32
        %swap3A_638 = arith.constant 43 : i32
        %swap3A_639 = arith.index_cast %swap3A_638 : i32 to index
        %swap3A_640 = arith.index_cast %mul3A_637 : i32 to index
        %swap3A_641 = tpu.vector_load %arg8[%swap3A_639, %swap3A_640] {strides = array<i32>} : memref<64x512xf32, #tpu.memory_space<vmem>>, vector<16xf32>,
        tpu.vector_store %arg8[%swap3A_639, %swap3A_640], %gather3A_393 {strides = array<i32>} : memref<64x512xf32, #tpu.memory_space<vmem>>, vector<16xf32>,
        %mul3A_642 = arith.constant 16 : i32
        %mul3A_643 = arith.muli %scan3A_114, %mul3A_642 : i32
        %swap3A_644 = arith.constant 44 : i32
        %swap3A_645 = arith.index_cast %swap3A_644 : i32 to index
        %swap3A_646 = arith.index_cast %mul3A_643 : i32 to index
        %swap3A_647 = tpu.vector_load %arg8[%swap3A_645, %swap3A_646] {strides = array<i32>} : memref<64x512xf32, #tpu.memory_space<vmem>>, vector<16xf32>,
        tpu.vector_store %arg8[%swap3A_645, %swap3A_646], %gather3A_397 {strides = array<i32>} : memref<64x512xf32, #tpu.memory_space<vmem>>, vector<16xf32>,
        %mul3A_648 = arith.constant 16 : i32
        %mul3A_649 = arith.muli %scan3A_114, %mul3A_648 : i32
        %swap3A_650 = arith.constant 45 : i32
        %swap3A_651 = arith.index_cast %swap3A_650 : i32 to index
        %swap3A_652 = arith.index_cast %mul3A_649 : i32 to index
        %swap3A_653 = tpu.vector_load %arg8[%swap3A_651, %swap3A_652] {strides = array<i32>} : memref<64x512xf32, #tpu.memory_space<vmem>>, vector<16xf32>,
        tpu.vector_store %arg8[%swap3A_651, %swap3A_652], %gather3A_401 {strides = array<i32>} : memref<64x512xf32, #tpu.memory_space<vmem>>, vector<16xf32>,
        %mul3A_654 = arith.constant 16 : i32
        %mul3A_655 = arith.muli %scan3A_114, %mul3A_654 : i32
        %swap3A_656 = arith.constant 46 : i32
        %swap3A_657 = arith.index_cast %swap3A_656 : i32 to index
        %swap3A_658 = arith.index_cast %mul3A_655 : i32 to index
        %swap3A_659 = tpu.vector_load %arg8[%swap3A_657, %swap3A_658] {strides = array<i32>} : memref<64x512xf32, #tpu.memory_space<vmem>>, vector<16xf32>,
        tpu.vector_store %arg8[%swap3A_657, %swap3A_658], %gather3A_405 {strides = array<i32>} : memref<64x512xf32, #tpu.memory_space<vmem>>, vector<16xf32>,
        %mul3A_660 = arith.constant 16 : i32
        %mul3A_661 = arith.muli %scan3A_114, %mul3A_660 : i32
        %swap3A_662 = arith.constant 47 : i32
        %swap3A_663 = arith.index_cast %swap3A_662 : i32 to index
        %swap3A_664 = arith.index_cast %mul3A_661 : i32 to index
        %swap3A_665 = tpu.vector_load %arg8[%swap3A_663, %swap3A_664] {strides = array<i32>} : memref<64x512xf32, #tpu.memory_space<vmem>>, vector<16xf32>,
        tpu.vector_store %arg8[%swap3A_663, %swap3A_664], %gather3A_409 {strides = array<i32>} : memref<64x512xf32, #tpu.memory_space<vmem>>, vector<16xf32>,
        %mul3A_666 = arith.constant 16 : i32
        %mul3A_667 = arith.muli %scan3A_114, %mul3A_666 : i32
        %swap3A_668 = arith.constant 48 : i32
        %swap3A_669 = arith.index_cast %swap3A_668 : i32 to index
        %swap3A_670 = arith.index_cast %mul3A_667 : i32 to index
        %swap3A_671 = tpu.vector_load %arg8[%swap3A_669, %swap3A_670] {strides = array<i32>} : memref<64x512xf32, #tpu.memory_space<vmem>>, vector<16xf32>,
        tpu.vector_store %arg8[%swap3A_669, %swap3A_670], %gather3A_509 {strides = array<i32>} : memref<64x512xf32, #tpu.memory_space<vmem>>, vector<16xf32>,
        %mul3A_672 = arith.constant 16 : i32
        %mul3A_673 = arith.muli %scan3A_114, %mul3A_672 : i32
        %swap3A_674 = arith.constant 49 : i32
        %swap3A_675 = arith.index_cast %swap3A_674 : i32 to index
        %swap3A_676 = arith.index_cast %mul3A_673 : i32 to index
        %swap3A_677 = tpu.vector_load %arg8[%swap3A_675, %swap3A_676] {strides = array<i32>} : memref<64x512xf32, #tpu.memory_space<vmem>>, vector<16xf32>,
        tpu.vector_store %arg8[%swap3A_675, %swap3A_676], %gather3A_513 {strides = array<i32>} : memref<64x512xf32, #tpu.memory_space<vmem>>, vector<16xf32>,
        %mul3A_678 = arith.constant 16 : i32
        %mul3A_679 = arith.muli %scan3A_114, %mul3A_678 : i32
        %swap3A_680 = arith.constant 50 : i32
        %swap3A_681 = arith.index_cast %swap3A_680 : i32 to index
        %swap3A_682 = arith.index_cast %mul3A_679 : i32 to index
        %swap3A_683 = tpu.vector_load %arg8[%swap3A_681, %swap3A_682] {strides = array<i32>} : memref<64x512xf32, #tpu.memory_space<vmem>>, vector<16xf32>,
        tpu.vector_store %arg8[%swap3A_681, %swap3A_682], %gather3A_517 {strides = array<i32>} : memref<64x512xf32, #tpu.memory_space<vmem>>, vector<16xf32>,
        %mul3A_684 = arith.constant 16 : i32
        %mul3A_685 = arith.muli %scan3A_114, %mul3A_684 : i32
        %swap3A_686 = arith.constant 51 : i32
        %swap3A_687 = arith.index_cast %swap3A_686 : i32 to index
        %swap3A_688 = arith.index_cast %mul3A_685 : i32 to index
        %swap3A_689 = tpu.vector_load %arg8[%swap3A_687, %swap3A_688] {strides = array<i32>} : memref<64x512xf32, #tpu.memory_space<vmem>>, vector<16xf32>,
        tpu.vector_store %arg8[%swap3A_687, %swap3A_688], %gather3A_521 {strides = array<i32>} : memref<64x512xf32, #tpu.memory_space<vmem>>, vector<16xf32>,
        %mul3A_690 = arith.constant 16 : i32
        %mul3A_691 = arith.muli %scan3A_114, %mul3A_690 : i32
        %swap3A_692 = arith.constant 52 : i32
        %swap3A_693 = arith.index_cast %swap3A_692 : i32 to index
        %swap3A_694 = arith.index_cast %mul3A_691 : i32 to index
        %swap3A_695 = tpu.vector_load %arg8[%swap3A_693, %swap3A_694] {strides = array<i32>} : memref<64x512xf32, #tpu.memory_space<vmem>>, vector<16xf32>,
        tpu.vector_store %arg8[%swap3A_693, %swap3A_694], %gather3A_525 {strides = array<i32>} : memref<64x512xf32, #tpu.memory_space<vmem>>, vector<16xf32>,
        %mul3A_696 = arith.constant 16 : i32
        %mul3A_697 = arith.muli %scan3A_114, %mul3A_696 : i32
        %swap3A_698 = arith.constant 53 : i32
        %swap3A_699 = arith.index_cast %swap3A_698 : i32 to index
        %swap3A_700 = arith.index_cast %mul3A_697 : i32 to index
        %swap3A_701 = tpu.vector_load %arg8[%swap3A_699, %swap3A_700] {strides = array<i32>} : memref<64x512xf32, #tpu.memory_space<vmem>>, vector<16xf32>,
        tpu.vector_store %arg8[%swap3A_699, %swap3A_700], %gather3A_529 {strides = array<i32>} : memref<64x512xf32, #tpu.memory_space<vmem>>, vector<16xf32>,
        %mul3A_702 = arith.constant 16 : i32
        %mul3A_703 = arith.muli %scan3A_114, %mul3A_702 : i32
        %swap3A_704 = arith.constant 54 : i32
        %swap3A_705 = arith.index_cast %swap3A_704 : i32 to index
        %swap3A_706 = arith.index_cast %mul3A_703 : i32 to index
        %swap3A_707 = tpu.vector_load %arg8[%swap3A_705, %swap3A_706] {strides = array<i32>} : memref<64x512xf32, #tpu.memory_space<vmem>>, vector<16xf32>,
        tpu.vector_store %arg8[%swap3A_705, %swap3A_706], %gather3A_533 {strides = array<i32>} : memref<64x512xf32, #tpu.memory_space<vmem>>, vector<16xf32>,
        %mul3A_708 = arith.constant 16 : i32
        %mul3A_709 = arith.muli %scan3A_114, %mul3A_708 : i32
        %swap3A_710 = arith.constant 55 : i32
        %swap3A_711 = arith.index_cast %swap3A_710 : i32 to index
        %swap3A_712 = arith.index_cast %mul3A_709 : i32 to index
        %swap3A_713 = tpu.vector_load %arg8[%swap3A_711, %swap3A_712] {strides = array<i32>} : memref<64x512xf32, #tpu.memory_space<vmem>>, vector<16xf32>,
        tpu.vector_store %arg8[%swap3A_711, %swap3A_712], %gather3A_537 {strides = array<i32>} : memref<64x512xf32, #tpu.memory_space<vmem>>, vector<16xf32>,
        %mul3A_714 = arith.constant 16 : i32
        %mul3A_715 = arith.muli %scan3A_114, %mul3A_714 : i32
        %swap3A_716 = arith.constant 56 : i32
        %swap3A_717 = arith.index_cast %swap3A_716 : i32 to index
        %swap3A_718 = arith.index_cast %mul3A_715 : i32 to index
        %swap3A_719 = tpu.vector_load %arg8[%swap3A_717, %swap3A_718] {strides = array<i32>} : memref<64x512xf32, #tpu.memory_space<vmem>>, vector<16xf32>,
        tpu.vector_store %arg8[%swap3A_717, %swap3A_718], %gather3A_541 {strides = array<i32>} : memref<64x512xf32, #tpu.memory_space<vmem>>, vector<16xf32>,
        %mul3A_720 = arith.constant 16 : i32
        %mul3A_721 = arith.muli %scan3A_114, %mul3A_720 : i32
        %swap3A_722 = arith.constant 57 : i32
        %swap3A_723 = arith.index_cast %swap3A_722 : i32 to index
        %swap3A_724 = arith.index_cast %mul3A_721 : i32 to index
        %swap3A_725 = tpu.vector_load %arg8[%swap3A_723, %swap3A_724] {strides = array<i32>} : memref<64x512xf32, #tpu.memory_space<vmem>>, vector<16xf32>,
        tpu.vector_store %arg8[%swap3A_723, %swap3A_724], %gather3A_545 {strides = array<i32>} : memref<64x512xf32, #tpu.memory_space<vmem>>, vector<16xf32>,
        %mul3A_726 = arith.constant 16 : i32
        %mul3A_727 = arith.muli %scan3A_114, %mul3A_726 : i32
        %swap3A_728 = arith.constant 58 : i32
        %swap3A_729 = arith.index_cast %swap3A_728 : i32 to index
        %swap3A_730 = arith.index_cast %mul3A_727 : i32 to index
        %swap3A_731 = tpu.vector_load %arg8[%swap3A_729, %swap3A_730] {strides = array<i32>} : memref<64x512xf32, #tpu.memory_space<vmem>>, vector<16xf32>,
        tpu.vector_store %arg8[%swap3A_729, %swap3A_730], %gather3A_549 {strides = array<i32>} : memref<64x512xf32, #tpu.memory_space<vmem>>, vector<16xf32>,
        %mul3A_732 = arith.constant 16 : i32
        %mul3A_733 = arith.muli %scan3A_114, %mul3A_732 : i32
        %swap3A_734 = arith.constant 59 : i32
        %swap3A_735 = arith.index_cast %swap3A_734 : i32 to index
        %swap3A_736 = arith.index_cast %mul3A_733 : i32 to index
        %swap3A_737 = tpu.vector_load %arg8[%swap3A_735, %swap3A_736] {strides = array<i32>} : memref<64x512xf32, #tpu.memory_space<vmem>>, vector<16xf32>,
        tpu.vector_store %arg8[%swap3A_735, %swap3A_736], %gather3A_553 {strides = array<i32>} : memref<64x512xf32, #tpu.memory_space<vmem>>, vector<16xf32>,
        %mul3A_738 = arith.constant 16 : i32
        %mul3A_739 = arith.muli %scan3A_114, %mul3A_738 : i32
        %swap3A_740 = arith.constant 60 : i32
        %swap3A_741 = arith.index_cast %swap3A_740 : i32 to index
        %swap3A_742 = arith.index_cast %mul3A_739 : i32 to index
        %swap3A_743 = tpu.vector_load %arg8[%swap3A_741, %swap3A_742] {strides = array<i32>} : memref<64x512xf32, #tpu.memory_space<vmem>>, vector<16xf32>,
        tpu.vector_store %arg8[%swap3A_741, %swap3A_742], %gather3A_557 {strides = array<i32>} : memref<64x512xf32, #tpu.memory_space<vmem>>, vector<16xf32>,
        %mul3A_744 = arith.constant 16 : i32
        %mul3A_745 = arith.muli %scan3A_114, %mul3A_744 : i32
        %swap3A_746 = arith.constant 61 : i32
        %swap3A_747 = arith.index_cast %swap3A_746 : i32 to index
        %swap3A_748 = arith.index_cast %mul3A_745 : i32 to index
        %swap3A_749 = tpu.vector_load %arg8[%swap3A_747, %swap3A_748] {strides = array<i32>} : memref<64x512xf32, #tpu.memory_space<vmem>>, vector<16xf32>,
        tpu.vector_store %arg8[%swap3A_747, %swap3A_748], %gather3A_561 {strides = array<i32>} : memref<64x512xf32, #tpu.memory_space<vmem>>, vector<16xf32>,
        %mul3A_750 = arith.constant 16 : i32
        %mul3A_751 = arith.muli %scan3A_114, %mul3A_750 : i32
        %swap3A_752 = arith.constant 62 : i32
        %swap3A_753 = arith.index_cast %swap3A_752 : i32 to index
        %swap3A_754 = arith.index_cast %mul3A_751 : i32 to index
        %swap3A_755 = tpu.vector_load %arg8[%swap3A_753, %swap3A_754] {strides = array<i32>} : memref<64x512xf32, #tpu.memory_space<vmem>>, vector<16xf32>,
        tpu.vector_store %arg8[%swap3A_753, %swap3A_754], %gather3A_565 {strides = array<i32>} : memref<64x512xf32, #tpu.memory_space<vmem>>, vector<16xf32>,
        %mul3A_756 = arith.constant 16 : i32
        %mul3A_757 = arith.muli %scan3A_114, %mul3A_756 : i32
        %swap3A_758 = arith.constant 63 : i32
        %swap3A_759 = arith.index_cast %swap3A_758 : i32 to index
        %swap3A_760 = arith.index_cast %mul3A_757 : i32 to index
        %swap3A_761 = tpu.vector_load %arg8[%swap3A_759, %swap3A_760] {strides = array<i32>} : memref<64x512xf32, #tpu.memory_space<vmem>>, vector<16xf32>,
        tpu.vector_store %arg8[%swap3A_759, %swap3A_760], %gather3A_569 {strides = array<i32>} : memref<64x512xf32, #tpu.memory_space<vmem>>, vector<16xf32>,
      }
      %scan3A_105 = arith.constant 32 : i32
      %dma_start3A_106 = arith.constant 0 : i32
      %dma_start3A_107 = arith.constant 512 : i32
      %dma_start3A_108 = tpu.memref_slice %arg4[%add3A_67, %dma_start3A_106, %dma_start3A_107] : memref<1024x64x1024xf32, #tpu.memory_space<hbm>> -> memref<1x64x512xf32, #tpu.memory_space<hbm>>
      %dma_start3A_109 = tpu.memref_squeeze %dma_start3A_108 : memref<1x64x512xf32, #tpu.memory_space<hbm>> -> memref<64x512xf32, #tpu.memory_space<hbm>>
      %dma_start3A_110 = arith.constant 0 : i32
      %dma_start3A_111 = arith.constant 512 : i32
      %dma_start3A_112 = tpu.memref_slice %arg4[%add3A_67, %dma_start3A_110, %dma_start3A_111] : memref<1024x64x1024xf32, #tpu.memory_space<hbm>> -> memref<1x64x512xf32, #tpu.memory_space<hbm>>
      %dma_start3A_113 = tpu.memref_squeeze %dma_start3A_112 : memref<1x64x512xf32, #tpu.memory_space<hbm>> -> memref<64x512xf32, #tpu.memory_space<hbm>>
      tpu.enqueue_dma source(%arg8 : memref<64x512xf32, #tpu.memory_space<vmem>>) target(%dma_start3A_113 : memref<64x512xf32, #tpu.memory_space<hbm>>) target_semaphore(%arg12 : memref<!tpu.dma_semaphore, #tpu.memory_space<semaphore_mem>>)
    }
    %scan3A_43 = arith.constant 16 : i32
    %dma_wait3A_44 = arith.constant 0 : i32
    %dma_wait3A_45 = arith.constant 0 : i32
    %dma_wait3A_46 = arith.constant 0 : i32
    %dma_wait3A_47 = tpu.memref_slice %arg4[%dma_wait3A_44, %dma_wait3A_45, %dma_wait3A_46] : memref<1024x64x1024xf32, #tpu.memory_space<hbm>> -> memref<1x64x512xf32, #tpu.memory_space<hbm>>
    %dma_wait3A_48 = tpu.memref_squeeze %dma_wait3A_47 : memref<1x64x512xf32, #tpu.memory_space<hbm>> -> memref<64x512xf32, #tpu.memory_space<hbm>>
    %dma_wait3A_49 = arith.constant 0 : i32
    %dma_wait3A_50 = arith.constant 0 : i32
    %dma_wait3A_51 = tpu.memref_slice %arg4[%dma_wait3A_44, %dma_wait3A_49, %dma_wait3A_50] : memref<1024x64x1024xf32, #tpu.memory_space<hbm>> -> memref<1x64x512xf32, #tpu.memory_space<hbm>>
    %dma_wait3A_52 = tpu.memref_squeeze %dma_wait3A_51 : memref<1x64x512xf32, #tpu.memory_space<hbm>> -> memref<64x512xf32, #tpu.memory_space<hbm>>
    tpu.wait_dma2 semaphore(%arg11 : memref<!tpu.dma_semaphore, #tpu.memory_space<semaphore_mem>>) src(%arg7 : memref<64x512xf32, #tpu.memory_space<vmem>>) dst(%dma_wait3A_52 : memref<64x512xf32, #tpu.memory_space<hbm>>)
    %dma_wait3A_53 = arith.constant 0 : i32
    %dma_wait3A_54 = arith.constant 0 : i32
    %dma_wait3A_55 = arith.constant 0 : i32
    %dma_wait3A_56 = tpu.memref_slice %arg4[%dma_wait3A_53, %dma_wait3A_54, %dma_wait3A_55] : memref<1024x64x1024xf32, #tpu.memory_space<hbm>> -> memref<1x64x512xf32, #tpu.memory_space<hbm>>
    %dma_wait3A_57 = tpu.memref_squeeze %dma_wait3A_56 : memref<1x64x512xf32, #tpu.memory_space<hbm>> -> memref<64x512xf32, #tpu.memory_space<hbm>>
    %dma_wait3A_58 = arith.constant 0 : i32
    %dma_wait3A_59 = arith.constant 0 : i32
    %dma_wait3A_60 = tpu.memref_slice %arg4[%dma_wait3A_53, %dma_wait3A_58, %dma_wait3A_59] : memref<1024x64x1024xf32, #tpu.memory_space<hbm>> -> memref<1x64x512xf32, #tpu.memory_space<hbm>>
    %dma_wait3A_61 = tpu.memref_squeeze %dma_wait3A_60 : memref<1x64x512xf32, #tpu.memory_space<hbm>> -> memref<64x512xf32, #tpu.memory_space<hbm>>
    tpu.wait_dma2 semaphore(%arg12 : memref<!tpu.dma_semaphore, #tpu.memory_space<semaphore_mem>>) src(%arg8 : memref<64x512xf32, #tpu.memory_space<vmem>>) dst(%dma_wait3A_61 : memref<64x512xf32, #tpu.memory_space<hbm>>)
    return
  }
}

</mosaic_0001>

<sc_bundles>
// kernel: kernel.3.cloned.1.call-start
scs
__scs_entry_jumppad:
0x0: {  	(pc) =	sbr.rel $0x88, $3  }
0x1: {  	(tag) =	ssettag $0x0;
	lr =	simm.s32 $0x1  }
0x2: {  	[smem:$0x3F9F] =	sst lr;
	_ =	strace $0xD0000000  }
0x3: {  	_ = 	snop  }
0x4: {  	_ = 	snop  }
0x5: {  	_ = 	snop  }
0x6: {  	_ = 	snop  }
0x7: {  	_ = 	snop  }
__scs_overlays_trampoline_lowered:
0x8: {  	[smem:$0x3FAE] =	sst s0  }
0x9: {  	[smem:$0x3FAF] =	sst s1  }
0xa: {  	[smem:$0x3FB0] =	sst s2  }
0xb: {  	[smem:$0x3FB1] =	sst s3  }
0xc: {  	[smem:$0x3FB2] =	sst s4  }
0xd: {  	[smem:$0x3FB3] =	sst s5  }
0xe: {  	[smem:$0x3FB4] =	sst s6  }
0xf: {  	[smem:$0x3FB5] =	sst s7  }
0x10: {  	[smem:$0x3FB6] =	sst s8  }
0x11: {  	[smem:$0x3FB7] =	sst s9;
	s0 =	simm.s32 @!p0 $0x0  }
0x12: {  	s1 =	sld [smem:$0x3F9D];
	s0 =	simm.s32 @p0 $0x1  }
0x13: {  	[smem:$0x3FB8] =	sst s0;
	s0 =	simm.s32 @!p1 $0x0  }
0x14: {  	s2 =	sld [smem:$0x3F9C];
	s0 =	simm.s32 @p1 $0x1  }
0x15: {  	[smem:$0x3FB9] =	sst s0;
	s0 =	simm.s32 @!p2 $0x0  }
0x16: {  	s3 =	sld [smem:$0x3FDB];
	s0 =	simm.s32 @p2 $0x1  }
0x17: {  	s4 =	simm.s32 $0x1BF5;
	[smem:$0x3FBB] =	sst s0  }
0x18: {  	s0 =	sld [smem:$0x3F9E];
	_ =	swait.ge [sflag:s4], $0x0  }
0x19: {  	s7 =	sld [smem:$0x3F9F]  }
0x1a: {  	s8 =	sadd.s32 $0xFFFFE003, lr  }
0x1b: {  	s9 =	sadd.s32 $0xFFFFFEF7, lr;
	s5 =	simm.s32 $0xFFFFFFFF;
	p2 =	slt.u32 s8, $0xFFFFF086  }
0x1c: {  	p1 =	slt.u32 s9, $0xF7A;
	s5 =	simm.s32 @!p2 $0x0  }
0x1d: {  	s5 =	simm.s32 @p1 $0x1;
	p0 =	seq.s32 s7, s2  }
0x1e: {  	s7 =	smul.u32 @!p0 $0xF7A, s2;
	p2 =	seq.s32 @!p0 s5, $0x0  }
0x1f: {  	s9 =	smul.u32 $0xF7A, s1;
	s8 =	simm.s32 @!p0 $0x1BF5;
	p2 =	por !p2, p0  }
0x20: {  	[sflag:s8] =	ssyncset.s32 @!p0 $0xFFFFF086;
	s6 =	sadd.s32 @!p0 s3, s7;
	s7 =	simm.s32 @!p0 $0x108  }
0x21: {  	s3 =	sadd.s32 s3, s9;
	s6 =	sadd.s32 @!p0 $0x88, s6;
	s7 =	simm.s32 @p2 $0x1082  }
0x22: {  	[simem:s7], [sflag:s8] =	dma.local @!p0 [hbm:s6], $0xF7A  }
0x23: {  	s9 =	sor.u32 $0xD0000000, s2;
	s6 =	simm.s32 $0x108;
	_ =	swait.ge @!p0 [sflag:s8], $0x0  }
0x24: {  	s3 =	sadd.s32 $0x88, s3;
	s6 =	simm.s32 @!p1 $0x1082;
	[sflag:s4] =	ssyncset.s32 $0xFFFFF086  }
0x25: {  	[simem:s6], [sflag:s4] =	dma.local [hbm:s3], $0xF7A  }
0x26: {  	[smem:$0x3F9F] =	sst s1;
	(tag) =	ssettag s2;
	_ =	strace s9  }
0x27: {  	s1 =	sld [smem:$0x3FAF]  }
0x28: {  	s2 =	sld [smem:$0x3FB0]  }
0x29: {  	s4 =	sld [smem:$0x3FB2]  }
0x2a: {  	p0 =	seq.s32 s5, $0x0;
	s5 =	sld [smem:$0x3FB3]  }
0x2b: {  	s6 =	sld [smem:$0x3FB4]  }
0x2c: {  	s7 =	sld [smem:$0x3FB5]  }
0x2d: {  	s3 =	simm.s32 $0x108;
	s8 =	sld [smem:$0x3FB6]  }
0x2e: {  	s3 =	simm.s32 @!p0 $0x1082;
	s9 =	sld [smem:$0x3FB7]  }
0x2f: {  	lr =	sadd.s32 s0, s3;
	s0 =	sld [smem:$0x3FAE]  }
0x30: {  	s3 =	sld [smem:$0x3FB1]  }
0x31: {  	[smem:$0x3FBA] =	sst s10  }
0x32: {  	s10 =	sld [smem:$0x3FB8];
	_ =	sdelay $0x3  }
0x33: {  	p0 =	seq.s32 s10, $0x1;
	s10 =	sld [smem:$0x3FBA];
	_ =	sdelay $0x3  }
0x34: {  	[smem:$0x3FBA] =	sst s10  }
0x35: {  	s10 =	sld [smem:$0x3FB9];
	_ =	sdelay $0x3  }
0x36: {  	p1 =	seq.s32 s10, $0x1;
	s10 =	sld [smem:$0x3FBA];
	_ =	sdelay $0x3  }
0x37: {  	[smem:$0x3FBA] =	sst s10  }
0x38: {  	s10 =	sld [smem:$0x3FBB]  }
0x39: {  	_ = 	snop;
	(pc) =	sbr.ind lr, $3  }
0x3a: {  	_ = 	snop  }
0x3b: {  	_ = 	snop  }
0x3c: {  	p2 =	seq.s32 s10, $0x1;
	s10 =	sld [smem:$0x3FBA]  }
0x3d: {  	_ =	shalt  }
0x3e: {  	_ =	shalt  }
0x3f: {  	_ =	shalt  }
0x40: {  	_ =	shalt  }
0x41: {  	_ =	shalt  }
0x42: {  	_ =	shalt  }
0x43: {  	_ =	shalt  }
0x44: {  	_ =	shalt  }
0x45: {  	_ =	shalt  }
0x46: {  	_ =	shalt  }
0x47: {  	_ =	shalt  }
0x48: {  	_ =	shalt  }
0x49: {  	_ =	shalt  }
0x4a: {  	_ =	shalt  }
0x4b: {  	_ =	shalt  }
0x4c: {  	_ =	shalt  }
0x4d: {  	_ =	shalt  }
0x4e: {  	_ =	shalt  }
0x4f: {  	_ =	shalt  }
0x50: {  	_ =	shalt  }
0x51: {  	_ =	shalt  }
0x52: {  	_ =	shalt  }
0x53: {  	_ =	shalt  }
0x54: {  	_ =	shalt  }
0x55: {  	_ =	shalt  }
0x56: {  	_ =	shalt  }
0x57: {  	_ =	shalt  }
0x58: {  	_ =	shalt  }
0x59: {  	_ =	shalt  }
0x5a: {  	_ =	shalt  }
0x5b: {  	_ =	shalt  }
0x5c: {  	_ =	shalt  }
0x5d: {  	_ =	shalt  }
0x5e: {  	_ =	shalt  }
0x5f: {  	_ =	shalt  }
0x60: {  	_ =	shalt  }
0x61: {  	_ =	shalt  }
0x62: {  	_ =	shalt  }
0x63: {  	_ =	shalt  }
0x64: {  	_ =	shalt  }
0x65: {  	_ =	shalt  }
0x66: {  	_ =	shalt  }
0x67: {  	_ =	shalt  }
0x68: {  	_ =	shalt  }
0x69: {  	_ =	shalt  }
0x6a: {  	_ =	shalt  }
0x6b: {  	_ =	shalt  }
0x6c: {  	_ =	shalt  }
0x6d: {  	_ =	shalt  }
0x6e: {  	_ =	shalt  }
0x6f: {  	_ =	shalt  }
0x70: {  	_ =	shalt  }
0x71: {  	_ =	shalt  }
0x72: {  	_ =	shalt  }
0x73: {  	_ =	shalt  }
0x74: {  	_ =	shalt  }
0x75: {  	_ =	shalt  }
0x76: {  	_ =	shalt  }
0x77: {  	_ =	shalt  }
0x78: {  	_ =	shalt  }
0x79: {  	_ =	shalt  }
0x7a: {  	_ =	shalt  }
0x7b: {  	_ =	shalt  }
0x7c: {  	_ =	shalt  }
0x7d: {  	_ =	shalt  }
0x7e: {  	_ =	shalt  }
0x7f: {  	_ =	shalt  }
0x80: {  	_ =	shalt  }
0x81: {  	_ =	shalt  }
0x82: {  	_ =	shalt  }
0x83: {  	_ =	shalt  }
0x84: {  	_ =	shalt  }
0x85: {  	_ =	shalt  }
0x86: {  	_ =	shalt  }
0x87: {  	_ =	shalt  }
.Lfunc_end0:
.L_simem_size_0:
called_computation_lowered:
.L_overlay_start_0:
0x88: {  	s2 =	sld [smem:$0x3FD9]  }
0x89: {  	s3 =	sld [smem:$0x3FFE];
	_ =	sdelay $0x1  }
0x8a: {  	s1 =	srdreg.scid  }
0x8b: {  	s0 =	sand.u32 $0x1, s1  }
0x8c: {  	s17 =	sshll.u32 s0, $0xA;
	s2 =	sadd.s32 s3, s2  }
0x8d: {  	s2 =	sadd.s32 s2, s17  }
0x8e: {  	[smem:$0x3FC6] =	sst s2  }
0x8f: {  	_ = 	snop  }
0x90: {  	s2 =	sld [smem:$0x3FC9]  }
0x91: {  	s18 =	sld [smem:$0x3FD0];
	(tm) =	ssettm $0x1  }
0x92: {  	s4 =	sld [smem:$0x3FFB];
	_ =	sdelay $0x3  }
0x93: {  	_ =	strace s4  }
0x94: {  	s4 =	sld [smem:$0x3FFC];
	_ =	sdelay $0x3  }
0x95: {  	_ =	strace s4  }
0x96: {  	s4 =	sld [smem:$0x3FFD];
	_ =	sdelay $0x3  }
0x97: {  	_ =	strace s4  }
0x98: {  	_ =	strace $0x8FFFFFFF  }
0x99: {  	s19 =	sld [smem:$0x3FDB];
	_ =	sdelay $0x1  }
0x9a: {  	s5 =	simm.s32 $_scs_section_size  }
0x9b: {  	s6 =	simm.s32 $_size__tile_overlayer_lowered;
	s7 =	simm.s32 $_tile_overlayer_lowered  }
0x9c: {  	s22 =	simm.s32 $0x1BFF;
	s21 =	sshll.u32 s7, $0x1;
	s4 =	sadd.s32 s5, s19  }
0x9d: {  	s8 =	simm.s32 $0x0;
	s20 =	sshll.u32 s6, $0x1;
	s6 =	sadd.s32 s21, s4  }
0x9e: {  	[timem:s8], [sflag:s22] =	dma.local [hbm:s6], s20  }
0x9f: {  	_ =	swait.ge [sflag:s22], s20  }
0xa0: {  	s5 =	ssub.s32 $0x0, s20;
	[sflag:s22] =	ssyncset.done $0x0  }
0xa1: {  	[sflag:s22] =	ssyncadd.s32 s5;
	_ =	sdelay $0x1  }
0xa2: {  	s23 =	simm.s32 $0x1B8B  }
0xa3: {  	_ =	swait.ge [sflag:s23], $0x1  }
0xa4: {  	[sflag:s23] =	ssyncset.done $0x0  }
0xa5: {  	s25 =	simm.s32 $0x1B8E;
	s24 =	sld [smem:$0x3FFE];
	[sflag:s23] =	ssyncadd.s32 $0xFFFFFFFF  }
0xa6: {  	s26 =	simm.s32 $execute0_lowered;
	[smem:$0x3FD2] =	sst s25  }
0xa7: {  	s6 =	sshll.u32 s26, $0x1;
	_ =	strace $0x80000046;
	[dreg:$0x1] =	wrdreg $0xFFFFFFFF  }
0xa8: {  	s28 =	simm.s32 $_size_execute0_lowered;
	s4 =	sadd.s32 s4, s6;
	[dreg:$0x0] =	wrdreg $0x0  }
0xa9: {  	s6 =	sshll.u32 s28, $0x1;
	[dreg:$0x2] =	wrdreg s4  }
0xaa: {  	[dreg:$0x3] =	wrdreg s6  }
0xab: {  	[dreg:$0x4] =	wrdreg $0xC0  }
0xac: {  	_ =	task [dreg:s8], $0x5FFFF  }
0xad: {  	[dreg:$0x1] =	wrdreg $0xFFFFFFFF  }
0xae: {  	[dreg:$0x0] =	wrdreg $0x60  }
0xaf: {  	[dreg:$0x2] =	wrdreg s2  }
0xb0: {  	[dreg:$0x3] =	wrdreg s24  }
0xb1: {  	[dreg:$0x4] =	wrdreg s18  }
0xb2: {  	[dreg:$0x5] =	wrdreg $0x9  }
0xb3: {  	_ =	task.clear_ibuf [dreg:s8], $0x6FFFF;
	_ =	strace $0x90000046  }
0xb4: {  	s29 =	simm.s32 $0x9;
	_ =	strace $0x80000048  }
0xb5: {  	_ =	swait.ge [sflag:s29], $0x1  }
0xb6: {  	[sflag:s29] =	ssyncadd.s32 $0xFFFFFFFF  }
0xb7: {  	_ =	strace $0x90000048  }
0xb8: {  	_ =	sfence  }
0xb9: {  	s30 =	sld [smem:$0x0];
	_ =	sdelay $0x2  }
0xba: {  	s31 =	sshll.u32 s1, $0xD;
	s1 =	sshrl.u32 s1, $0x2  }
0xbb: {  	s3 =	sand.u32 $0x4000, s31;
	s1 =	sadd.s32 s1, s30  }
0xbc: {  	s0 =	sor.u32 s3, s0;
	s1 =	sshll.u32 s1, $0x11  }
0xbd: {  	s0 =	sor.u32 s1, s0  }
0xbe: {  	s0 =	sadd.s32 $0x8F2B, s0  }
0xbf: {  	[sflag:s0] =	ssyncadd.remote.s32 $0x1  }
0xc0: {  	_ =	sfence.sel $0xFFFF  }
0xc1: {  	[dreg:$0x0] =	wrdreg $0xFFFFFFFF;
	(pc) =	sbr.abs _section_cstart, $3  }
0xc2: {  	[dreg:$0x1] =	wrdreg $0xFFFFFFFF  }
0xc3: {  	_ =	task.clear_ibuf [dreg:s8], $0x2FFFF;
	_ =	strace $0x9FFFFFFF  }
0xc4: {  	(tm) =	ssettm $0x7FFFFFFF  }
0xc5: {  	_ =	shalt  }
tec
execute0_lowered:
.L_overlay_start_1:
0x0: {  	(tag) =	ssettag $0x1  }
0x1: {  	s5 =	rddreg [dreg:$0x0]  }
0x2: {  	s4 =	rddreg [dreg:$0x1]  }
0x3: {  	s2 =	rddreg [dreg:$0x2];
	s6 =	srdreg.scid  }
0x4: {  	s1 =	stileid.u32;
	s3 =	simm.s32 $0x0;
	s12 =	simm.s32 $0x18000  }
0x5: {  	s13 =	simm.s32 $0x4;
	s14 =	simm.s32 $0x1;
	s15 =	simm.s32 $0x4000  }
0x6: {  	s16 =	simm.s32 $0x1000;
	s17 =	simm.s32 $0x2000;
	s18 =	simm.s32 $0x8000  }
0x7: {  	s19 =	simm.s32 $0x10000;
	s20 =	simm.s32 $0x2;
	s21 =	simm.s32 $0x3  }
0x8: {  	s22 =	simm.s32 $0x0;
	s6 =	sand.u32 $0x1, s6;
	s7 =	sshll.u32 s1, $0x1  }
0x9: {  	[smem:$0x7FF] =	sst s3;
	s4 =	sadd.s32 $0x400, s4;
	s10 =	sadd.s32 $0x20200, s2  }
0xa: {  	s7 =	sor.u32 s6, s7;
	_ =	strace $0x80000047;
	s6 =	ssub.s32 $0x2, s6  }
0xb: {  	s8 =	sshll.u32 s7, $0xC;
	s9 =	sshrl.u32 s6, $0x1;
	s7 =	sshll.u32 s7, $0x12  }
0xc: {  	s5 =	sadd.s32 s5, s8;
	s11 =	ssub.s32 s6, s9;
	s8 =	sadd.s32 $0x200, s2  }
0xd: {  	s9 =	sadd.s32 $0x20000, s2;
	s6 =	sadd.s32 $0x800, s5;
	s11 =	smax.u32 s11, $0x1  }
.LBB2_1:
0xe: {  	[tilespmem:s12], [sflag:$0x4] =	stream.linear.gather [hbm4b:s4+s3], $0x3280, $0x38;
	[tilespmem:$0x1B280] =	vst v63  }
0xf: {  	_ =	swait.ge [sflag:s13], $0x3280  }
0x10: {  	[sflag:s13] =	ssyncset.done $0x0  }
0x11: {  	[sflag:s13] =	ssyncadd.s32 $0xFFFFCD80  }
0x12: {  	[tilespmem:s3], [sflag:$0x1] =	stream.linear.gather [hbm4b:s5+s3], $0x4000, $0x38;
	[tilespmem:$0x1B280] =	vst v63  }
0x13: {  	_ =	swait.ge [sflag:s14], $0x4000  }
0x14: {  	[sflag:s14] =	ssyncset.done $0x0  }
0x15: {  	s23 =	simm.s32 $0x0;
	[sflag:s14] =	ssyncadd.s32 $0xFFFFC000  }
0x16: {  	[tilespmem:s15], [sflag:$0x1] =	stream.linear.gather [hbm4b:s6+s3], $0x4000, $0x38;
	[tilespmem:$0x1B280] =	vst v63  }
.LBB2_2:
0x17: {  	p0 =	seq.s32 s23, $0x0  }
0x18: {  	s24 =	simm.s32 @!p0 $0x2  }
0x19: {  	_ =	swait.ge @!p0 [sflag:s24], $0x8000  }
0x1a: {  	s25 =	sshll.u32 s23, $0xA;
	s26 =	sshll.u32 s23, $0x7;
	[sflag:s24] =	ssyncset.done @!p0 $0x0  }
0x1b: {  	[sflag:s24] =	ssyncadd.s32 @!p0 $0xFFFF8000;
	s24 =	sand.u32 $0x2000, s25;
	s25 =	sand.u32 $0x380, s26  }
0x1c: {  	s28 =	simm.s32 $0x0;
	s29 =	simm.s32 $0x0;
	s26 =	sor.u32 s25, s24  }
.LBB2_3:
0x1d: {  	s30 =	sand.u32 $0xC00, s28  }
0x1e: {  	s31 =	sand.u32 $0x70, s29;
	s0 =	sadd.s32 s30, s26  }
0x1f: {  	s0 =	sadd.s32 s31, s0  }
0x20: {  	v0 =	vld [tilespmem:s0+$0x0];
	_ =	sdelay $0x4  }
0x21: {  	v0 =	vmax.f32 v0, $0.0e+00  }
0x22: {  	v0 =	vmin.f32 v0, $2.000000000e+02  }
0x23: {  	v0 =	vtrunc.f32 v0  }
0x24: {  	v0 =	vcvt.f32.s32 v0;
	_ =	sdelay $0x1  }
0x25: {  	v1 =	vadd.s32 $0xC9, v0  }
0x26: {  	v2 =	vadd.s32 $0x192, v0  }
0x27: {  	v3 =	vadd.s32 $0x25B, v0  }
0x28: {  	v4 =	vadd.s32 $0x324, v0  }
0x29: {  	v6 =	vadd.s32 $0x3ED, v0;
	v5 =	vld.idx.msk [tilespmem:v0+s12+$0x0], $0xffff  }
0x2a: {  	v7 =	vadd.s32 $0x4B6, v0;
	v1 =	vld.idx.msk [tilespmem:v1+s12+$0x0], $0xffff  }
0x2b: {  	v8 =	vadd.s32 $0x57F, v0;
	v2 =	vld.idx.msk [tilespmem:v2+s12+$0x0], $0xffff  }
0x2c: {  	v9 =	vadd.s32 $0x648, v0;
	v3 =	vld.idx.msk [tilespmem:v3+s12+$0x0], $0xffff  }
0x2d: {  	v10 =	vadd.s32 $0x711, v0;
	v4 =	vld.idx.msk [tilespmem:v4+s12+$0x0], $0xffff  }
0x2e: {  	v11 =	vadd.s32 $0x7DA, v0;
	v6 =	vld.idx.msk [tilespmem:v6+s12+$0x0], $0xffff  }
0x2f: {  	v12 =	vadd.s32 $0x8A3, v0;
	v7 =	vld.idx.msk [tilespmem:v7+s12+$0x0], $0xffff  }
0x30: {  	v13 =	vadd.s32 $0x96C, v0;
	v8 =	vld.idx.msk [tilespmem:v8+s12+$0x0], $0xffff  }
0x31: {  	v14 =	vadd.s32 $0xA35, v0;
	v9 =	vld.idx.msk [tilespmem:v9+s12+$0x0], $0xffff  }
0x32: {  	v15 =	vadd.s32 $0xAFE, v0;
	v10 =	vld.idx.msk [tilespmem:v10+s12+$0x0], $0xffff  }
0x33: {  	v16 =	vadd.s32 $0xBC7, v0;
	v11 =	vld.idx.msk [tilespmem:v11+s12+$0x0], $0xffff  }
0x34: {  	v17 =	vadd.s32 $0xC90, v0;
	v12 =	vld.idx.msk [tilespmem:v12+s12+$0x0], $0xffff  }
0x35: {  	v18 =	vadd.s32 $0xD59, v0;
	v13 =	vld.idx.msk [tilespmem:v13+s12+$0x0], $0xffff  }
0x36: {  	v19 =	vadd.s32 $0xE22, v0;
	v14 =	vld.idx.msk [tilespmem:v14+s12+$0x0], $0xffff  }
0x37: {  	v20 =	vadd.s32 $0xEEB, v0;
	v15 =	vld.idx.msk [tilespmem:v15+s12+$0x0], $0xffff  }
0x38: {  	v21 =	vadd.s32 $0xFB4, v0;
	v16 =	vld.idx.msk [tilespmem:v16+s12+$0x0], $0xffff  }
0x39: {  	v22 =	vadd.s32 $0x107D, v0;
	v17 =	vld.idx.msk [tilespmem:v17+s12+$0x0], $0xffff  }
0x3a: {  	v23 =	vadd.s32 $0x1146, v0;
	v18 =	vld.idx.msk [tilespmem:v18+s12+$0x0], $0xffff  }
0x3b: {  	v24 =	vadd.s32 $0x120F, v0;
	v19 =	vld.idx.msk [tilespmem:v19+s12+$0x0], $0xffff  }
0x3c: {  	v25 =	vadd.s32 $0x12D8, v0;
	v20 =	vld.idx.msk [tilespmem:v20+s12+$0x0], $0xffff  }
0x3d: {  	v26 =	vadd.s32 $0x13A1, v0;
	v21 =	vld.idx.msk [tilespmem:v21+s12+$0x0], $0xffff  }
0x3e: {  	v27 =	vadd.s32 $0x146A, v0;
	v22 =	vld.idx.msk [tilespmem:v22+s12+$0x0], $0xffff  }
0x3f: {  	v28 =	vadd.s32 $0x1533, v0;
	v23 =	vld.idx.msk [tilespmem:v23+s12+$0x0], $0xffff  }
0x40: {  	v29 =	vadd.s32 $0x15FC, v0;
	v24 =	vld.idx.msk [tilespmem:v24+s12+$0x0], $0xffff  }
0x41: {  	v30 =	vadd.s32 $0x16C5, v0;
	v25 =	vld.idx.msk [tilespmem:v25+s12+$0x0], $0xffff  }
0x42: {  	v31 =	vadd.s32 $0x178E, v0;
	v26 =	vld.idx.msk [tilespmem:v26+s12+$0x0], $0xffff  }
0x43: {  	v32 =	vadd.s32 $0x1857, v0;
	v27 =	vld.idx.msk [tilespmem:v27+s12+$0x0], $0xffff  }
0x44: {  	v28 =	vld.idx.msk [tilespmem:v28+s12+$0x0], $0xffff  }
0x45: {  	v29 =	vld.idx.msk [tilespmem:v29+s12+$0x0], $0xffff  }
0x46: {  	v30 =	vld.idx.msk [tilespmem:v30+s12+$0x0], $0xffff  }
0x47: {  	s30 =	sor.u32 s31, s30;
	v31 =	vld.idx.msk [tilespmem:v31+s12+$0x0], $0xffff  }
0x48: {  	v32 =	vld.idx.msk [tilespmem:v32+s12+$0x0], $0xffff;
	[tilespmem:s30+$0x8000] =	vst v5  }
0x49: {  	[tilespmem:s30+$0x8080] =	vst v1  }
0x4a: {  	[tilespmem:s30+$0x8100] =	vst v2  }
0x4b: {  	[tilespmem:s30+$0x8180] =	vst v3  }
0x4c: {  	[tilespmem:s30+$0x8200] =	vst v4  }
0x4d: {  	s31 =	sor.u32 s28, s29;
	[tilespmem:s30+$0x8280] =	vst v6  }
0x4e: {  	s0 =	sor.u32 $0x380, s31;
	[tilespmem:s30+$0x8300] =	vst v7  }
0x4f: {  	[tilespmem:s0+$0x8000] =	vst v8  }
0x50: {  	[tilespmem:s30+$0x9000] =	vst v9  }
0x51: {  	[tilespmem:s30+$0x9080] =	vst v10  }
0x52: {  	[tilespmem:s30+$0x9100] =	vst v11  }
0x53: {  	v33 =	vadd.s32 $0x1920, v0;
	[tilespmem:s30+$0x9180] =	vst v12  }
0x54: {  	v34 =	vadd.s32 $0x19E9, v0;
	[tilespmem:s30+$0x9200] =	vst v13  }
0x55: {  	v35 =	vadd.s32 $0x1AB2, v0;
	[tilespmem:s30+$0x9280] =	vst v14  }
0x56: {  	v36 =	vadd.s32 $0x1B7B, v0;
	[tilespmem:s30+$0x9300] =	vst v15  }
0x57: {  	v37 =	vadd.s32 $0x1C44, v0;
	[tilespmem:s30+$0x9380] =	vst v16  }
0x58: {  	v38 =	vadd.s32 $0x1D0D, v0;
	v1 =	vld.idx.msk [tilespmem:v33+s12+$0x0], $0xffff  }
0x59: {  	v39 =	vadd.s32 $0x1DD6, v0;
	v2 =	vld.idx.msk [tilespmem:v34+s12+$0x0], $0xffff  }
0x5a: {  	v40 =	vadd.s32 $0x1E9F, v0;
	v3 =	vld.idx.msk [tilespmem:v35+s12+$0x0], $0xffff  }
0x5b: {  	v41 =	vadd.s32 $0x1F68, v0;
	v4 =	vld.idx.msk [tilespmem:v36+s12+$0x0], $0xffff  }
0x5c: {  	v42 =	vadd.s32 $0x2031, v0;
	v5 =	vld.idx.msk [tilespmem:v37+s12+$0x0], $0xffff  }
0x5d: {  	v43 =	vadd.s32 $0x20FA, v0;
	v6 =	vld.idx.msk [tilespmem:v38+s12+$0x0], $0xffff  }
0x5e: {  	v44 =	vadd.s32 $0x21C3, v0;
	v7 =	vld.idx.msk [tilespmem:v39+s12+$0x0], $0xffff  }
0x5f: {  	v45 =	vadd.s32 $0x228C, v0;
	v8 =	vld.idx.msk [tilespmem:v40+s12+$0x0], $0xffff  }
0x60: {  	v46 =	vadd.s32 $0x2355, v0;
	v9 =	vld.idx.msk [tilespmem:v41+s12+$0x0], $0xffff  }
0x61: {  	v47 =	vadd.s32 $0x241E, v0;
	v10 =	vld.idx.msk [tilespmem:v42+s12+$0x0], $0xffff  }
0x62: {  	v48 =	vadd.s32 $0x24E7, v0;
	v11 =	vld.idx.msk [tilespmem:v43+s12+$0x0], $0xffff  }
0x63: {  	v12 =	vld.idx.msk [tilespmem:v44+s12+$0x0], $0xffff  }
0x64: {  	v13 =	vld.idx.msk [tilespmem:v45+s12+$0x0], $0xffff  }
0x65: {  	v14 =	vld.idx.msk [tilespmem:v46+s12+$0x0], $0xffff  }
0x66: {  	v15 =	vld.idx.msk [tilespmem:v47+s12+$0x0], $0xffff  }
0x67: {  	v16 =	vld.idx.msk [tilespmem:v48+s12+$0x0], $0xffff;
	[tilespmem:s30+$0xA000] =	vst v17  }
0x68: {  	[tilespmem:s30+$0xA080] =	vst v18  }
0x69: {  	[tilespmem:s30+$0xA100] =	vst v19  }
0x6a: {  	[tilespmem:s30+$0xA180] =	vst v20  }
0x6b: {  	[tilespmem:s30+$0xA200] =	vst v21  }
0x6c: {  	[tilespmem:s30+$0xA280] =	vst v22  }
0x6d: {  	[tilespmem:s30+$0xA300] =	vst v23  }
0x6e: {  	[tilespmem:s30+$0xA380] =	vst v24  }
0x6f: {  	[tilespmem:s30+$0xB000] =	vst v25  }
0x70: {  	[tilespmem:s30+$0xB080] =	vst v26  }
0x71: {  	[tilespmem:s30+$0xB100] =	vst v27  }
0x72: {  	v49 =	vadd.s32 $0x25B0, v0;
	[tilespmem:s30+$0xB180] =	vst v28  }
0x73: {  	v50 =	vadd.s32 $0x2679, v0;
	[tilespmem:s30+$0xB200] =	vst v29  }
0x74: {  	v51 =	vadd.s32 $0x2742, v0;
	[tilespmem:s30+$0xB280] =	vst v30  }
0x75: {  	v52 =	vadd.s32 $0x280B, v0;
	[tilespmem:s30+$0xB300] =	vst v31  }
0x76: {  	v53 =	vadd.s32 $0x28D4, v0;
	[tilespmem:s30+$0xB380] =	vst v32  }
0x77: {  	v54 =	vadd.s32 $0x299D, v0;
	v17 =	vld.idx.msk [tilespmem:v49+s12+$0x0], $0xffff  }
0x78: {  	v55 =	vadd.s32 $0x2A66, v0;
	v18 =	vld.idx.msk [tilespmem:v50+s12+$0x0], $0xffff  }
0x79: {  	v56 =	vadd.s32 $0x2B2F, v0;
	v19 =	vld.idx.msk [tilespmem:v51+s12+$0x0], $0xffff  }
0x7a: {  	v57 =	vadd.s32 $0x2BF8, v0;
	v20 =	vld.idx.msk [tilespmem:v52+s12+$0x0], $0xffff  }
0x7b: {  	v58 =	vadd.s32 $0x2CC1, v0;
	v21 =	vld.idx.msk [tilespmem:v53+s12+$0x0], $0xffff  }
0x7c: {  	v59 =	vadd.s32 $0x2D8A, v0;
	v22 =	vld.idx.msk [tilespmem:v54+s12+$0x0], $0xffff  }
0x7d: {  	v60 =	vadd.s32 $0x2E53, v0;
	v23 =	vld.idx.msk [tilespmem:v55+s12+$0x0], $0xffff  }
0x7e: {  	v61 =	vadd.s32 $0x2F1C, v0;
	v24 =	vld.idx.msk [tilespmem:v56+s12+$0x0], $0xffff  }
0x7f: {  	v62 =	vadd.s32 $0x2FE5, v0;
	v25 =	vld.idx.msk [tilespmem:v57+s12+$0x0], $0xffff  }
0x80: {  	v63 =	vadd.s32 $0x30AE, v0;
	v26 =	vld.idx.msk [tilespmem:v58+s12+$0x0], $0xffff  }
0x81: {  	v0 =	vadd.s32 $0x3177, v0;
	v27 =	vld.idx.msk [tilespmem:v59+s12+$0x0], $0xffff  }
0x82: {  	v28 =	vld.idx.msk [tilespmem:v60+s12+$0x0], $0xffff  }
0x83: {  	v29 =	vld.idx.msk [tilespmem:v61+s12+$0x0], $0xffff  }
0x84: {  	v30 =	vld.idx.msk [tilespmem:v62+s12+$0x0], $0xffff  }
0x85: {  	v31 =	vld.idx.msk [tilespmem:v63+s12+$0x0], $0xffff  }
0x86: {  	v0 =	vld.idx.msk [tilespmem:v0+s12+$0x0], $0xffff;
	[tilespmem:s30+$0xC000] =	vst v1  }
0x87: {  	[tilespmem:s30+$0xC080] =	vst v2  }
0x88: {  	[tilespmem:s30+$0xC100] =	vst v3  }
0x89: {  	[tilespmem:s30+$0xC180] =	vst v4  }
0x8a: {  	[tilespmem:s30+$0xC200] =	vst v5  }
0x8b: {  	[tilespmem:s30+$0xC280] =	vst v6  }
0x8c: {  	[tilespmem:s30+$0xC300] =	vst v7  }
0x8d: {  	[tilespmem:s30+$0xC380] =	vst v8  }
0x8e: {  	[tilespmem:s30+$0xD000] =	vst v9  }
0x8f: {  	[tilespmem:s30+$0xD080] =	vst v10  }
0x90: {  	[tilespmem:s30+$0xD100] =	vst v11  }
0x91: {  	[tilespmem:s30+$0xD180] =	vst v12  }
0x92: {  	[tilespmem:s30+$0xD200] =	vst v13  }
0x93: {  	[tilespmem:s30+$0xD280] =	vst v14  }
0x94: {  	[tilespmem:s30+$0xD300] =	vst v15  }
0x95: {  	[tilespmem:s30+$0xD380] =	vst v16  }
0x96: {  	[tilespmem:s30+$0xE000] =	vst v17  }
0x97: {  	[tilespmem:s30+$0xE080] =	vst v18  }
0x98: {  	[tilespmem:s30+$0xE100] =	vst v19  }
0x99: {  	[tilespmem:s30+$0xE180] =	vst v20  }
0x9a: {  	[tilespmem:s30+$0xE200] =	vst v21  }
0x9b: {  	[tilespmem:s30+$0xE280] =	vst v22  }
0x9c: {  	[tilespmem:s30+$0xE300] =	vst v23  }
0x9d: {  	[tilespmem:s30+$0xE380] =	vst v24  }
0x9e: {  	[tilespmem:s30+$0xF000] =	vst v25  }
0x9f: {  	[tilespmem:s30+$0xF080] =	vst v26  }
0xa0: {  	p1 =	sne.s32 s29, $0x1F0;
	[tilespmem:s30+$0xF100] =	vst v27  }
.Ltmp0:
0xa1: {  	[tilespmem:s30+$0xF180] =	vst v28;
	(pc) =	sbr.rel @p1 .LBB2_3-.Ltmp0, $4  }
0xa2: {  	[tilespmem:s30+$0xF200] =	vst v29  }
0xa3: {  	[tilespmem:s30+$0xF280] =	vst v30  }
0xa4: {  	[tilespmem:s30+$0xF300] =	vst v31  }
0xa5: {  	s28 =	sadd.s32 $0x80, s28;
	s29 =	sadd.s32 $0x10, s29;
	[tilespmem:s30+$0xF380] =	vst v0  }
0xa6: {  	s0 =	sshll.u32 s23, $0xD  }
0xa7: {  	s26 =	sadd.s32 s7, s0  }
0xa8: {  	s0 =	sadd.s32 s2, s26  }
0xa9: {  	[hbm4b:s0+s16] =	stream.strided.scatter [tilespmem:s18], [sflag:$0x2], $0x8000, s17, s16, $0x38;
	[tilespmem:$0x1B280] =	vst v63  }
0xaa: {  	s0 =	simm.s32 @!p0 $0x3  }
0xab: {  	_ =	swait.ge @!p0 [sflag:s0], $0x8000  }
0xac: {  	[sflag:s0] =	ssyncset.done @!p0 $0x0  }
0xad: {  	s28 =	simm.s32 $0x0;
	s29 =	simm.s32 $0x0;
	[sflag:s0] =	ssyncadd.s32 @!p0 $0xFFFF8000  }
.LBB2_5:
0xae: {  	s30 =	sand.u32 $0xC00, s28  }
0xaf: {  	s0 =	sadd.s32 s30, s24  }
0xb0: {  	s31 =	sand.u32 $0x70, s29;
	s0 =	sadd.s32 s25, s0  }
0xb1: {  	s0 =	sadd.s32 s31, s0  }
0xb2: {  	v0 =	vld [tilespmem:s0+$0x1000];
	_ =	sdelay $0x4  }
0xb3: {  	v0 =	vmax.f32 v0, $0.0e+00  }
0xb4: {  	v0 =	vmin.f32 v0, $2.000000000e+02  }
0xb5: {  	v0 =	vtrunc.f32 v0  }
0xb6: {  	v0 =	vcvt.f32.s32 v0;
	_ =	sdelay $0x1  }
0xb7: {  	v1 =	vadd.s32 $0xC9, v0  }
0xb8: {  	v2 =	vadd.s32 $0x192, v0  }
0xb9: {  	v3 =	vadd.s32 $0x25B, v0  }
0xba: {  	v4 =	vadd.s32 $0x324, v0  }
0xbb: {  	v6 =	vadd.s32 $0x3ED, v0;
	v5 =	vld.idx.msk [tilespmem:v0+s12+$0x0], $0xffff  }
0xbc: {  	v7 =	vadd.s32 $0x4B6, v0;
	v1 =	vld.idx.msk [tilespmem:v1+s12+$0x0], $0xffff  }
0xbd: {  	v8 =	vadd.s32 $0x57F, v0;
	v2 =	vld.idx.msk [tilespmem:v2+s12+$0x0], $0xffff  }
0xbe: {  	v9 =	vadd.s32 $0x648, v0;
	v3 =	vld.idx.msk [tilespmem:v3+s12+$0x0], $0xffff  }
0xbf: {  	v10 =	vadd.s32 $0x711, v0;
	v4 =	vld.idx.msk [tilespmem:v4+s12+$0x0], $0xffff  }
0xc0: {  	v11 =	vadd.s32 $0x7DA, v0;
	v6 =	vld.idx.msk [tilespmem:v6+s12+$0x0], $0xffff  }
0xc1: {  	v12 =	vadd.s32 $0x8A3, v0;
	v7 =	vld.idx.msk [tilespmem:v7+s12+$0x0], $0xffff  }
0xc2: {  	v13 =	vadd.s32 $0x96C, v0;
	v8 =	vld.idx.msk [tilespmem:v8+s12+$0x0], $0xffff  }
0xc3: {  	v14 =	vadd.s32 $0xA35, v0;
	v9 =	vld.idx.msk [tilespmem:v9+s12+$0x0], $0xffff  }
0xc4: {  	v15 =	vadd.s32 $0xAFE, v0;
	v10 =	vld.idx.msk [tilespmem:v10+s12+$0x0], $0xffff  }
0xc5: {  	v16 =	vadd.s32 $0xBC7, v0;
	v11 =	vld.idx.msk [tilespmem:v11+s12+$0x0], $0xffff  }
0xc6: {  	v17 =	vadd.s32 $0xC90, v0;
	v12 =	vld.idx.msk [tilespmem:v12+s12+$0x0], $0xffff  }
0xc7: {  	v18 =	vadd.s32 $0xD59, v0;
	v13 =	vld.idx.msk [tilespmem:v13+s12+$0x0], $0xffff  }
0xc8: {  	v19 =	vadd.s32 $0xE22, v0;
	v14 =	vld.idx.msk [tilespmem:v14+s12+$0x0], $0xffff  }
0xc9: {  	v20 =	vadd.s32 $0xEEB, v0;
	v15 =	vld.idx.msk [tilespmem:v15+s12+$0x0], $0xffff  }
0xca: {  	v21 =	vadd.s32 $0xFB4, v0;
	v16 =	vld.idx.msk [tilespmem:v16+s12+$0x0], $0xffff  }
0xcb: {  	v22 =	vadd.s32 $0x107D, v0;
	v17 =	vld.idx.msk [tilespmem:v17+s12+$0x0], $0xffff  }
0xcc: {  	v23 =	vadd.s32 $0x1146, v0;
	v18 =	vld.idx.msk [tilespmem:v18+s12+$0x0], $0xffff  }
0xcd: {  	v24 =	vadd.s32 $0x120F, v0;
	v19 =	vld.idx.msk [tilespmem:v19+s12+$0x0], $0xffff  }
0xce: {  	v25 =	vadd.s32 $0x12D8, v0;
	v20 =	vld.idx.msk [tilespmem:v20+s12+$0x0], $0xffff  }
0xcf: {  	v26 =	vadd.s32 $0x13A1, v0;
	v21 =	vld.idx.msk [tilespmem:v21+s12+$0x0], $0xffff  }
0xd0: {  	v27 =	vadd.s32 $0x146A, v0;
	v22 =	vld.idx.msk [tilespmem:v22+s12+$0x0], $0xffff  }
0xd1: {  	v28 =	vadd.s32 $0x1533, v0;
	v23 =	vld.idx.msk [tilespmem:v23+s12+$0x0], $0xffff  }
0xd2: {  	v29 =	vadd.s32 $0x15FC, v0;
	v24 =	vld.idx.msk [tilespmem:v24+s12+$0x0], $0xffff  }
0xd3: {  	v30 =	vadd.s32 $0x16C5, v0;
	v25 =	vld.idx.msk [tilespmem:v25+s12+$0x0], $0xffff  }
0xd4: {  	v31 =	vadd.s32 $0x178E, v0;
	v26 =	vld.idx.msk [tilespmem:v26+s12+$0x0], $0xffff  }
0xd5: {  	v32 =	vadd.s32 $0x1857, v0;
	v27 =	vld.idx.msk [tilespmem:v27+s12+$0x0], $0xffff  }
0xd6: {  	v28 =	vld.idx.msk [tilespmem:v28+s12+$0x0], $0xffff  }
0xd7: {  	v29 =	vld.idx.msk [tilespmem:v29+s12+$0x0], $0xffff  }
0xd8: {  	v30 =	vld.idx.msk [tilespmem:v30+s12+$0x0], $0xffff  }
0xd9: {  	s30 =	sor.u32 s31, s30;
	v31 =	vld.idx.msk [tilespmem:v31+s12+$0x0], $0xffff  }
0xda: {  	v32 =	vld.idx.msk [tilespmem:v32+s12+$0x0], $0xffff;
	[tilespmem:s30+$0x10000] =	vst v5  }
0xdb: {  	[tilespmem:s30+$0x10080] =	vst v1  }
0xdc: {  	[tilespmem:s30+$0x10100] =	vst v2  }
0xdd: {  	[tilespmem:s30+$0x10180] =	vst v3  }
0xde: {  	[tilespmem:s30+$0x10200] =	vst v4  }
0xdf: {  	s31 =	sor.u32 s28, s29;
	[tilespmem:s30+$0x10280] =	vst v6  }
0xe0: {  	s0 =	sor.u32 $0x380, s31;
	[tilespmem:s30+$0x10300] =	vst v7  }
0xe1: {  	[tilespmem:s0+$0x10000] =	vst v8  }
0xe2: {  	[tilespmem:s30+$0x11000] =	vst v9  }
0xe3: {  	[tilespmem:s30+$0x11080] =	vst v10  }
0xe4: {  	[tilespmem:s30+$0x11100] =	vst v11  }
0xe5: {  	v33 =	vadd.s32 $0x1920, v0;
	[tilespmem:s30+$0x11180] =	vst v12  }
0xe6: {  	v34 =	vadd.s32 $0x19E9, v0;
	[tilespmem:s30+$0x11200] =	vst v13  }
0xe7: {  	v35 =	vadd.s32 $0x1AB2, v0;
	[tilespmem:s30+$0x11280] =	vst v14  }
0xe8: {  	v36 =	vadd.s32 $0x1B7B, v0;
	[tilespmem:s30+$0x11300] =	vst v15  }
0xe9: {  	v37 =	vadd.s32 $0x1C44, v0;
	[tilespmem:s30+$0x11380] =	vst v16  }
0xea: {  	v38 =	vadd.s32 $0x1D0D, v0;
	v1 =	vld.idx.msk [tilespmem:v33+s12+$0x0], $0xffff  }
0xeb: {  	v39 =	vadd.s32 $0x1DD6, v0;
	v2 =	vld.idx.msk [tilespmem:v34+s12+$0x0], $0xffff  }
0xec: {  	v40 =	vadd.s32 $0x1E9F, v0;
	v3 =	vld.idx.msk [tilespmem:v35+s12+$0x0], $0xffff  }
0xed: {  	v41 =	vadd.s32 $0x1F68, v0;
	v4 =	vld.idx.msk [tilespmem:v36+s12+$0x0], $0xffff  }
0xee: {  	v42 =	vadd.s32 $0x2031, v0;
	v5 =	vld.idx.msk [tilespmem:v37+s12+$0x0], $0xffff  }
0xef: {  	v43 =	vadd.s32 $0x20FA, v0;
	v6 =	vld.idx.msk [tilespmem:v38+s12+$0x0], $0xffff  }
0xf0: {  	v44 =	vadd.s32 $0x21C3, v0;
	v7 =	vld.idx.msk [tilespmem:v39+s12+$0x0], $0xffff  }
0xf1: {  	v45 =	vadd.s32 $0x228C, v0;
	v8 =	vld.idx.msk [tilespmem:v40+s12+$0x0], $0xffff  }
0xf2: {  	v46 =	vadd.s32 $0x2355, v0;
	v9 =	vld.idx.msk [tilespmem:v41+s12+$0x0], $0xffff  }
0xf3: {  	v47 =	vadd.s32 $0x241E, v0;
	v10 =	vld.idx.msk [tilespmem:v42+s12+$0x0], $0xffff  }
0xf4: {  	v48 =	vadd.s32 $0x24E7, v0;
	v11 =	vld.idx.msk [tilespmem:v43+s12+$0x0], $0xffff  }
0xf5: {  	v12 =	vld.idx.msk [tilespmem:v44+s12+$0x0], $0xffff  }
0xf6: {  	v13 =	vld.idx.msk [tilespmem:v45+s12+$0x0], $0xffff  }
0xf7: {  	v14 =	vld.idx.msk [tilespmem:v46+s12+$0x0], $0xffff  }
0xf8: {  	v15 =	vld.idx.msk [tilespmem:v47+s12+$0x0], $0xffff  }
0xf9: {  	v16 =	vld.idx.msk [tilespmem:v48+s12+$0x0], $0xffff;
	[tilespmem:s30+$0x12000] =	vst v17  }
0xfa: {  	[tilespmem:s30+$0x12080] =	vst v18  }
0xfb: {  	[tilespmem:s30+$0x12100] =	vst v19  }
0xfc: {  	[tilespmem:s30+$0x12180] =	vst v20  }
0xfd: {  	[tilespmem:s30+$0x12200] =	vst v21  }
0xfe: {  	[tilespmem:s30+$0x12280] =	vst v22  }
0xff: {  	[tilespmem:s30+$0x12300] =	vst v23  }
0x100: {  	[tilespmem:s30+$0x12380] =	vst v24  }
0x101: {  	[tilespmem:s30+$0x13000] =	vst v25  }
0x102: {  	[tilespmem:s30+$0x13080] =	vst v26  }
0x103: {  	[tilespmem:s30+$0x13100] =	vst v27  }
0x104: {  	v49 =	vadd.s32 $0x25B0, v0;
	[tilespmem:s30+$0x13180] =	vst v28  }
0x105: {  	v50 =	vadd.s32 $0x2679, v0;
	[tilespmem:s30+$0x13200] =	vst v29  }
0x106: {  	v51 =	vadd.s32 $0x2742, v0;
	[tilespmem:s30+$0x13280] =	vst v30  }
0x107: {  	v52 =	vadd.s32 $0x280B, v0;
	[tilespmem:s30+$0x13300] =	vst v31  }
0x108: {  	v53 =	vadd.s32 $0x28D4, v0;
	[tilespmem:s30+$0x13380] =	vst v32  }
0x109: {  	v54 =	vadd.s32 $0x299D, v0;
	v17 =	vld.idx.msk [tilespmem:v49+s12+$0x0], $0xffff  }
0x10a: {  	v55 =	vadd.s32 $0x2A66, v0;
	v18 =	vld.idx.msk [tilespmem:v50+s12+$0x0], $0xffff  }
0x10b: {  	v56 =	vadd.s32 $0x2B2F, v0;
	v19 =	vld.idx.msk [tilespmem:v51+s12+$0x0], $0xffff  }
0x10c: {  	v57 =	vadd.s32 $0x2BF8, v0;
	v20 =	vld.idx.msk [tilespmem:v52+s12+$0x0], $0xffff  }
0x10d: {  	v58 =	vadd.s32 $0x2CC1, v0;
	v21 =	vld.idx.msk [tilespmem:v53+s12+$0x0], $0xffff  }
0x10e: {  	v59 =	vadd.s32 $0x2D8A, v0;
	v22 =	vld.idx.msk [tilespmem:v54+s12+$0x0], $0xffff  }
0x10f: {  	v60 =	vadd.s32 $0x2E53, v0;
	v23 =	vld.idx.msk [tilespmem:v55+s12+$0x0], $0xffff  }
0x110: {  	v61 =	vadd.s32 $0x2F1C, v0;
	v24 =	vld.idx.msk [tilespmem:v56+s12+$0x0], $0xffff  }
0x111: {  	v62 =	vadd.s32 $0x2FE5, v0;
	v25 =	vld.idx.msk [tilespmem:v57+s12+$0x0], $0xffff  }
0x112: {  	v63 =	vadd.s32 $0x30AE, v0;
	v26 =	vld.idx.msk [tilespmem:v58+s12+$0x0], $0xffff  }
0x113: {  	v0 =	vadd.s32 $0x3177, v0;
	v27 =	vld.idx.msk [tilespmem:v59+s12+$0x0], $0xffff  }
0x114: {  	v28 =	vld.idx.msk [tilespmem:v60+s12+$0x0], $0xffff  }
0x115: {  	v29 =	vld.idx.msk [tilespmem:v61+s12+$0x0], $0xffff  }
0x116: {  	v30 =	vld.idx.msk [tilespmem:v62+s12+$0x0], $0xffff  }
0x117: {  	v31 =	vld.idx.msk [tilespmem:v63+s12+$0x0], $0xffff  }
0x118: {  	v0 =	vld.idx.msk [tilespmem:v0+s12+$0x0], $0xffff;
	[tilespmem:s30+$0x14000] =	vst v1  }
0x119: {  	[tilespmem:s30+$0x14080] =	vst v2  }
0x11a: {  	[tilespmem:s30+$0x14100] =	vst v3  }
0x11b: {  	[tilespmem:s30+$0x14180] =	vst v4  }
0x11c: {  	[tilespmem:s30+$0x14200] =	vst v5  }
0x11d: {  	[tilespmem:s30+$0x14280] =	vst v6  }
0x11e: {  	[tilespmem:s30+$0x14300] =	vst v7  }
0x11f: {  	[tilespmem:s30+$0x14380] =	vst v8  }
0x120: {  	[tilespmem:s30+$0x15000] =	vst v9  }
0x121: {  	[tilespmem:s30+$0x15080] =	vst v10  }
0x122: {  	[tilespmem:s30+$0x15100] =	vst v11  }
0x123: {  	[tilespmem:s30+$0x15180] =	vst v12  }
0x124: {  	[tilespmem:s30+$0x15200] =	vst v13  }
0x125: {  	[tilespmem:s30+$0x15280] =	vst v14  }
0x126: {  	[tilespmem:s30+$0x15300] =	vst v15  }
0x127: {  	[tilespmem:s30+$0x15380] =	vst v16  }
0x128: {  	[tilespmem:s30+$0x16000] =	vst v17  }
0x129: {  	[tilespmem:s30+$0x16080] =	vst v18  }
0x12a: {  	[tilespmem:s30+$0x16100] =	vst v19  }
0x12b: {  	[tilespmem:s30+$0x16180] =	vst v20  }
0x12c: {  	[tilespmem:s30+$0x16200] =	vst v21  }
0x12d: {  	[tilespmem:s30+$0x16280] =	vst v22  }
0x12e: {  	[tilespmem:s30+$0x16300] =	vst v23  }
0x12f: {  	[tilespmem:s30+$0x16380] =	vst v24  }
0x130: {  	[tilespmem:s30+$0x17000] =	vst v25  }
0x131: {  	[tilespmem:s30+$0x17080] =	vst v26  }
0x132: {  	p0 =	sne.s32 s29, $0x1F0;
	[tilespmem:s30+$0x17100] =	vst v27  }
.Ltmp1:
0x133: {  	[tilespmem:s30+$0x17180] =	vst v28;
	(pc) =	sbr.rel @p0 .LBB2_5-.Ltmp1, $4  }
0x134: {  	[tilespmem:s30+$0x17200] =	vst v29  }
0x135: {  	[tilespmem:s30+$0x17280] =	vst v30  }
0x136: {  	[tilespmem:s30+$0x17300] =	vst v31  }
0x137: {  	s28 =	sadd.s32 $0x80, s28;
	s29 =	sadd.s32 $0x10, s29;
	[tilespmem:s30+$0x17380] =	vst v0  }
0x138: {  	s23 =	sadd.s32 $0x1, s23  }
0x139: {  	p0 =	sne.s32 s23, $0x10  }
.Ltmp2:
0x13a: {  	_ = 	snop;
	(pc) =	sbr.rel @p0 .LBB2_2-.Ltmp2, $3  }
0x13b: {  	_ =	sdelay $0x1  }
0x13c: {  	s0 =	sadd.s32 s26, s8  }
0x13d: {  	[hbm4b:s0+s16] =	stream.strided.scatter [tilespmem:s19], [sflag:$0x3], $0x8000, s17, s16, $0x38;
	[tilespmem:$0x1B280] =	vst v63  }
0x13e: {  	_ =	swait.ge [sflag:s14], $0x4000  }
0x13f: {  	[sflag:s14] =	ssyncset.done $0x0  }
0x140: {  	s23 =	simm.s32 $0x0;
	[sflag:s14] =	ssyncadd.s32 $0xFFFFC000  }
.LBB2_8:
0x141: {  	_ =	swait.ge [sflag:s20], $0x8000;
	s0 =	sshll.u32 s23, $0xA  }
0x142: {  	s24 =	sshll.u32 s23, $0x7;
	s28 =	simm.s32 $0x0;
	s0 =	sand.u32 $0x2000, s0  }
0x143: {  	[sflag:s20] =	ssyncset.done $0x0;
	s24 =	sand.u32 $0x380, s24;
	s25 =	sor.u32 $0x4000, s0  }
0x144: {  	s29 =	simm.s32 $0x0;
	[sflag:s20] =	ssyncadd.s32 $0xFFFF8000;
	s26 =	sor.u32 s24, s25  }
.LBB2_9:
0x145: {  	s30 =	sand.u32 $0xC00, s28  }
0x146: {  	s31 =	sand.u32 $0x70, s29;
	s0 =	sadd.s32 s30, s26  }
0x147: {  	s0 =	sadd.s32 s31, s0  }
0x148: {  	v0 =	vld [tilespmem:s0+$0x0];
	_ =	sdelay $0x4  }
0x149: {  	v0 =	vmax.f32 v0, $0.0e+00  }
0x14a: {  	v0 =	vmin.f32 v0, $2.000000000e+02  }
0x14b: {  	v0 =	vtrunc.f32 v0  }
0x14c: {  	v0 =	vcvt.f32.s32 v0;
	_ =	sdelay $0x1  }
0x14d: {  	v1 =	vadd.s32 $0xC9, v0  }
0x14e: {  	v2 =	vadd.s32 $0x192, v0  }
0x14f: {  	v3 =	vadd.s32 $0x25B, v0  }
0x150: {  	v4 =	vadd.s32 $0x324, v0  }
0x151: {  	v6 =	vadd.s32 $0x3ED, v0;
	v5 =	vld.idx.msk [tilespmem:v0+s12+$0x0], $0xffff  }
0x152: {  	v7 =	vadd.s32 $0x4B6, v0;
	v1 =	vld.idx.msk [tilespmem:v1+s12+$0x0], $0xffff  }
0x153: {  	v8 =	vadd.s32 $0x57F, v0;
	v2 =	vld.idx.msk [tilespmem:v2+s12+$0x0], $0xffff  }
0x154: {  	v9 =	vadd.s32 $0x648, v0;
	v3 =	vld.idx.msk [tilespmem:v3+s12+$0x0], $0xffff  }
0x155: {  	v10 =	vadd.s32 $0x711, v0;
	v4 =	vld.idx.msk [tilespmem:v4+s12+$0x0], $0xffff  }
0x156: {  	v11 =	vadd.s32 $0x7DA, v0;
	v6 =	vld.idx.msk [tilespmem:v6+s12+$0x0], $0xffff  }
0x157: {  	v12 =	vadd.s32 $0x8A3, v0;
	v7 =	vld.idx.msk [tilespmem:v7+s12+$0x0], $0xffff  }
0x158: {  	v13 =	vadd.s32 $0x96C, v0;
	v8 =	vld.idx.msk [tilespmem:v8+s12+$0x0], $0xffff  }
0x159: {  	v14 =	vadd.s32 $0xA35, v0;
	v9 =	vld.idx.msk [tilespmem:v9+s12+$0x0], $0xffff  }
0x15a: {  	v15 =	vadd.s32 $0xAFE, v0;
	v10 =	vld.idx.msk [tilespmem:v10+s12+$0x0], $0xffff  }
0x15b: {  	v16 =	vadd.s32 $0xBC7, v0;
	v11 =	vld.idx.msk [tilespmem:v11+s12+$0x0], $0xffff  }
0x15c: {  	v17 =	vadd.s32 $0xC90, v0;
	v12 =	vld.idx.msk [tilespmem:v12+s12+$0x0], $0xffff  }
0x15d: {  	v18 =	vadd.s32 $0xD59, v0;
	v13 =	vld.idx.msk [tilespmem:v13+s12+$0x0], $0xffff  }
0x15e: {  	v19 =	vadd.s32 $0xE22, v0;
	v14 =	vld.idx.msk [tilespmem:v14+s12+$0x0], $0xffff  }
0x15f: {  	v20 =	vadd.s32 $0xEEB, v0;
	v15 =	vld.idx.msk [tilespmem:v15+s12+$0x0], $0xffff  }
0x160: {  	v21 =	vadd.s32 $0xFB4, v0;
	v16 =	vld.idx.msk [tilespmem:v16+s12+$0x0], $0xffff  }
0x161: {  	v22 =	vadd.s32 $0x107D, v0;
	v17 =	vld.idx.msk [tilespmem:v17+s12+$0x0], $0xffff  }
0x162: {  	v23 =	vadd.s32 $0x1146, v0;
	v18 =	vld.idx.msk [tilespmem:v18+s12+$0x0], $0xffff  }
0x163: {  	v24 =	vadd.s32 $0x120F, v0;
	v19 =	vld.idx.msk [tilespmem:v19+s12+$0x0], $0xffff  }
0x164: {  	v25 =	vadd.s32 $0x12D8, v0;
	v20 =	vld.idx.msk [tilespmem:v20+s12+$0x0], $0xffff  }
0x165: {  	v26 =	vadd.s32 $0x13A1, v0;
	v21 =	vld.idx.msk [tilespmem:v21+s12+$0x0], $0xffff  }
0x166: {  	v27 =	vadd.s32 $0x146A, v0;
	v22 =	vld.idx.msk [tilespmem:v22+s12+$0x0], $0xffff  }
0x167: {  	v28 =	vadd.s32 $0x1533, v0;
	v23 =	vld.idx.msk [tilespmem:v23+s12+$0x0], $0xffff  }
0x168: {  	v29 =	vadd.s32 $0x15FC, v0;
	v24 =	vld.idx.msk [tilespmem:v24+s12+$0x0], $0xffff  }
0x169: {  	v30 =	vadd.s32 $0x16C5, v0;
	v25 =	vld.idx.msk [tilespmem:v25+s12+$0x0], $0xffff  }
0x16a: {  	v31 =	vadd.s32 $0x178E, v0;
	v26 =	vld.idx.msk [tilespmem:v26+s12+$0x0], $0xffff  }
0x16b: {  	v32 =	vadd.s32 $0x1857, v0;
	v27 =	vld.idx.msk [tilespmem:v27+s12+$0x0], $0xffff  }
0x16c: {  	v28 =	vld.idx.msk [tilespmem:v28+s12+$0x0], $0xffff  }
0x16d: {  	v29 =	vld.idx.msk [tilespmem:v29+s12+$0x0], $0xffff  }
0x16e: {  	v30 =	vld.idx.msk [tilespmem:v30+s12+$0x0], $0xffff  }
0x16f: {  	s30 =	sor.u32 s31, s30;
	v31 =	vld.idx.msk [tilespmem:v31+s12+$0x0], $0xffff  }
0x170: {  	v32 =	vld.idx.msk [tilespmem:v32+s12+$0x0], $0xffff;
	[tilespmem:s30+$0x8000] =	vst v5  }
0x171: {  	[tilespmem:s30+$0x8080] =	vst v1  }
0x172: {  	[tilespmem:s30+$0x8100] =	vst v2  }
0x173: {  	[tilespmem:s30+$0x8180] =	vst v3  }
0x174: {  	[tilespmem:s30+$0x8200] =	vst v4  }
0x175: {  	s31 =	sor.u32 s28, s29;
	[tilespmem:s30+$0x8280] =	vst v6  }
0x176: {  	s0 =	sor.u32 $0x380, s31;
	[tilespmem:s30+$0x8300] =	vst v7  }
0x177: {  	[tilespmem:s0+$0x8000] =	vst v8  }
0x178: {  	[tilespmem:s30+$0x9000] =	vst v9  }
0x179: {  	[tilespmem:s30+$0x9080] =	vst v10  }
0x17a: {  	[tilespmem:s30+$0x9100] =	vst v11  }
0x17b: {  	v33 =	vadd.s32 $0x1920, v0;
	[tilespmem:s30+$0x9180] =	vst v12  }
0x17c: {  	v34 =	vadd.s32 $0x19E9, v0;
	[tilespmem:s30+$0x9200] =	vst v13  }
0x17d: {  	v35 =	vadd.s32 $0x1AB2, v0;
	[tilespmem:s30+$0x9280] =	vst v14  }
0x17e: {  	v36 =	vadd.s32 $0x1B7B, v0;
	[tilespmem:s30+$0x9300] =	vst v15  }
0x17f: {  	v37 =	vadd.s32 $0x1C44, v0;
	[tilespmem:s30+$0x9380] =	vst v16  }
0x180: {  	v38 =	vadd.s32 $0x1D0D, v0;
	v1 =	vld.idx.msk [tilespmem:v33+s12+$0x0], $0xffff  }
0x181: {  	v39 =	vadd.s32 $0x1DD6, v0;
	v2 =	vld.idx.msk [tilespmem:v34+s12+$0x0], $0xffff  }
0x182: {  	v40 =	vadd.s32 $0x1E9F, v0;
	v3 =	vld.idx.msk [tilespmem:v35+s12+$0x0], $0xffff  }
0x183: {  	v41 =	vadd.s32 $0x1F68, v0;
	v4 =	vld.idx.msk [tilespmem:v36+s12+$0x0], $0xffff  }
0x184: {  	v42 =	vadd.s32 $0x2031, v0;
	v5 =	vld.idx.msk [tilespmem:v37+s12+$0x0], $0xffff  }
0x185: {  	v43 =	vadd.s32 $0x20FA, v0;
	v6 =	vld.idx.msk [tilespmem:v38+s12+$0x0], $0xffff  }
0x186: {  	v44 =	vadd.s32 $0x21C3, v0;
	v7 =	vld.idx.msk [tilespmem:v39+s12+$0x0], $0xffff  }
0x187: {  	v45 =	vadd.s32 $0x228C, v0;
	v8 =	vld.idx.msk [tilespmem:v40+s12+$0x0], $0xffff  }
0x188: {  	v46 =	vadd.s32 $0x2355, v0;
	v9 =	vld.idx.msk [tilespmem:v41+s12+$0x0], $0xffff  }
0x189: {  	v47 =	vadd.s32 $0x241E, v0;
	v10 =	vld.idx.msk [tilespmem:v42+s12+$0x0], $0xffff  }
0x18a: {  	v48 =	vadd.s32 $0x24E7, v0;
	v11 =	vld.idx.msk [tilespmem:v43+s12+$0x0], $0xffff  }
0x18b: {  	v12 =	vld.idx.msk [tilespmem:v44+s12+$0x0], $0xffff  }
0x18c: {  	v13 =	vld.idx.msk [tilespmem:v45+s12+$0x0], $0xffff  }
0x18d: {  	v14 =	vld.idx.msk [tilespmem:v46+s12+$0x0], $0xffff  }
0x18e: {  	v15 =	vld.idx.msk [tilespmem:v47+s12+$0x0], $0xffff  }
0x18f: {  	v16 =	vld.idx.msk [tilespmem:v48+s12+$0x0], $0xffff;
	[tilespmem:s30+$0xA000] =	vst v17  }
0x190: {  	[tilespmem:s30+$0xA080] =	vst v18  }
0x191: {  	[tilespmem:s30+$0xA100] =	vst v19  }
0x192: {  	[tilespmem:s30+$0xA180] =	vst v20  }
0x193: {  	[tilespmem:s30+$0xA200] =	vst v21  }
0x194: {  	[tilespmem:s30+$0xA280] =	vst v22  }
0x195: {  	[tilespmem:s30+$0xA300] =	vst v23  }
0x196: {  	[tilespmem:s30+$0xA380] =	vst v24  }
0x197: {  	[tilespmem:s30+$0xB000] =	vst v25  }
0x198: {  	[tilespmem:s30+$0xB080] =	vst v26  }
0x199: {  	[tilespmem:s30+$0xB100] =	vst v27  }
0x19a: {  	v49 =	vadd.s32 $0x25B0, v0;
	[tilespmem:s30+$0xB180] =	vst v28  }
0x19b: {  	v50 =	vadd.s32 $0x2679, v0;
	[tilespmem:s30+$0xB200] =	vst v29  }
0x19c: {  	v51 =	vadd.s32 $0x2742, v0;
	[tilespmem:s30+$0xB280] =	vst v30  }
0x19d: {  	v52 =	vadd.s32 $0x280B, v0;
	[tilespmem:s30+$0xB300] =	vst v31  }
0x19e: {  	v53 =	vadd.s32 $0x28D4, v0;
	[tilespmem:s30+$0xB380] =	vst v32  }
0x19f: {  	v54 =	vadd.s32 $0x299D, v0;
	v17 =	vld.idx.msk [tilespmem:v49+s12+$0x0], $0xffff  }
0x1a0: {  	v55 =	vadd.s32 $0x2A66, v0;
	v18 =	vld.idx.msk [tilespmem:v50+s12+$0x0], $0xffff  }
0x1a1: {  	v56 =	vadd.s32 $0x2B2F, v0;
	v19 =	vld.idx.msk [tilespmem:v51+s12+$0x0], $0xffff  }
0x1a2: {  	v57 =	vadd.s32 $0x2BF8, v0;
	v20 =	vld.idx.msk [tilespmem:v52+s12+$0x0], $0xffff  }
0x1a3: {  	v58 =	vadd.s32 $0x2CC1, v0;
	v21 =	vld.idx.msk [tilespmem:v53+s12+$0x0], $0xffff  }
0x1a4: {  	v59 =	vadd.s32 $0x2D8A, v0;
	v22 =	vld.idx.msk [tilespmem:v54+s12+$0x0], $0xffff  }
0x1a5: {  	v60 =	vadd.s32 $0x2E53, v0;
	v23 =	vld.idx.msk [tilespmem:v55+s12+$0x0], $0xffff  }
0x1a6: {  	v61 =	vadd.s32 $0x2F1C, v0;
	v24 =	vld.idx.msk [tilespmem:v56+s12+$0x0], $0xffff  }
0x1a7: {  	v62 =	vadd.s32 $0x2FE5, v0;
	v25 =	vld.idx.msk [tilespmem:v57+s12+$0x0], $0xffff  }
0x1a8: {  	v63 =	vadd.s32 $0x30AE, v0;
	v26 =	vld.idx.msk [tilespmem:v58+s12+$0x0], $0xffff  }
0x1a9: {  	v0 =	vadd.s32 $0x3177, v0;
	v27 =	vld.idx.msk [tilespmem:v59+s12+$0x0], $0xffff  }
0x1aa: {  	v28 =	vld.idx.msk [tilespmem:v60+s12+$0x0], $0xffff  }
0x1ab: {  	v29 =	vld.idx.msk [tilespmem:v61+s12+$0x0], $0xffff  }
0x1ac: {  	v30 =	vld.idx.msk [tilespmem:v62+s12+$0x0], $0xffff  }
0x1ad: {  	v31 =	vld.idx.msk [tilespmem:v63+s12+$0x0], $0xffff  }
0x1ae: {  	v0 =	vld.idx.msk [tilespmem:v0+s12+$0x0], $0xffff;
	[tilespmem:s30+$0xC000] =	vst v1  }
0x1af: {  	[tilespmem:s30+$0xC080] =	vst v2  }
0x1b0: {  	[tilespmem:s30+$0xC100] =	vst v3  }
0x1b1: {  	[tilespmem:s30+$0xC180] =	vst v4  }
0x1b2: {  	[tilespmem:s30+$0xC200] =	vst v5  }
0x1b3: {  	[tilespmem:s30+$0xC280] =	vst v6  }
0x1b4: {  	[tilespmem:s30+$0xC300] =	vst v7  }
0x1b5: {  	[tilespmem:s30+$0xC380] =	vst v8  }
0x1b6: {  	[tilespmem:s30+$0xD000] =	vst v9  }
0x1b7: {  	[tilespmem:s30+$0xD080] =	vst v10  }
0x1b8: {  	[tilespmem:s30+$0xD100] =	vst v11  }
0x1b9: {  	[tilespmem:s30+$0xD180] =	vst v12  }
0x1ba: {  	[tilespmem:s30+$0xD200] =	vst v13  }
0x1bb: {  	[tilespmem:s30+$0xD280] =	vst v14  }
0x1bc: {  	[tilespmem:s30+$0xD300] =	vst v15  }
0x1bd: {  	[tilespmem:s30+$0xD380] =	vst v16  }
0x1be: {  	[tilespmem:s30+$0xE000] =	vst v17  }
0x1bf: {  	[tilespmem:s30+$0xE080] =	vst v18  }
0x1c0: {  	[tilespmem:s30+$0xE100] =	vst v19  }
0x1c1: {  	[tilespmem:s30+$0xE180] =	vst v20  }
0x1c2: {  	[tilespmem:s30+$0xE200] =	vst v21  }
0x1c3: {  	[tilespmem:s30+$0xE280] =	vst v22  }
0x1c4: {  	[tilespmem:s30+$0xE300] =	vst v23  }
0x1c5: {  	[tilespmem:s30+$0xE380] =	vst v24  }
0x1c6: {  	[tilespmem:s30+$0xF000] =	vst v25  }
0x1c7: {  	[tilespmem:s30+$0xF080] =	vst v26  }
0x1c8: {  	p0 =	sne.s32 s29, $0x1F0;
	[tilespmem:s30+$0xF100] =	vst v27  }
.Ltmp3:
0x1c9: {  	[tilespmem:s30+$0xF180] =	vst v28;
	(pc) =	sbr.rel @p0 .LBB2_9-.Ltmp3, $4  }
0x1ca: {  	[tilespmem:s30+$0xF200] =	vst v29  }
0x1cb: {  	[tilespmem:s30+$0xF280] =	vst v30  }
0x1cc: {  	[tilespmem:s30+$0xF300] =	vst v31  }
0x1cd: {  	s28 =	sadd.s32 $0x80, s28;
	s29 =	sadd.s32 $0x10, s29;
	[tilespmem:s30+$0xF380] =	vst v0  }
0x1ce: {  	s0 =	sshll.u32 s23, $0xD  }
0x1cf: {  	s26 =	sadd.s32 s7, s0  }
0x1d0: {  	s0 =	sadd.s32 s26, s9  }
0x1d1: {  	[hbm4b:s0+s16] =	stream.strided.scatter [tilespmem:s18], [sflag:$0x2], $0x8000, s17, s16, $0x38;
	[tilespmem:$0x1B280] =	vst v63  }
0x1d2: {  	_ =	swait.ge [sflag:s21], $0x8000  }
0x1d3: {  	[sflag:s21] =	ssyncset.done $0x0  }
0x1d4: {  	s28 =	simm.s32 $0x0;
	s29 =	simm.s32 $0x0;
	[sflag:s21] =	ssyncadd.s32 $0xFFFF8000  }
.LBB2_11:
0x1d5: {  	s30 =	sand.u32 $0xC00, s28  }
0x1d6: {  	s0 =	sadd.s32 s30, s25  }
0x1d7: {  	s31 =	sand.u32 $0x70, s29;
	s0 =	sadd.s32 s24, s0  }
0x1d8: {  	s0 =	sadd.s32 s31, s0  }
0x1d9: {  	v0 =	vld [tilespmem:s0+$0x1000];
	_ =	sdelay $0x4  }
0x1da: {  	v0 =	vmax.f32 v0, $0.0e+00  }
0x1db: {  	v0 =	vmin.f32 v0, $2.000000000e+02  }
0x1dc: {  	v0 =	vtrunc.f32 v0  }
0x1dd: {  	v0 =	vcvt.f32.s32 v0;
	_ =	sdelay $0x1  }
0x1de: {  	v1 =	vadd.s32 $0xC9, v0  }
0x1df: {  	v2 =	vadd.s32 $0x192, v0  }
0x1e0: {  	v3 =	vadd.s32 $0x25B, v0  }
0x1e1: {  	v4 =	vadd.s32 $0x324, v0  }
0x1e2: {  	v6 =	vadd.s32 $0x3ED, v0;
	v5 =	vld.idx.msk [tilespmem:v0+s12+$0x0], $0xffff  }
0x1e3: {  	v7 =	vadd.s32 $0x4B6, v0;
	v1 =	vld.idx.msk [tilespmem:v1+s12+$0x0], $0xffff  }
0x1e4: {  	v8 =	vadd.s32 $0x57F, v0;
	v2 =	vld.idx.msk [tilespmem:v2+s12+$0x0], $0xffff  }
0x1e5: {  	v9 =	vadd.s32 $0x648, v0;
	v3 =	vld.idx.msk [tilespmem:v3+s12+$0x0], $0xffff  }
0x1e6: {  	v10 =	vadd.s32 $0x711, v0;
	v4 =	vld.idx.msk [tilespmem:v4+s12+$0x0], $0xffff  }
0x1e7: {  	v11 =	vadd.s32 $0x7DA, v0;
	v6 =	vld.idx.msk [tilespmem:v6+s12+$0x0], $0xffff  }
0x1e8: {  	v12 =	vadd.s32 $0x8A3, v0;
	v7 =	vld.idx.msk [tilespmem:v7+s12+$0x0], $0xffff  }
0x1e9: {  	v13 =	vadd.s32 $0x96C, v0;
	v8 =	vld.idx.msk [tilespmem:v8+s12+$0x0], $0xffff  }
0x1ea: {  	v14 =	vadd.s32 $0xA35, v0;
	v9 =	vld.idx.msk [tilespmem:v9+s12+$0x0], $0xffff  }
0x1eb: {  	v15 =	vadd.s32 $0xAFE, v0;
	v10 =	vld.idx.msk [tilespmem:v10+s12+$0x0], $0xffff  }
0x1ec: {  	v16 =	vadd.s32 $0xBC7, v0;
	v11 =	vld.idx.msk [tilespmem:v11+s12+$0x0], $0xffff  }
0x1ed: {  	v17 =	vadd.s32 $0xC90, v0;
	v12 =	vld.idx.msk [tilespmem:v12+s12+$0x0], $0xffff  }
0x1ee: {  	v18 =	vadd.s32 $0xD59, v0;
	v13 =	vld.idx.msk [tilespmem:v13+s12+$0x0], $0xffff  }
0x1ef: {  	v19 =	vadd.s32 $0xE22, v0;
	v14 =	vld.idx.msk [tilespmem:v14+s12+$0x0], $0xffff  }
0x1f0: {  	v20 =	vadd.s32 $0xEEB, v0;
	v15 =	vld.idx.msk [tilespmem:v15+s12+$0x0], $0xffff  }
0x1f1: {  	v21 =	vadd.s32 $0xFB4, v0;
	v16 =	vld.idx.msk [tilespmem:v16+s12+$0x0], $0xffff  }
0x1f2: {  	v22 =	vadd.s32 $0x107D, v0;
	v17 =	vld.idx.msk [tilespmem:v17+s12+$0x0], $0xffff  }
0x1f3: {  	v23 =	vadd.s32 $0x1146, v0;
	v18 =	vld.idx.msk [tilespmem:v18+s12+$0x0], $0xffff  }
0x1f4: {  	v24 =	vadd.s32 $0x120F, v0;
	v19 =	vld.idx.msk [tilespmem:v19+s12+$0x0], $0xffff  }
0x1f5: {  	v25 =	vadd.s32 $0x12D8, v0;
	v20 =	vld.idx.msk [tilespmem:v20+s12+$0x0], $0xffff  }
0x1f6: {  	v26 =	vadd.s32 $0x13A1, v0;
	v21 =	vld.idx.msk [tilespmem:v21+s12+$0x0], $0xffff  }
0x1f7: {  	v27 =	vadd.s32 $0x146A, v0;
	v22 =	vld.idx.msk [tilespmem:v22+s12+$0x0], $0xffff  }
0x1f8: {  	v28 =	vadd.s32 $0x1533, v0;
	v23 =	vld.idx.msk [tilespmem:v23+s12+$0x0], $0xffff  }
0x1f9: {  	v29 =	vadd.s32 $0x15FC, v0;
	v24 =	vld.idx.msk [tilespmem:v24+s12+$0x0], $0xffff  }
0x1fa: {  	v30 =	vadd.s32 $0x16C5, v0;
	v25 =	vld.idx.msk [tilespmem:v25+s12+$0x0], $0xffff  }
0x1fb: {  	v31 =	vadd.s32 $0x178E, v0;
	v26 =	vld.idx.msk [tilespmem:v26+s12+$0x0], $0xffff  }
0x1fc: {  	v32 =	vadd.s32 $0x1857, v0;
	v27 =	vld.idx.msk [tilespmem:v27+s12+$0x0], $0xffff  }
0x1fd: {  	v28 =	vld.idx.msk [tilespmem:v28+s12+$0x0], $0xffff  }
0x1fe: {  	v29 =	vld.idx.msk [tilespmem:v29+s12+$0x0], $0xffff  }
0x1ff: {  	v30 =	vld.idx.msk [tilespmem:v30+s12+$0x0], $0xffff  }
0x200: {  	s30 =	sor.u32 s31, s30;
	v31 =	vld.idx.msk [tilespmem:v31+s12+$0x0], $0xffff  }
0x201: {  	v32 =	vld.idx.msk [tilespmem:v32+s12+$0x0], $0xffff;
	[tilespmem:s30+$0x10000] =	vst v5  }
0x202: {  	[tilespmem:s30+$0x10080] =	vst v1  }
0x203: {  	[tilespmem:s30+$0x10100] =	vst v2  }
0x204: {  	[tilespmem:s30+$0x10180] =	vst v3  }
0x205: {  	[tilespmem:s30+$0x10200] =	vst v4  }
0x206: {  	s31 =	sor.u32 s28, s29;
	[tilespmem:s30+$0x10280] =	vst v6  }
0x207: {  	s0 =	sor.u32 $0x380, s31;
	[tilespmem:s30+$0x10300] =	vst v7  }
0x208: {  	[tilespmem:s0+$0x10000] =	vst v8  }
0x209: {  	[tilespmem:s30+$0x11000] =	vst v9  }
0x20a: {  	[tilespmem:s30+$0x11080] =	vst v10  }
0x20b: {  	[tilespmem:s30+$0x11100] =	vst v11  }
0x20c: {  	v33 =	vadd.s32 $0x1920, v0;
	[tilespmem:s30+$0x11180] =	vst v12  }
0x20d: {  	v34 =	vadd.s32 $0x19E9, v0;
	[tilespmem:s30+$0x11200] =	vst v13  }
0x20e: {  	v35 =	vadd.s32 $0x1AB2, v0;
	[tilespmem:s30+$0x11280] =	vst v14  }
0x20f: {  	v36 =	vadd.s32 $0x1B7B, v0;
	[tilespmem:s30+$0x11300] =	vst v15  }
0x210: {  	v37 =	vadd.s32 $0x1C44, v0;
	[tilespmem:s30+$0x11380] =	vst v16  }
0x211: {  	v38 =	vadd.s32 $0x1D0D, v0;
	v1 =	vld.idx.msk [tilespmem:v33+s12+$0x0], $0xffff  }
0x212: {  	v39 =	vadd.s32 $0x1DD6, v0;
	v2 =	vld.idx.msk [tilespmem:v34+s12+$0x0], $0xffff  }
0x213: {  	v40 =	vadd.s32 $0x1E9F, v0;
	v3 =	vld.idx.msk [tilespmem:v35+s12+$0x0], $0xffff  }
0x214: {  	v41 =	vadd.s32 $0x1F68, v0;
	v4 =	vld.idx.msk [tilespmem:v36+s12+$0x0], $0xffff  }
0x215: {  	v42 =	vadd.s32 $0x2031, v0;
	v5 =	vld.idx.msk [tilespmem:v37+s12+$0x0], $0xffff  }
0x216: {  	v43 =	vadd.s32 $0x20FA, v0;
	v6 =	vld.idx.msk [tilespmem:v38+s12+$0x0], $0xffff  }
0x217: {  	v44 =	vadd.s32 $0x21C3, v0;
	v7 =	vld.idx.msk [tilespmem:v39+s12+$0x0], $0xffff  }
0x218: {  	v45 =	vadd.s32 $0x228C, v0;
	v8 =	vld.idx.msk [tilespmem:v40+s12+$0x0], $0xffff  }
0x219: {  	v46 =	vadd.s32 $0x2355, v0;
	v9 =	vld.idx.msk [tilespmem:v41+s12+$0x0], $0xffff  }
0x21a: {  	v47 =	vadd.s32 $0x241E, v0;
	v10 =	vld.idx.msk [tilespmem:v42+s12+$0x0], $0xffff  }
0x21b: {  	v48 =	vadd.s32 $0x24E7, v0;
	v11 =	vld.idx.msk [tilespmem:v43+s12+$0x0], $0xffff  }
0x21c: {  	v12 =	vld.idx.msk [tilespmem:v44+s12+$0x0], $0xffff  }
0x21d: {  	v13 =	vld.idx.msk [tilespmem:v45+s12+$0x0], $0xffff  }
0x21e: {  	v14 =	vld.idx.msk [tilespmem:v46+s12+$0x0], $0xffff  }
0x21f: {  	v15 =	vld.idx.msk [tilespmem:v47+s12+$0x0], $0xffff  }
0x220: {  	v16 =	vld.idx.msk [tilespmem:v48+s12+$0x0], $0xffff;
	[tilespmem:s30+$0x12000] =	vst v17  }
0x221: {  	[tilespmem:s30+$0x12080] =	vst v18  }
0x222: {  	[tilespmem:s30+$0x12100] =	vst v19  }
0x223: {  	[tilespmem:s30+$0x12180] =	vst v20  }
0x224: {  	[tilespmem:s30+$0x12200] =	vst v21  }
0x225: {  	[tilespmem:s30+$0x12280] =	vst v22  }
0x226: {  	[tilespmem:s30+$0x12300] =	vst v23  }
0x227: {  	[tilespmem:s30+$0x12380] =	vst v24  }
0x228: {  	[tilespmem:s30+$0x13000] =	vst v25  }
0x229: {  	[tilespmem:s30+$0x13080] =	vst v26  }
0x22a: {  	[tilespmem:s30+$0x13100] =	vst v27  }
0x22b: {  	v49 =	vadd.s32 $0x25B0, v0;
	[tilespmem:s30+$0x13180] =	vst v28  }
0x22c: {  	v50 =	vadd.s32 $0x2679, v0;
	[tilespmem:s30+$0x13200] =	vst v29  }
0x22d: {  	v51 =	vadd.s32 $0x2742, v0;
	[tilespmem:s30+$0x13280] =	vst v30  }
0x22e: {  	v52 =	vadd.s32 $0x280B, v0;
	[tilespmem:s30+$0x13300] =	vst v31  }
0x22f: {  	v53 =	vadd.s32 $0x28D4, v0;
	[tilespmem:s30+$0x13380] =	vst v32  }
0x230: {  	v54 =	vadd.s32 $0x299D, v0;
	v17 =	vld.idx.msk [tilespmem:v49+s12+$0x0], $0xffff  }
0x231: {  	v55 =	vadd.s32 $0x2A66, v0;
	v18 =	vld.idx.msk [tilespmem:v50+s12+$0x0], $0xffff  }
0x232: {  	v56 =	vadd.s32 $0x2B2F, v0;
	v19 =	vld.idx.msk [tilespmem:v51+s12+$0x0], $0xffff  }
0x233: {  	v57 =	vadd.s32 $0x2BF8, v0;
	v20 =	vld.idx.msk [tilespmem:v52+s12+$0x0], $0xffff  }
0x234: {  	v58 =	vadd.s32 $0x2CC1, v0;
	v21 =	vld.idx.msk [tilespmem:v53+s12+$0x0], $0xffff  }
0x235: {  	v59 =	vadd.s32 $0x2D8A, v0;
	v22 =	vld.idx.msk [tilespmem:v54+s12+$0x0], $0xffff  }
0x236: {  	v60 =	vadd.s32 $0x2E53, v0;
	v23 =	vld.idx.msk [tilespmem:v55+s12+$0x0], $0xffff  }
0x237: {  	v61 =	vadd.s32 $0x2F1C, v0;
	v24 =	vld.idx.msk [tilespmem:v56+s12+$0x0], $0xffff  }
0x238: {  	v62 =	vadd.s32 $0x2FE5, v0;
	v25 =	vld.idx.msk [tilespmem:v57+s12+$0x0], $0xffff  }
0x239: {  	v63 =	vadd.s32 $0x30AE, v0;
	v26 =	vld.idx.msk [tilespmem:v58+s12+$0x0], $0xffff  }
0x23a: {  	v0 =	vadd.s32 $0x3177, v0;
	v27 =	vld.idx.msk [tilespmem:v59+s12+$0x0], $0xffff  }
0x23b: {  	v28 =	vld.idx.msk [tilespmem:v60+s12+$0x0], $0xffff  }
0x23c: {  	v29 =	vld.idx.msk [tilespmem:v61+s12+$0x0], $0xffff  }
0x23d: {  	v30 =	vld.idx.msk [tilespmem:v62+s12+$0x0], $0xffff  }
0x23e: {  	v31 =	vld.idx.msk [tilespmem:v63+s12+$0x0], $0xffff  }
0x23f: {  	v0 =	vld.idx.msk [tilespmem:v0+s12+$0x0], $0xffff;
	[tilespmem:s30+$0x14000] =	vst v1  }
0x240: {  	[tilespmem:s30+$0x14080] =	vst v2  }
0x241: {  	[tilespmem:s30+$0x14100] =	vst v3  }
0x242: {  	[tilespmem:s30+$0x14180] =	vst v4  }
0x243: {  	[tilespmem:s30+$0x14200] =	vst v5  }
0x244: {  	[tilespmem:s30+$0x14280] =	vst v6  }
0x245: {  	[tilespmem:s30+$0x14300] =	vst v7  }
0x246: {  	[tilespmem:s30+$0x14380] =	vst v8  }
0x247: {  	[tilespmem:s30+$0x15000] =	vst v9  }
0x248: {  	[tilespmem:s30+$0x15080] =	vst v10  }
0x249: {  	[tilespmem:s30+$0x15100] =	vst v11  }
0x24a: {  	[tilespmem:s30+$0x15180] =	vst v12  }
0x24b: {  	[tilespmem:s30+$0x15200] =	vst v13  }
0x24c: {  	[tilespmem:s30+$0x15280] =	vst v14  }
0x24d: {  	[tilespmem:s30+$0x15300] =	vst v15  }
0x24e: {  	[tilespmem:s30+$0x15380] =	vst v16  }
0x24f: {  	[tilespmem:s30+$0x16000] =	vst v17  }
0x250: {  	[tilespmem:s30+$0x16080] =	vst v18  }
0x251: {  	[tilespmem:s30+$0x16100] =	vst v19  }
0x252: {  	[tilespmem:s30+$0x16180] =	vst v20  }
0x253: {  	[tilespmem:s30+$0x16200] =	vst v21  }
0x254: {  	[tilespmem:s30+$0x16280] =	vst v22  }
0x255: {  	[tilespmem:s30+$0x16300] =	vst v23  }
0x256: {  	[tilespmem:s30+$0x16380] =	vst v24  }
0x257: {  	[tilespmem:s30+$0x17000] =	vst v25  }
0x258: {  	[tilespmem:s30+$0x17080] =	vst v26  }
0x259: {  	p0 =	sne.s32 s29, $0x1F0;
	[tilespmem:s30+$0x17100] =	vst v27  }
.Ltmp4:
0x25a: {  	[tilespmem:s30+$0x17180] =	vst v28;
	(pc) =	sbr.rel @p0 .LBB2_11-.Ltmp4, $4  }
0x25b: {  	[tilespmem:s30+$0x17200] =	vst v29  }
0x25c: {  	[tilespmem:s30+$0x17280] =	vst v30  }
0x25d: {  	[tilespmem:s30+$0x17300] =	vst v31  }
0x25e: {  	s28 =	sadd.s32 $0x80, s28;
	s29 =	sadd.s32 $0x10, s29;
	[tilespmem:s30+$0x17380] =	vst v0  }
0x25f: {  	s23 =	sadd.s32 $0x1, s23  }
0x260: {  	p0 =	sne.s32 s23, $0x10  }
.Ltmp5:
0x261: {  	_ = 	snop;
	(pc) =	sbr.rel @p0 .LBB2_8-.Ltmp5, $3  }
0x262: {  	_ =	sdelay $0x1  }
0x263: {  	s0 =	sadd.s32 s26, s10  }
0x264: {  	[hbm4b:s0+s16] =	stream.strided.scatter [tilespmem:s19], [sflag:$0x3], $0x8000, s17, s16, $0x38;
	[tilespmem:$0x1B280] =	vst v63  }
0x265: {  	s22 =	sadd.s32 $0x1, s22  }
0x266: {  	_ =	swait.ge [sflag:s20], $0x8000;
	p0 =	sne.s32 s22, s11  }
.Ltmp6:
0x267: {  	[sflag:s20] =	ssyncset.done $0x0;
	(pc) =	sbr.rel @p0 .LBB2_1-.Ltmp6, $4  }
0x268: {  	[sflag:s20] =	ssyncadd.s32 $0xFFFF8000  }
0x269: {  	_ =	swait.ge [sflag:s21], $0x8000  }
0x26a: {  	[sflag:s21] =	ssyncset.done $0x0  }
0x26b: {  	[sflag:s21] =	ssyncadd.s32 $0xFFFF8000  }
0x26c: {  	_ =	sfence.sel $0x180000  }
0x26d: {  	[bflag:$0x0] =	sbarrier.arrive $0xFFFF  }
0x26e: {  	_ =	strace $0x90000047  }
0x26f: {  	[bflag:$0x2] =	sbarrier.arrive $0xFFFF  }
0x270: {  	p0 =	sne.s32 s1, $0x0;
	s0 =	rddreg [dreg:$0x3]  }
0x271: {  	s0 =	sadd.s32 @!p0 $0x100000, s0  }
0x272: {  	[sflag:s0] =	ssyncadd.tile.s32 @!p0 $0x1;
	_ =	shalt  }
.Lfunc_end2:
_tile_overlayer_lowered:
.L_overlay_start_2:
0x273: {  	(tag) =	ssettag $0x2  }
0x274: {  	s0 =	rddreg [dreg:$0x0];
	s2 =	stileid.u32  }
0x275: {  	s1 =	rddreg [dreg:$0x1];
	p0 =	sne.s32 s2, $0x0  }
0x276: {  	s3 =	rddreg [dreg:$0x2];
	[bflag:$0x3] =	sbarrier.arrive $0xFFFF;
	s2 =	simm.s32 @!p0 $0x1C04  }
0x277: {  	[timem:s3], [sflag:s2] =	dma.local @!p0 [hbm:s0], s1  }
0x278: {  	s0 =	simm.s32 @!p0 $0x4  }
0x279: {  	_ =	swait.ge @!p0 [sflag:s0], s1  }
0x27a: {  	s1 =	ssub.s32 @!p0 $0x0, s1;
	[sflag:s0] =	ssyncset.done @!p0 $0x0  }
0x27b: {  	[sflag:s0] =	ssyncadd.s32 @!p0 s1  }
0x27c: {  	[bflag:$0x3] =	sbarrier.arrive $0xFFFF  }
0x27d: {  	_ =	shalt  }

</sc_bundles>
